<compile_context>
chip_gen: v7x
topology: tpu7x:2x2x1
jax: 0.10.2.dev20260603
libtpu: 0.0.44.dev20260713+nightly
codegen_flags: <defaults>
</compile_context>

<pallas_src>
import dataclasses

import jax
import jax.numpy as jnp
from jax import lax
from jax.experimental import pallas as pl
from jax.experimental.pallas import tpu as pltpu
from jax.experimental.pallas import tpu_sc as plsc

_B = 128
_N = 32768
_K = 200
_W = 256
_INT_MIN = -2147483648

_NC = 2
_NS = 16
_NW = _NC * _NS
_RPW = _B // _NW

_R1 = 16
_C = 16


def _key_i32(x):
    s = lax.bitcast_convert_type(x, jnp.int32)
    return s ^ (lax.shift_right_arithmetic(s, 31) & jnp.int32(0x7FFFFFFF))



def _thresh_body(x_ref, vk_ref, keys_ref):
    keys = _key_i32(x_ref[...])
    keys_ref[...] = keys
    k = jnp.int32(_K)
    cnt0 = jnp.sum((keys >= 0).astype(jnp.int32), axis=1, keepdims=True)
    p0 = jnp.where(cnt0 >= k, jnp.int32(0), jnp.int32(_INT_MIN))

    def body(i, p):
        shift = lax.shift_left(jnp.int32(1), jnp.int32(30) - i)
        c = p + shift
        cnt = jnp.sum((keys_ref[...] >= c).astype(jnp.int32), axis=1,
                      keepdims=True)
        return jnp.where(cnt >= k, c, p)

    vk_ref[...] = lax.fori_loop(0, 15, body, p0)


def _thresholds(scores):
    rows = scores.shape[0]
    grid = rows // _R1
    return pl.pallas_call(
        _thresh_body,
        grid=(grid,),
        in_specs=[pl.BlockSpec((_R1, _N), lambda i: (i, 0))],
        out_specs=[pl.BlockSpec((_R1, 1), lambda i: (i, 0))],
        out_shape=[jax.ShapeDtypeStruct((rows, 1), jnp.int32)],
        scratch_shapes=[pltpu.VMEM((_R1, _N), jnp.int32)],
    )(scores)



def _compact_body(scores_hbm, vk_hbm, outk_hbm, outi_hbm,
                  buf0, buf1, vk_v, outk_v, outi_v, semf0, semf1):
    rpw = scores_hbm.shape[0] // _NW
    cid = lax.axis_index("c")
    sid = lax.axis_index("s")
    wid = sid * _NC + cid
    r0 = wid * rpw

    pltpu.sync_copy(vk_hbm, vk_v)

    bufs = (buf0, buf1)
    semfs = (semf0, semf1)
    iota = lax.iota(jnp.int32, _C)
    zeros = jnp.zeros((_C,), jnp.int32)
    int_min = jnp.full((_C,), _INT_MIN, jnp.int32)

    fh = [pltpu.async_copy(scores_hbm.at[r0], buf0, semf0), None]
    for j in range(rpw):
        buf = bufs[j % 2]
        fh[j % 2].wait()
        if j + 1 < rpw:
            fh[(j + 1) % 2] = pltpu.async_copy(
                scores_hbm.at[r0 + j + 1], bufs[(j + 1) % 2],
                semfs[(j + 1) % 2])
        rr = r0 + j
        vk_sp = plsc.load_gather(vk_v, [zeros + rr])

        for ci in range(_W // _C):
            outk_v[pl.ds(ci * _C, _C)] = int_min

        def chunk(ci, off_sp, buf=buf, vk_sp=vk_sp):
            x = buf[pl.ds(ci * _C, _C)]
            key = _key_i32(x)
            ge = key >= vk_sp
            ge_i = jnp.where(ge, jnp.int32(1), jnp.int32(0))
            pos = jnp.minimum(off_sp + plsc.cumsum(ge_i) - 1,
                              jnp.int32(_W - 1))
            plsc.store_scatter(outi_v, [pos], iota + ci * _C, mask=ge)
            plsc.store_scatter(outk_v, [pos], key, mask=ge)
            return off_sp + plsc.all_reduce_population_count(ge)

        lax.fori_loop(0, _N // _C, chunk, zeros, unroll=4)
        pltpu.sync_copy(outk_v, outk_hbm.at[rr])
        pltpu.sync_copy(outi_v, outi_hbm.at[rr])


def _compact(scores, vk):
    mesh = plsc.VectorSubcoreMesh(core_axis_name="c", subcore_axis_name="s")
    cp = pltpu.CompilerParams()
    if "needs_layout_passes" in pltpu.CompilerParams.__dataclass_fields__:
        cp = dataclasses.replace(cp, needs_layout_passes=False)
    rows = scores.shape[0]
    fn = pl.kernel(
        _compact_body,
        mesh=mesh,
        compiler_params=cp,
        out_type=[jax.ShapeDtypeStruct((rows, _W), jnp.int32),
                  jax.ShapeDtypeStruct((rows, _W), jnp.int32)],
        scratch_types=[
            pltpu.VMEM((_N,), jnp.float32),
            pltpu.VMEM((_N,), jnp.float32),
            pltpu.VMEM((rows,), jnp.int32),
            pltpu.VMEM((_W,), jnp.int32),
            pltpu.VMEM((_W,), jnp.int32),
            pltpu.SemaphoreType.DMA,
            pltpu.SemaphoreType.DMA,
        ],
    )
    return fn(scores, vk)



def _roll(x, s):
    s %= x.shape[1]
    if s == 0:
        return x
    return jnp.concatenate([x[:, -s:], x[:, :-s]], axis=1)


def _sort_body(k_ref, i_ref, oi_ref, ob_ref):
    keys = k_ref[...]
    idx = i_ref[...]
    rows = keys.shape[0]
    col = lax.broadcasted_iota(jnp.int32, (rows, _W), 1)

    size = 2
    while size <= _W:
        j = size // 2
        while j >= 1:
            bitj = (col & j) != 0
            pk = jnp.where(bitj, _roll(keys, j), _roll(keys, -j))
            pi = jnp.where(bitj, _roll(idx, j), _roll(idx, -j))
            take_larger = ((col & size) == 0) ^ bitj
            mine_larger = (keys > pk) | ((keys == pk) & (idx < pi))
            choose_mine = take_larger == mine_larger
            keys = jnp.where(choose_mine, keys, pk)
            idx = jnp.where(choose_mine, idx, pi)
            j //= 2
        size *= 2

    oi_ref[...] = idx[:, :_K]
    ob_ref[...] = jnp.ones((rows, _K), jnp.float32)


def _sort_emit(ck, ci):
    rows = ck.shape[0]
    return pl.pallas_call(
        _sort_body,
        out_shape=[jax.ShapeDtypeStruct((rows, _K), jnp.int32),
                   jax.ShapeDtypeStruct((rows, _K), jnp.float32)],
    )(ck, ci)



def kernel(balanced_scores, positions):
    del positions
    halves = []
    hb = _B // 2
    for h in range(2):
        s = lax.slice_in_dim(balanced_scores, h * hb, (h + 1) * hb, axis=0)
        vk = _thresholds(s)[0]
        ck, ci = _compact(s, vk.reshape(hb))
        halves.append(_sort_emit(ck, ci))
    top_indices = jnp.concatenate([halves[0][0], halves[1][0]], axis=0)
    token_budgets = jnp.concatenate([halves[0][1], halves[1][1]], axis=0)
    return (top_indices, token_budgets)

# --- scband reference (transcript-rebuilt; emitter-appended) ---
"""Pipeline reference for scband-token-allocator-69483980915402 (READ-ONLY COPY).

The authoritative reference and input builder live on the scoring server;
editing this copy changes nothing except your own understanding.
"""

import jax, jax.numpy as jnp
import numpy as np

K = 200

def setup_inputs(seed: int = 0) -> dict:
    key = jax.random.key(seed)
    k1, k2 = jax.random.split(key)
    balanced_scores = jax.random.normal(k1, (128, 32768), dtype=jnp.float32)
    positions = jax.random.uniform(k2, (128, 32768, 2), dtype=jnp.float32)
    return {"balanced_scores": balanced_scores, "positions": positions}

def reference(balanced_scores, positions):
    B, N = balanced_scores.shape
    k = min(K, N)
    top_scores, top_indices = jax.lax.top_k(balanced_scores, k)
    token_budgets = jnp.ones_like(top_indices, dtype=jnp.float32)
    return (top_indices, token_budgets)

if __name__ == "__main__":
    import jax
    _d = setup_inputs()
    print(jax.jit(kernel)(*tuple(_d.values())))

</pallas_src>

<mosaic_0001>
#map = affine_map<(d0, d1) -> (0, 0)>
#map1 = affine_map<(d0, d1) -> (0)>
module attributes {stable_mosaic.version = 14 : i64} {
  func.func @_compact_body(%arg0: i32, %arg1: i32, %arg2: memref<64x32768xf32, #tpu.memory_space<hbm>>, %arg3: memref<64xi32, #tpu.memory_space<hbm>>, %arg4: memref<64x256xi32, #tpu.memory_space<hbm>>, %arg5: memref<64x256xi32, #tpu.memory_space<hbm>>, %arg6: memref<32768xf32, #tpu.memory_space<vmem>>, %arg7: memref<32768xf32, #tpu.memory_space<vmem>>, %arg8: memref<64xi32, #tpu.memory_space<vmem>>, %arg9: memref<256xi32, #tpu.memory_space<vmem>>, %arg10: memref<256xi32, #tpu.memory_space<vmem>>, %arg11: memref<!tpu.dma_semaphore, #tpu.memory_space<semaphore_mem>>, %arg12: memref<!tpu.dma_semaphore, #tpu.memory_space<semaphore_mem>>) attributes {dimension_semantics = [#tpu.dimension_semantics<core_parallel>, #tpu.dimension_semantics<subcore_parallel>], iteration_bounds = array<i64: 2, 16>, scalar_prefetch = 0 : i64, scratch_operands = 7 : i64, tpu.core_type = #tpu.core_type<sc_vector_subcore>, window_params = [{transform_indices = #map}, {transform_indices = #map1}, {transform_indices = #map}, {transform_indices = #map}]} {
    %mul3A = arith.constant 2 : i32
    %mul3A_0 = arith.muli %arg1, %mul3A : i32
    %add3A = arith.addi %mul3A_0, %arg0 : i32
    %mul3A_1 = arith.constant 2 : i32
    %mul3A_2 = arith.muli %add3A, %mul3A_1 : i32
    "tpu.region"() ({
      %run_scoped3A = tpu.sem_alloc : memref<!tpu.dma_semaphore, #tpu.memory_space<semaphore_mem>>
      tpu.enqueue_dma source(%arg3 : memref<64xi32, #tpu.memory_space<hbm>>) target(%arg8 : memref<64xi32, #tpu.memory_space<vmem>>) target_semaphore(%run_scoped3A : memref<!tpu.dma_semaphore, #tpu.memory_space<semaphore_mem>>)
      tpu.wait_dma2 semaphore(%run_scoped3A : memref<!tpu.dma_semaphore, #tpu.memory_space<semaphore_mem>>) src(%arg3 : memref<64xi32, #tpu.memory_space<hbm>>) dst(%arg8 : memref<64xi32, #tpu.memory_space<vmem>>)
      tpu.yield
    }) : () -> ()
    %iota3A = tpu.iota {dimensions = array<i32: 0>} : vector<16xi32>
    %broadcast_in_dim3A = arith.constant 0 : i32
    %broadcast_in_dim3A_3 = vector.broadcast %broadcast_in_dim3A : i32 to vector<16xi32>
    %broadcast_in_dim3A_4 = arith.constant -2147483648 : i32
    %broadcast_in_dim3A_5 = vector.broadcast %broadcast_in_dim3A_4 : i32 to vector<16xi32>
    %dma_start3A = arith.constant 0 : i32
    %dma_start3A_6 = tpu.memref_slice %arg2[%mul3A_2, %dma_start3A] : memref<64x32768xf32, #tpu.memory_space<hbm>> -> memref<1x32768xf32, #tpu.memory_space<hbm>>
    %dma_start3A_7 = tpu.memref_squeeze %dma_start3A_6 : memref<1x32768xf32, #tpu.memory_space<hbm>> -> memref<32768xf32, #tpu.memory_space<hbm>>
    %dma_start3A_8 = arith.constant 0 : i32
    %dma_start3A_9 = tpu.memref_slice %arg2[%mul3A_2, %dma_start3A_8] : memref<64x32768xf32, #tpu.memory_space<hbm>> -> memref<1x32768xf32, #tpu.memory_space<hbm>>
    %dma_start3A_10 = tpu.memref_squeeze %dma_start3A_9 : memref<1x32768xf32, #tpu.memory_space<hbm>> -> memref<32768xf32, #tpu.memory_space<hbm>>
    tpu.enqueue_dma source(%dma_start3A_10 : memref<32768xf32, #tpu.memory_space<hbm>>) target(%arg6 : memref<32768xf32, #tpu.memory_space<vmem>>) target_semaphore(%arg11 : memref<!tpu.dma_semaphore, #tpu.memory_space<semaphore_mem>>)
    %dma_wait3A = arith.constant 0 : i32
    %dma_wait3A_11 = tpu.memref_slice %arg2[%mul3A_2, %dma_wait3A] : memref<64x32768xf32, #tpu.memory_space<hbm>> -> memref<1x32768xf32, #tpu.memory_space<hbm>>
    %dma_wait3A_12 = tpu.memref_squeeze %dma_wait3A_11 : memref<1x32768xf32, #tpu.memory_space<hbm>> -> memref<32768xf32, #tpu.memory_space<hbm>>
    %dma_wait3A_13 = arith.constant 0 : i32
    %dma_wait3A_14 = tpu.memref_slice %arg2[%mul3A_2, %dma_wait3A_13] : memref<64x32768xf32, #tpu.memory_space<hbm>> -> memref<1x32768xf32, #tpu.memory_space<hbm>>
    %dma_wait3A_15 = tpu.memref_squeeze %dma_wait3A_14 : memref<1x32768xf32, #tpu.memory_space<hbm>> -> memref<32768xf32, #tpu.memory_space<hbm>>
    tpu.wait_dma2 semaphore(%arg11 : memref<!tpu.dma_semaphore, #tpu.memory_space<semaphore_mem>>) src(%dma_wait3A_15 : memref<32768xf32, #tpu.memory_space<hbm>>) dst(%arg6 : memref<32768xf32, #tpu.memory_space<vmem>>)
    %add3A_16 = arith.constant 0 : i32
    %add3A_17 = arith.addi %mul3A_2, %add3A_16 : i32
    %add3A_18 = arith.constant 1 : i32
    %add3A_19 = arith.addi %add3A_17, %add3A_18 : i32
    %dma_start3A_20 = arith.constant 0 : i32
    %dma_start3A_21 = tpu.memref_slice %arg2[%add3A_19, %dma_start3A_20] : memref<64x32768xf32, #tpu.memory_space<hbm>> -> memref<1x32768xf32, #tpu.memory_space<hbm>>
    %dma_start3A_22 = tpu.memref_squeeze %dma_start3A_21 : memref<1x32768xf32, #tpu.memory_space<hbm>> -> memref<32768xf32, #tpu.memory_space<hbm>>
    %dma_start3A_23 = arith.constant 0 : i32
    %dma_start3A_24 = tpu.memref_slice %arg2[%add3A_19, %dma_start3A_23] : memref<64x32768xf32, #tpu.memory_space<hbm>> -> memref<1x32768xf32, #tpu.memory_space<hbm>>
    %dma_start3A_25 = tpu.memref_squeeze %dma_start3A_24 : memref<1x32768xf32, #tpu.memory_space<hbm>> -> memref<32768xf32, #tpu.memory_space<hbm>>
    tpu.enqueue_dma source(%dma_start3A_25 : memref<32768xf32, #tpu.memory_space<hbm>>) target(%arg7 : memref<32768xf32, #tpu.memory_space<vmem>>) target_semaphore(%arg12 : memref<!tpu.dma_semaphore, #tpu.memory_space<semaphore_mem>>)
    %add3A_26 = arith.constant 0 : i32
    %add3A_27 = arith.addi %mul3A_2, %add3A_26 : i32
    %add3A_28 = vector.broadcast %add3A_27 : i32 to vector<16xi32>
    %add3A_29 = arith.addi %broadcast_in_dim3A_3, %add3A_28 : vector<16xi32>
    %gather3A = tpu.vector_load_idx %arg8[%add3A_29] : memref<64xi32, #tpu.memory_space<vmem>>[vector<16xi32>], vector<16xi32>,
    %swap3A = arith.constant 0 : index
    %swap3A_30 = tpu.vector_load %arg9[%swap3A] {strides = array<i32>} : memref<256xi32, #tpu.memory_space<vmem>>, vector<16xi32>,
    tpu.vector_store %arg9[%swap3A], %broadcast_in_dim3A_5 {strides = array<i32>} : memref<256xi32, #tpu.memory_space<vmem>>, vector<16xi32>,
    %swap3A_31 = arith.constant 16 : index
    %swap3A_32 = tpu.vector_load %arg9[%swap3A_31] {strides = array<i32>} : memref<256xi32, #tpu.memory_space<vmem>>, vector<16xi32>,
    tpu.vector_store %arg9[%swap3A_31], %broadcast_in_dim3A_5 {strides = array<i32>} : memref<256xi32, #tpu.memory_space<vmem>>, vector<16xi32>,
    %swap3A_33 = arith.constant 32 : index
    %swap3A_34 = tpu.vector_load %arg9[%swap3A_33] {strides = array<i32>} : memref<256xi32, #tpu.memory_space<vmem>>, vector<16xi32>,
    tpu.vector_store %arg9[%swap3A_33], %broadcast_in_dim3A_5 {strides = array<i32>} : memref<256xi32, #tpu.memory_space<vmem>>, vector<16xi32>,
    %swap3A_35 = arith.constant 48 : index
    %swap3A_36 = tpu.vector_load %arg9[%swap3A_35] {strides = array<i32>} : memref<256xi32, #tpu.memory_space<vmem>>, vector<16xi32>,
    tpu.vector_store %arg9[%swap3A_35], %broadcast_in_dim3A_5 {strides = array<i32>} : memref<256xi32, #tpu.memory_space<vmem>>, vector<16xi32>,
    %swap3A_37 = arith.constant 64 : index
    %swap3A_38 = tpu.vector_load %arg9[%swap3A_37] {strides = array<i32>} : memref<256xi32, #tpu.memory_space<vmem>>, vector<16xi32>,
    tpu.vector_store %arg9[%swap3A_37], %broadcast_in_dim3A_5 {strides = array<i32>} : memref<256xi32, #tpu.memory_space<vmem>>, vector<16xi32>,
    %swap3A_39 = arith.constant 80 : index
    %swap3A_40 = tpu.vector_load %arg9[%swap3A_39] {strides = array<i32>} : memref<256xi32, #tpu.memory_space<vmem>>, vector<16xi32>,
    tpu.vector_store %arg9[%swap3A_39], %broadcast_in_dim3A_5 {strides = array<i32>} : memref<256xi32, #tpu.memory_space<vmem>>, vector<16xi32>,
    %swap3A_41 = arith.constant 96 : index
    %swap3A_42 = tpu.vector_load %arg9[%swap3A_41] {strides = array<i32>} : memref<256xi32, #tpu.memory_space<vmem>>, vector<16xi32>,
    tpu.vector_store %arg9[%swap3A_41], %broadcast_in_dim3A_5 {strides = array<i32>} : memref<256xi32, #tpu.memory_space<vmem>>, vector<16xi32>,
    %swap3A_43 = arith.constant 112 : index
    %swap3A_44 = tpu.vector_load %arg9[%swap3A_43] {strides = array<i32>} : memref<256xi32, #tpu.memory_space<vmem>>, vector<16xi32>,
    tpu.vector_store %arg9[%swap3A_43], %broadcast_in_dim3A_5 {strides = array<i32>} : memref<256xi32, #tpu.memory_space<vmem>>, vector<16xi32>,
    %swap3A_45 = arith.constant 128 : index
    %swap3A_46 = tpu.vector_load %arg9[%swap3A_45] {strides = array<i32>} : memref<256xi32, #tpu.memory_space<vmem>>, vector<16xi32>,
    tpu.vector_store %arg9[%swap3A_45], %broadcast_in_dim3A_5 {strides = array<i32>} : memref<256xi32, #tpu.memory_space<vmem>>, vector<16xi32>,
    %swap3A_47 = arith.constant 144 : index
    %swap3A_48 = tpu.vector_load %arg9[%swap3A_47] {strides = array<i32>} : memref<256xi32, #tpu.memory_space<vmem>>, vector<16xi32>,
    tpu.vector_store %arg9[%swap3A_47], %broadcast_in_dim3A_5 {strides = array<i32>} : memref<256xi32, #tpu.memory_space<vmem>>, vector<16xi32>,
    %swap3A_49 = arith.constant 160 : index
    %swap3A_50 = tpu.vector_load %arg9[%swap3A_49] {strides = array<i32>} : memref<256xi32, #tpu.memory_space<vmem>>, vector<16xi32>,
    tpu.vector_store %arg9[%swap3A_49], %broadcast_in_dim3A_5 {strides = array<i32>} : memref<256xi32, #tpu.memory_space<vmem>>, vector<16xi32>,
    %swap3A_51 = arith.constant 176 : index
    %swap3A_52 = tpu.vector_load %arg9[%swap3A_51] {strides = array<i32>} : memref<256xi32, #tpu.memory_space<vmem>>, vector<16xi32>,
    tpu.vector_store %arg9[%swap3A_51], %broadcast_in_dim3A_5 {strides = array<i32>} : memref<256xi32, #tpu.memory_space<vmem>>, vector<16xi32>,
    %swap3A_53 = arith.constant 192 : index
    %swap3A_54 = tpu.vector_load %arg9[%swap3A_53] {strides = array<i32>} : memref<256xi32, #tpu.memory_space<vmem>>, vector<16xi32>,
    tpu.vector_store %arg9[%swap3A_53], %broadcast_in_dim3A_5 {strides = array<i32>} : memref<256xi32, #tpu.memory_space<vmem>>, vector<16xi32>,
    %swap3A_55 = arith.constant 208 : index
    %swap3A_56 = tpu.vector_load %arg9[%swap3A_55] {strides = array<i32>} : memref<256xi32, #tpu.memory_space<vmem>>, vector<16xi32>,
    tpu.vector_store %arg9[%swap3A_55], %broadcast_in_dim3A_5 {strides = array<i32>} : memref<256xi32, #tpu.memory_space<vmem>>, vector<16xi32>,
    %swap3A_57 = arith.constant 224 : index
    %swap3A_58 = tpu.vector_load %arg9[%swap3A_57] {strides = array<i32>} : memref<256xi32, #tpu.memory_space<vmem>>, vector<16xi32>,
    tpu.vector_store %arg9[%swap3A_57], %broadcast_in_dim3A_5 {strides = array<i32>} : memref<256xi32, #tpu.memory_space<vmem>>, vector<16xi32>,
    %swap3A_59 = arith.constant 240 : index
    %swap3A_60 = tpu.vector_load %arg9[%swap3A_59] {strides = array<i32>} : memref<256xi32, #tpu.memory_space<vmem>>, vector<16xi32>,
    tpu.vector_store %arg9[%swap3A_59], %broadcast_in_dim3A_5 {strides = array<i32>} : memref<256xi32, #tpu.memory_space<vmem>>, vector<16xi32>,
    %scan3A = arith.constant 0 : i32
    %scan3A_61 = arith.constant 2048 : i32
    %scan3A_62 = arith.addi %scan3A, %scan3A_61 : i32
    %scan3A_63 = arith.constant 4 : i32
    %scan3A_64 = scf.for %scan3A_115 = %scan3A to %scan3A_62 step %scan3A_63 iter_args(%scan3A_116 = %broadcast_in_dim3A_3) -> (vector<16xi32>)  : i32 {
      %mul3A_117 = arith.constant 16 : i32
      %mul3A_118 = arith.muli %scan3A_115, %mul3A_117 : i32
      %get3A = arith.index_cast %mul3A_118 : i32 to index
      %get3A_119 = tpu.vector_load %arg6[%get3A] {strides = array<i32>} : memref<32768xf32, #tpu.memory_space<vmem>>, vector<16xf32>,
      %bitcast_convert_type3A = tpu.bitcast %get3A_119 : vector<16xf32> -> vector<16xi32>
      %shift_right_arithmetic3A = arith.constant 31 : i32
      %shift_right_arithmetic3A_120 = vector.broadcast %shift_right_arithmetic3A : i32 to vector<16xi32>
      %shift_right_arithmetic3A_121 = arith.shrsi %bitcast_convert_type3A, %shift_right_arithmetic3A_120 : vector<16xi32>
      %and3A = arith.constant 2147483647 : i32
      %and3A_122 = vector.broadcast %and3A : i32 to vector<16xi32>
      %and3A_123 = arith.andi %shift_right_arithmetic3A_121, %and3A_122 : vector<16xi32>
      %xor3A = arith.xori %bitcast_convert_type3A, %and3A_123 : vector<16xi32>
      %ge3A = arith.cmpi sge, %xor3A, %gather3A : vector<16xi32>
      %jit3A = arith.constant 1 : i32
      %jit3A_124 = arith.constant 0 : i32
      %broadcast_in_dim3A_125 = vector.broadcast %jit3A : i32 to vector<16xi32>
      %broadcast_in_dim3A_126 = vector.broadcast %jit3A_124 : i32 to vector<16xi32>
      %select_n3A = arith.select %ge3A, %broadcast_in_dim3A_125, %broadcast_in_dim3A_126 : vector<16xi1>, vector<16xi32>
      %broadcast_in_dim3A_127 = arith.constant true
      %broadcast_in_dim3A_128 = vector.broadcast %broadcast_in_dim3A_127 : i1 to vector<16xi1>
      %masked_cumsum3A = tpu.scan <sum>, %select_n3A masked %broadcast_in_dim3A_128 : vector<16xi32>, vector<16xi1> -> vector<16xi32>
      %add3A_129 = arith.addi %scan3A_116, %masked_cumsum3A : vector<16xi32>
      %sub3A = arith.constant 1 : i32
      %sub3A_130 = vector.broadcast %sub3A : i32 to vector<16xi32>
      %sub3A_131 = arith.subi %add3A_129, %sub3A_130 : vector<16xi32>
      %min3A = arith.constant 255 : i32
      %min3A_132 = vector.broadcast %min3A : i32 to vector<16xi32>
      %min3A_133 = arith.minsi %sub3A_131, %min3A_132 : vector<16xi32>
      %mul3A_134 = arith.constant 16 : i32
      %mul3A_135 = arith.muli %scan3A_115, %mul3A_134 : i32
      %add3A_136 = vector.broadcast %mul3A_135 : i32 to vector<16xi32>
      %add3A_137 = arith.addi %iota3A, %add3A_136 : vector<16xi32>
      tpu.vector_store_idx %arg10[%min3A_133], %add3A_137 masked %ge3A : memref<256xi32, #tpu.memory_space<vmem>>[vector<16xi32>], vector<16xi32>, vector<16xi1>
      tpu.vector_store_idx %arg9[%min3A_133], %xor3A masked %ge3A : memref<256xi32, #tpu.memory_space<vmem>>[vector<16xi32>], vector<16xi32>, vector<16xi1>
      %all_reduce_population_count3A = tpu.all_reduce %ge3A {dim = 0 : i64, kind = #tpu.reduction_kind<sum>} : vector<16xi1> -> vector<16xi32>
      %add3A_138 = arith.addi %scan3A_116, %all_reduce_population_count3A : vector<16xi32>
      %scan3A_139 = arith.constant 1 : i32
      %scan3A_140 = arith.addi %scan3A_115, %scan3A_139 : i32
      %mul3A_141 = arith.constant 16 : i32
      %mul3A_142 = arith.muli %scan3A_140, %mul3A_141 : i32
      %get3A_143 = arith.index_cast %mul3A_142 : i32 to index
      %get3A_144 = tpu.vector_load %arg6[%get3A_143] {strides = array<i32>} : memref<32768xf32, #tpu.memory_space<vmem>>, vector<16xf32>,
      %bitcast_convert_type3A_145 = tpu.bitcast %get3A_144 : vector<16xf32> -> vector<16xi32>
      %shift_right_arithmetic3A_146 = arith.constant 31 : i32
      %shift_right_arithmetic3A_147 = vector.broadcast %shift_right_arithmetic3A_146 : i32 to vector<16xi32>
      %shift_right_arithmetic3A_148 = arith.shrsi %bitcast_convert_type3A_145, %shift_right_arithmetic3A_147 : vector<16xi32>
      %and3A_149 = arith.constant 2147483647 : i32
      %and3A_150 = vector.broadcast %and3A_149 : i32 to vector<16xi32>
      %and3A_151 = arith.andi %shift_right_arithmetic3A_148, %and3A_150 : vector<16xi32>
      %xor3A_152 = arith.xori %bitcast_convert_type3A_145, %and3A_151 : vector<16xi32>
      %ge3A_153 = arith.cmpi sge, %xor3A_152, %gather3A : vector<16xi32>
      %jit3A_154 = arith.constant 1 : i32
      %jit3A_155 = arith.constant 0 : i32
      %broadcast_in_dim3A_156 = vector.broadcast %jit3A_154 : i32 to vector<16xi32>
      %broadcast_in_dim3A_157 = vector.broadcast %jit3A_155 : i32 to vector<16xi32>
      %select_n3A_158 = arith.select %ge3A_153, %broadcast_in_dim3A_156, %broadcast_in_dim3A_157 : vector<16xi1>, vector<16xi32>
      %broadcast_in_dim3A_159 = arith.constant true
      %broadcast_in_dim3A_160 = vector.broadcast %broadcast_in_dim3A_159 : i1 to vector<16xi1>
      %masked_cumsum3A_161 = tpu.scan <sum>, %select_n3A_158 masked %broadcast_in_dim3A_160 : vector<16xi32>, vector<16xi1> -> vector<16xi32>
      %add3A_162 = arith.addi %add3A_138, %masked_cumsum3A_161 : vector<16xi32>
      %sub3A_163 = arith.constant 1 : i32
      %sub3A_164 = vector.broadcast %sub3A_163 : i32 to vector<16xi32>
      %sub3A_165 = arith.subi %add3A_162, %sub3A_164 : vector<16xi32>
      %min3A_166 = arith.constant 255 : i32
      %min3A_167 = vector.broadcast %min3A_166 : i32 to vector<16xi32>
      %min3A_168 = arith.minsi %sub3A_165, %min3A_167 : vector<16xi32>
      %mul3A_169 = arith.constant 16 : i32
      %mul3A_170 = arith.muli %scan3A_140, %mul3A_169 : i32
      %add3A_171 = vector.broadcast %mul3A_170 : i32 to vector<16xi32>
      %add3A_172 = arith.addi %iota3A, %add3A_171 : vector<16xi32>
      tpu.vector_store_idx %arg10[%min3A_168], %add3A_172 masked %ge3A_153 : memref<256xi32, #tpu.memory_space<vmem>>[vector<16xi32>], vector<16xi32>, vector<16xi1>
      tpu.vector_store_idx %arg9[%min3A_168], %xor3A_152 masked %ge3A_153 : memref<256xi32, #tpu.memory_space<vmem>>[vector<16xi32>], vector<16xi32>, vector<16xi1>
      %all_reduce_population_count3A_173 = tpu.all_reduce %ge3A_153 {dim = 0 : i64, kind = #tpu.reduction_kind<sum>} : vector<16xi1> -> vector<16xi32>
      %add3A_174 = arith.addi %add3A_138, %all_reduce_population_count3A_173 : vector<16xi32>
      %scan3A_175 = arith.constant 2 : i32
      %scan3A_176 = arith.addi %scan3A_115, %scan3A_175 : i32
      %mul3A_177 = arith.constant 16 : i32
      %mul3A_178 = arith.muli %scan3A_176, %mul3A_177 : i32
      %get3A_179 = arith.index_cast %mul3A_178 : i32 to index
      %get3A_180 = tpu.vector_load %arg6[%get3A_179] {strides = array<i32>} : memref<32768xf32, #tpu.memory_space<vmem>>, vector<16xf32>,
      %bitcast_convert_type3A_181 = tpu.bitcast %get3A_180 : vector<16xf32> -> vector<16xi32>
      %shift_right_arithmetic3A_182 = arith.constant 31 : i32
      %shift_right_arithmetic3A_183 = vector.broadcast %shift_right_arithmetic3A_182 : i32 to vector<16xi32>
      %shift_right_arithmetic3A_184 = arith.shrsi %bitcast_convert_type3A_181, %shift_right_arithmetic3A_183 : vector<16xi32>
      %and3A_185 = arith.constant 2147483647 : i32
      %and3A_186 = vector.broadcast %and3A_185 : i32 to vector<16xi32>
      %and3A_187 = arith.andi %shift_right_arithmetic3A_184, %and3A_186 : vector<16xi32>
      %xor3A_188 = arith.xori %bitcast_convert_type3A_181, %and3A_187 : vector<16xi32>
      %ge3A_189 = arith.cmpi sge, %xor3A_188, %gather3A : vector<16xi32>
      %jit3A_190 = arith.constant 1 : i32
      %jit3A_191 = arith.constant 0 : i32
      %broadcast_in_dim3A_192 = vector.broadcast %jit3A_190 : i32 to vector<16xi32>
      %broadcast_in_dim3A_193 = vector.broadcast %jit3A_191 : i32 to vector<16xi32>
      %select_n3A_194 = arith.select %ge3A_189, %broadcast_in_dim3A_192, %broadcast_in_dim3A_193 : vector<16xi1>, vector<16xi32>
      %broadcast_in_dim3A_195 = arith.constant true
      %broadcast_in_dim3A_196 = vector.broadcast %broadcast_in_dim3A_195 : i1 to vector<16xi1>
      %masked_cumsum3A_197 = tpu.scan <sum>, %select_n3A_194 masked %broadcast_in_dim3A_196 : vector<16xi32>, vector<16xi1> -> vector<16xi32>
      %add3A_198 = arith.addi %add3A_174, %masked_cumsum3A_197 : vector<16xi32>
      %sub3A_199 = arith.constant 1 : i32
      %sub3A_200 = vector.broadcast %sub3A_199 : i32 to vector<16xi32>
      %sub3A_201 = arith.subi %add3A_198, %sub3A_200 : vector<16xi32>
      %min3A_202 = arith.constant 255 : i32
      %min3A_203 = vector.broadcast %min3A_202 : i32 to vector<16xi32>
      %min3A_204 = arith.minsi %sub3A_201, %min3A_203 : vector<16xi32>
      %mul3A_205 = arith.constant 16 : i32
      %mul3A_206 = arith.muli %scan3A_176, %mul3A_205 : i32
      %add3A_207 = vector.broadcast %mul3A_206 : i32 to vector<16xi32>
      %add3A_208 = arith.addi %iota3A, %add3A_207 : vector<16xi32>
      tpu.vector_store_idx %arg10[%min3A_204], %add3A_208 masked %ge3A_189 : memref<256xi32, #tpu.memory_space<vmem>>[vector<16xi32>], vector<16xi32>, vector<16xi1>
      tpu.vector_store_idx %arg9[%min3A_204], %xor3A_188 masked %ge3A_189 : memref<256xi32, #tpu.memory_space<vmem>>[vector<16xi32>], vector<16xi32>, vector<16xi1>
      %all_reduce_population_count3A_209 = tpu.all_reduce %ge3A_189 {dim = 0 : i64, kind = #tpu.reduction_kind<sum>} : vector<16xi1> -> vector<16xi32>
      %add3A_210 = arith.addi %add3A_174, %all_reduce_population_count3A_209 : vector<16xi32>
      %scan3A_211 = arith.constant 3 : i32
      %scan3A_212 = arith.addi %scan3A_115, %scan3A_211 : i32
      %mul3A_213 = arith.constant 16 : i32
      %mul3A_214 = arith.muli %scan3A_212, %mul3A_213 : i32
      %get3A_215 = arith.index_cast %mul3A_214 : i32 to index
      %get3A_216 = tpu.vector_load %arg6[%get3A_215] {strides = array<i32>} : memref<32768xf32, #tpu.memory_space<vmem>>, vector<16xf32>,
      %bitcast_convert_type3A_217 = tpu.bitcast %get3A_216 : vector<16xf32> -> vector<16xi32>
      %shift_right_arithmetic3A_218 = arith.constant 31 : i32
      %shift_right_arithmetic3A_219 = vector.broadcast %shift_right_arithmetic3A_218 : i32 to vector<16xi32>
      %shift_right_arithmetic3A_220 = arith.shrsi %bitcast_convert_type3A_217, %shift_right_arithmetic3A_219 : vector<16xi32>
      %and3A_221 = arith.constant 2147483647 : i32
      %and3A_222 = vector.broadcast %and3A_221 : i32 to vector<16xi32>
      %and3A_223 = arith.andi %shift_right_arithmetic3A_220, %and3A_222 : vector<16xi32>
      %xor3A_224 = arith.xori %bitcast_convert_type3A_217, %and3A_223 : vector<16xi32>
      %ge3A_225 = arith.cmpi sge, %xor3A_224, %gather3A : vector<16xi32>
      %jit3A_226 = arith.constant 1 : i32
      %jit3A_227 = arith.constant 0 : i32
      %broadcast_in_dim3A_228 = vector.broadcast %jit3A_226 : i32 to vector<16xi32>
      %broadcast_in_dim3A_229 = vector.broadcast %jit3A_227 : i32 to vector<16xi32>
      %select_n3A_230 = arith.select %ge3A_225, %broadcast_in_dim3A_228, %broadcast_in_dim3A_229 : vector<16xi1>, vector<16xi32>
      %broadcast_in_dim3A_231 = arith.constant true
      %broadcast_in_dim3A_232 = vector.broadcast %broadcast_in_dim3A_231 : i1 to vector<16xi1>
      %masked_cumsum3A_233 = tpu.scan <sum>, %select_n3A_230 masked %broadcast_in_dim3A_232 : vector<16xi32>, vector<16xi1> -> vector<16xi32>
      %add3A_234 = arith.addi %add3A_210, %masked_cumsum3A_233 : vector<16xi32>
      %sub3A_235 = arith.constant 1 : i32
      %sub3A_236 = vector.broadcast %sub3A_235 : i32 to vector<16xi32>
      %sub3A_237 = arith.subi %add3A_234, %sub3A_236 : vector<16xi32>
      %min3A_238 = arith.constant 255 : i32
      %min3A_239 = vector.broadcast %min3A_238 : i32 to vector<16xi32>
      %min3A_240 = arith.minsi %sub3A_237, %min3A_239 : vector<16xi32>
      %mul3A_241 = arith.constant 16 : i32
      %mul3A_242 = arith.muli %scan3A_212, %mul3A_241 : i32
      %add3A_243 = vector.broadcast %mul3A_242 : i32 to vector<16xi32>
      %add3A_244 = arith.addi %iota3A, %add3A_243 : vector<16xi32>
      tpu.vector_store_idx %arg10[%min3A_240], %add3A_244 masked %ge3A_225 : memref<256xi32, #tpu.memory_space<vmem>>[vector<16xi32>], vector<16xi32>, vector<16xi1>
      tpu.vector_store_idx %arg9[%min3A_240], %xor3A_224 masked %ge3A_225 : memref<256xi32, #tpu.memory_space<vmem>>[vector<16xi32>], vector<16xi32>, vector<16xi1>
      %all_reduce_population_count3A_245 = tpu.all_reduce %ge3A_225 {dim = 0 : i64, kind = #tpu.reduction_kind<sum>} : vector<16xi1> -> vector<16xi32>
      %add3A_246 = arith.addi %add3A_210, %all_reduce_population_count3A_245 : vector<16xi32>
      scf.yield %add3A_246 : vector<16xi32>
    }
    %scan3A_65 = arith.constant 2048 : i32
    "tpu.region"() ({
      %run_scoped3A = tpu.sem_alloc : memref<!tpu.dma_semaphore, #tpu.memory_space<semaphore_mem>>
      %dma_start3A_115 = arith.constant 0 : i32
      %dma_start3A_116 = tpu.memref_slice %arg4[%add3A_27, %dma_start3A_115] : memref<64x256xi32, #tpu.memory_space<hbm>> -> memref<1x256xi32, #tpu.memory_space<hbm>>
      %dma_start3A_117 = tpu.memref_squeeze %dma_start3A_116 : memref<1x256xi32, #tpu.memory_space<hbm>> -> memref<256xi32, #tpu.memory_space<hbm>>
      %dma_start3A_118 = arith.constant 0 : i32
      %dma_start3A_119 = tpu.memref_slice %arg4[%add3A_27, %dma_start3A_118] : memref<64x256xi32, #tpu.memory_space<hbm>> -> memref<1x256xi32, #tpu.memory_space<hbm>>
      %dma_start3A_120 = tpu.memref_squeeze %dma_start3A_119 : memref<1x256xi32, #tpu.memory_space<hbm>> -> memref<256xi32, #tpu.memory_space<hbm>>
      tpu.enqueue_dma source(%arg9 : memref<256xi32, #tpu.memory_space<vmem>>) target(%dma_start3A_120 : memref<256xi32, #tpu.memory_space<hbm>>) target_semaphore(%run_scoped3A : memref<!tpu.dma_semaphore, #tpu.memory_space<semaphore_mem>>)
      %dma_wait3A_121 = arith.constant 0 : i32
      %dma_wait3A_122 = tpu.memref_slice %arg4[%add3A_27, %dma_wait3A_121] : memref<64x256xi32, #tpu.memory_space<hbm>> -> memref<1x256xi32, #tpu.memory_space<hbm>>
      %dma_wait3A_123 = tpu.memref_squeeze %dma_wait3A_122 : memref<1x256xi32, #tpu.memory_space<hbm>> -> memref<256xi32, #tpu.memory_space<hbm>>
      %dma_wait3A_124 = arith.constant 0 : i32
      %dma_wait3A_125 = tpu.memref_slice %arg4[%add3A_27, %dma_wait3A_124] : memref<64x256xi32, #tpu.memory_space<hbm>> -> memref<1x256xi32, #tpu.memory_space<hbm>>
      %dma_wait3A_126 = tpu.memref_squeeze %dma_wait3A_125 : memref<1x256xi32, #tpu.memory_space<hbm>> -> memref<256xi32, #tpu.memory_space<hbm>>
      tpu.wait_dma2 semaphore(%run_scoped3A : memref<!tpu.dma_semaphore, #tpu.memory_space<semaphore_mem>>) src(%arg9 : memref<256xi32, #tpu.memory_space<vmem>>) dst(%dma_wait3A_126 : memref<256xi32, #tpu.memory_space<hbm>>)
      tpu.yield
    }) : () -> ()
    "tpu.region"() ({
      %run_scoped3A = tpu.sem_alloc : memref<!tpu.dma_semaphore, #tpu.memory_space<semaphore_mem>>
      %dma_start3A_115 = arith.constant 0 : i32
      %dma_start3A_116 = tpu.memref_slice %arg5[%add3A_27, %dma_start3A_115] : memref<64x256xi32, #tpu.memory_space<hbm>> -> memref<1x256xi32, #tpu.memory_space<hbm>>
      %dma_start3A_117 = tpu.memref_squeeze %dma_start3A_116 : memref<1x256xi32, #tpu.memory_space<hbm>> -> memref<256xi32, #tpu.memory_space<hbm>>
      %dma_start3A_118 = arith.constant 0 : i32
      %dma_start3A_119 = tpu.memref_slice %arg5[%add3A_27, %dma_start3A_118] : memref<64x256xi32, #tpu.memory_space<hbm>> -> memref<1x256xi32, #tpu.memory_space<hbm>>
      %dma_start3A_120 = tpu.memref_squeeze %dma_start3A_119 : memref<1x256xi32, #tpu.memory_space<hbm>> -> memref<256xi32, #tpu.memory_space<hbm>>
      tpu.enqueue_dma source(%arg10 : memref<256xi32, #tpu.memory_space<vmem>>) target(%dma_start3A_120 : memref<256xi32, #tpu.memory_space<hbm>>) target_semaphore(%run_scoped3A : memref<!tpu.dma_semaphore, #tpu.memory_space<semaphore_mem>>)
      %dma_wait3A_121 = arith.constant 0 : i32
      %dma_wait3A_122 = tpu.memref_slice %arg5[%add3A_27, %dma_wait3A_121] : memref<64x256xi32, #tpu.memory_space<hbm>> -> memref<1x256xi32, #tpu.memory_space<hbm>>
      %dma_wait3A_123 = tpu.memref_squeeze %dma_wait3A_122 : memref<1x256xi32, #tpu.memory_space<hbm>> -> memref<256xi32, #tpu.memory_space<hbm>>
      %dma_wait3A_124 = arith.constant 0 : i32
      %dma_wait3A_125 = tpu.memref_slice %arg5[%add3A_27, %dma_wait3A_124] : memref<64x256xi32, #tpu.memory_space<hbm>> -> memref<1x256xi32, #tpu.memory_space<hbm>>
      %dma_wait3A_126 = tpu.memref_squeeze %dma_wait3A_125 : memref<1x256xi32, #tpu.memory_space<hbm>> -> memref<256xi32, #tpu.memory_space<hbm>>
      tpu.wait_dma2 semaphore(%run_scoped3A : memref<!tpu.dma_semaphore, #tpu.memory_space<semaphore_mem>>) src(%arg10 : memref<256xi32, #tpu.memory_space<vmem>>) dst(%dma_wait3A_126 : memref<256xi32, #tpu.memory_space<hbm>>)
      tpu.yield
    }) : () -> ()
    %dma_wait3A_66 = arith.constant 0 : i32
    %dma_wait3A_67 = tpu.memref_slice %arg2[%add3A_19, %dma_wait3A_66] : memref<64x32768xf32, #tpu.memory_space<hbm>> -> memref<1x32768xf32, #tpu.memory_space<hbm>>
    %dma_wait3A_68 = tpu.memref_squeeze %dma_wait3A_67 : memref<1x32768xf32, #tpu.memory_space<hbm>> -> memref<32768xf32, #tpu.memory_space<hbm>>
    %dma_wait3A_69 = arith.constant 0 : i32
    %dma_wait3A_70 = tpu.memref_slice %arg2[%add3A_19, %dma_wait3A_69] : memref<64x32768xf32, #tpu.memory_space<hbm>> -> memref<1x32768xf32, #tpu.memory_space<hbm>>
    %dma_wait3A_71 = tpu.memref_squeeze %dma_wait3A_70 : memref<1x32768xf32, #tpu.memory_space<hbm>> -> memref<32768xf32, #tpu.memory_space<hbm>>
    tpu.wait_dma2 semaphore(%arg12 : memref<!tpu.dma_semaphore, #tpu.memory_space<semaphore_mem>>) src(%dma_wait3A_71 : memref<32768xf32, #tpu.memory_space<hbm>>) dst(%arg7 : memref<32768xf32, #tpu.memory_space<vmem>>)
    %add3A_72 = arith.constant 1 : i32
    %add3A_73 = arith.addi %mul3A_2, %add3A_72 : i32
    %add3A_74 = vector.broadcast %add3A_73 : i32 to vector<16xi32>
    %add3A_75 = arith.addi %broadcast_in_dim3A_3, %add3A_74 : vector<16xi32>
    %gather3A_76 = tpu.vector_load_idx %arg8[%add3A_75] : memref<64xi32, #tpu.memory_space<vmem>>[vector<16xi32>], vector<16xi32>,
    %swap3A_77 = arith.constant 0 : index
    %swap3A_78 = tpu.vector_load %arg9[%swap3A_77] {strides = array<i32>} : memref<256xi32, #tpu.memory_space<vmem>>, vector<16xi32>,
    tpu.vector_store %arg9[%swap3A_77], %broadcast_in_dim3A_5 {strides = array<i32>} : memref<256xi32, #tpu.memory_space<vmem>>, vector<16xi32>,
    %swap3A_79 = arith.constant 16 : index
    %swap3A_80 = tpu.vector_load %arg9[%swap3A_79] {strides = array<i32>} : memref<256xi32, #tpu.memory_space<vmem>>, vector<16xi32>,
    tpu.vector_store %arg9[%swap3A_79], %broadcast_in_dim3A_5 {strides = array<i32>} : memref<256xi32, #tpu.memory_space<vmem>>, vector<16xi32>,
    %swap3A_81 = arith.constant 32 : index
    %swap3A_82 = tpu.vector_load %arg9[%swap3A_81] {strides = array<i32>} : memref<256xi32, #tpu.memory_space<vmem>>, vector<16xi32>,
    tpu.vector_store %arg9[%swap3A_81], %broadcast_in_dim3A_5 {strides = array<i32>} : memref<256xi32, #tpu.memory_space<vmem>>, vector<16xi32>,
    %swap3A_83 = arith.constant 48 : index
    %swap3A_84 = tpu.vector_load %arg9[%swap3A_83] {strides = array<i32>} : memref<256xi32, #tpu.memory_space<vmem>>, vector<16xi32>,
    tpu.vector_store %arg9[%swap3A_83], %broadcast_in_dim3A_5 {strides = array<i32>} : memref<256xi32, #tpu.memory_space<vmem>>, vector<16xi32>,
    %swap3A_85 = arith.constant 64 : index
    %swap3A_86 = tpu.vector_load %arg9[%swap3A_85] {strides = array<i32>} : memref<256xi32, #tpu.memory_space<vmem>>, vector<16xi32>,
    tpu.vector_store %arg9[%swap3A_85], %broadcast_in_dim3A_5 {strides = array<i32>} : memref<256xi32, #tpu.memory_space<vmem>>, vector<16xi32>,
    %swap3A_87 = arith.constant 80 : index
    %swap3A_88 = tpu.vector_load %arg9[%swap3A_87] {strides = array<i32>} : memref<256xi32, #tpu.memory_space<vmem>>, vector<16xi32>,
    tpu.vector_store %arg9[%swap3A_87], %broadcast_in_dim3A_5 {strides = array<i32>} : memref<256xi32, #tpu.memory_space<vmem>>, vector<16xi32>,
    %swap3A_89 = arith.constant 96 : index
    %swap3A_90 = tpu.vector_load %arg9[%swap3A_89] {strides = array<i32>} : memref<256xi32, #tpu.memory_space<vmem>>, vector<16xi32>,
    tpu.vector_store %arg9[%swap3A_89], %broadcast_in_dim3A_5 {strides = array<i32>} : memref<256xi32, #tpu.memory_space<vmem>>, vector<16xi32>,
    %swap3A_91 = arith.constant 112 : index
    %swap3A_92 = tpu.vector_load %arg9[%swap3A_91] {strides = array<i32>} : memref<256xi32, #tpu.memory_space<vmem>>, vector<16xi32>,
    tpu.vector_store %arg9[%swap3A_91], %broadcast_in_dim3A_5 {strides = array<i32>} : memref<256xi32, #tpu.memory_space<vmem>>, vector<16xi32>,
    %swap3A_93 = arith.constant 128 : index
    %swap3A_94 = tpu.vector_load %arg9[%swap3A_93] {strides = array<i32>} : memref<256xi32, #tpu.memory_space<vmem>>, vector<16xi32>,
    tpu.vector_store %arg9[%swap3A_93], %broadcast_in_dim3A_5 {strides = array<i32>} : memref<256xi32, #tpu.memory_space<vmem>>, vector<16xi32>,
    %swap3A_95 = arith.constant 144 : index
    %swap3A_96 = tpu.vector_load %arg9[%swap3A_95] {strides = array<i32>} : memref<256xi32, #tpu.memory_space<vmem>>, vector<16xi32>,
    tpu.vector_store %arg9[%swap3A_95], %broadcast_in_dim3A_5 {strides = array<i32>} : memref<256xi32, #tpu.memory_space<vmem>>, vector<16xi32>,
    %swap3A_97 = arith.constant 160 : index
    %swap3A_98 = tpu.vector_load %arg9[%swap3A_97] {strides = array<i32>} : memref<256xi32, #tpu.memory_space<vmem>>, vector<16xi32>,
    tpu.vector_store %arg9[%swap3A_97], %broadcast_in_dim3A_5 {strides = array<i32>} : memref<256xi32, #tpu.memory_space<vmem>>, vector<16xi32>,
    %swap3A_99 = arith.constant 176 : index
    %swap3A_100 = tpu.vector_load %arg9[%swap3A_99] {strides = array<i32>} : memref<256xi32, #tpu.memory_space<vmem>>, vector<16xi32>,
    tpu.vector_store %arg9[%swap3A_99], %broadcast_in_dim3A_5 {strides = array<i32>} : memref<256xi32, #tpu.memory_space<vmem>>, vector<16xi32>,
    %swap3A_101 = arith.constant 192 : index
    %swap3A_102 = tpu.vector_load %arg9[%swap3A_101] {strides = array<i32>} : memref<256xi32, #tpu.memory_space<vmem>>, vector<16xi32>,
    tpu.vector_store %arg9[%swap3A_101], %broadcast_in_dim3A_5 {strides = array<i32>} : memref<256xi32, #tpu.memory_space<vmem>>, vector<16xi32>,
    %swap3A_103 = arith.constant 208 : index
    %swap3A_104 = tpu.vector_load %arg9[%swap3A_103] {strides = array<i32>} : memref<256xi32, #tpu.memory_space<vmem>>, vector<16xi32>,
    tpu.vector_store %arg9[%swap3A_103], %broadcast_in_dim3A_5 {strides = array<i32>} : memref<256xi32, #tpu.memory_space<vmem>>, vector<16xi32>,
    %swap3A_105 = arith.constant 224 : index
    %swap3A_106 = tpu.vector_load %arg9[%swap3A_105] {strides = array<i32>} : memref<256xi32, #tpu.memory_space<vmem>>, vector<16xi32>,
    tpu.vector_store %arg9[%swap3A_105], %broadcast_in_dim3A_5 {strides = array<i32>} : memref<256xi32, #tpu.memory_space<vmem>>, vector<16xi32>,
    %swap3A_107 = arith.constant 240 : index
    %swap3A_108 = tpu.vector_load %arg9[%swap3A_107] {strides = array<i32>} : memref<256xi32, #tpu.memory_space<vmem>>, vector<16xi32>,
    tpu.vector_store %arg9[%swap3A_107], %broadcast_in_dim3A_5 {strides = array<i32>} : memref<256xi32, #tpu.memory_space<vmem>>, vector<16xi32>,
    %scan3A_109 = arith.constant 0 : i32
    %scan3A_110 = arith.constant 2048 : i32
    %scan3A_111 = arith.addi %scan3A_109, %scan3A_110 : i32
    %scan3A_112 = arith.constant 4 : i32
    %scan3A_113 = scf.for %scan3A_115 = %scan3A_109 to %scan3A_111 step %scan3A_112 iter_args(%scan3A_116 = %broadcast_in_dim3A_3) -> (vector<16xi32>)  : i32 {
      %mul3A_117 = arith.constant 16 : i32
      %mul3A_118 = arith.muli %scan3A_115, %mul3A_117 : i32
      %get3A = arith.index_cast %mul3A_118 : i32 to index
      %get3A_119 = tpu.vector_load %arg7[%get3A] {strides = array<i32>} : memref<32768xf32, #tpu.memory_space<vmem>>, vector<16xf32>,
      %bitcast_convert_type3A = tpu.bitcast %get3A_119 : vector<16xf32> -> vector<16xi32>
      %shift_right_arithmetic3A = arith.constant 31 : i32
      %shift_right_arithmetic3A_120 = vector.broadcast %shift_right_arithmetic3A : i32 to vector<16xi32>
      %shift_right_arithmetic3A_121 = arith.shrsi %bitcast_convert_type3A, %shift_right_arithmetic3A_120 : vector<16xi32>
      %and3A = arith.constant 2147483647 : i32
      %and3A_122 = vector.broadcast %and3A : i32 to vector<16xi32>
      %and3A_123 = arith.andi %shift_right_arithmetic3A_121, %and3A_122 : vector<16xi32>
      %xor3A = arith.xori %bitcast_convert_type3A, %and3A_123 : vector<16xi32>
      %ge3A = arith.cmpi sge, %xor3A, %gather3A_76 : vector<16xi32>
      %jit3A = arith.constant 1 : i32
      %jit3A_124 = arith.constant 0 : i32
      %broadcast_in_dim3A_125 = vector.broadcast %jit3A : i32 to vector<16xi32>
      %broadcast_in_dim3A_126 = vector.broadcast %jit3A_124 : i32 to vector<16xi32>
      %select_n3A = arith.select %ge3A, %broadcast_in_dim3A_125, %broadcast_in_dim3A_126 : vector<16xi1>, vector<16xi32>
      %broadcast_in_dim3A_127 = arith.constant true
      %broadcast_in_dim3A_128 = vector.broadcast %broadcast_in_dim3A_127 : i1 to vector<16xi1>
      %masked_cumsum3A = tpu.scan <sum>, %select_n3A masked %broadcast_in_dim3A_128 : vector<16xi32>, vector<16xi1> -> vector<16xi32>
      %add3A_129 = arith.addi %scan3A_116, %masked_cumsum3A : vector<16xi32>
      %sub3A = arith.constant 1 : i32
      %sub3A_130 = vector.broadcast %sub3A : i32 to vector<16xi32>
      %sub3A_131 = arith.subi %add3A_129, %sub3A_130 : vector<16xi32>
      %min3A = arith.constant 255 : i32
      %min3A_132 = vector.broadcast %min3A : i32 to vector<16xi32>
      %min3A_133 = arith.minsi %sub3A_131, %min3A_132 : vector<16xi32>
      %mul3A_134 = arith.constant 16 : i32
      %mul3A_135 = arith.muli %scan3A_115, %mul3A_134 : i32
      %add3A_136 = vector.broadcast %mul3A_135 : i32 to vector<16xi32>
      %add3A_137 = arith.addi %iota3A, %add3A_136 : vector<16xi32>
      tpu.vector_store_idx %arg10[%min3A_133], %add3A_137 masked %ge3A : memref<256xi32, #tpu.memory_space<vmem>>[vector<16xi32>], vector<16xi32>, vector<16xi1>
      tpu.vector_store_idx %arg9[%min3A_133], %xor3A masked %ge3A : memref<256xi32, #tpu.memory_space<vmem>>[vector<16xi32>], vector<16xi32>, vector<16xi1>
      %all_reduce_population_count3A = tpu.all_reduce %ge3A {dim = 0 : i64, kind = #tpu.reduction_kind<sum>} : vector<16xi1> -> vector<16xi32>
      %add3A_138 = arith.addi %scan3A_116, %all_reduce_population_count3A : vector<16xi32>
      %scan3A_139 = arith.constant 1 : i32
      %scan3A_140 = arith.addi %scan3A_115, %scan3A_139 : i32
      %mul3A_141 = arith.constant 16 : i32
      %mul3A_142 = arith.muli %scan3A_140, %mul3A_141 : i32
      %get3A_143 = arith.index_cast %mul3A_142 : i32 to index
      %get3A_144 = tpu.vector_load %arg7[%get3A_143] {strides = array<i32>} : memref<32768xf32, #tpu.memory_space<vmem>>, vector<16xf32>,
      %bitcast_convert_type3A_145 = tpu.bitcast %get3A_144 : vector<16xf32> -> vector<16xi32>
      %shift_right_arithmetic3A_146 = arith.constant 31 : i32
      %shift_right_arithmetic3A_147 = vector.broadcast %shift_right_arithmetic3A_146 : i32 to vector<16xi32>
      %shift_right_arithmetic3A_148 = arith.shrsi %bitcast_convert_type3A_145, %shift_right_arithmetic3A_147 : vector<16xi32>
      %and3A_149 = arith.constant 2147483647 : i32
      %and3A_150 = vector.broadcast %and3A_149 : i32 to vector<16xi32>
      %and3A_151 = arith.andi %shift_right_arithmetic3A_148, %and3A_150 : vector<16xi32>
      %xor3A_152 = arith.xori %bitcast_convert_type3A_145, %and3A_151 : vector<16xi32>
      %ge3A_153 = arith.cmpi sge, %xor3A_152, %gather3A_76 : vector<16xi32>
      %jit3A_154 = arith.constant 1 : i32
      %jit3A_155 = arith.constant 0 : i32
      %broadcast_in_dim3A_156 = vector.broadcast %jit3A_154 : i32 to vector<16xi32>
      %broadcast_in_dim3A_157 = vector.broadcast %jit3A_155 : i32 to vector<16xi32>
      %select_n3A_158 = arith.select %ge3A_153, %broadcast_in_dim3A_156, %broadcast_in_dim3A_157 : vector<16xi1>, vector<16xi32>
      %broadcast_in_dim3A_159 = arith.constant true
      %broadcast_in_dim3A_160 = vector.broadcast %broadcast_in_dim3A_159 : i1 to vector<16xi1>
      %masked_cumsum3A_161 = tpu.scan <sum>, %select_n3A_158 masked %broadcast_in_dim3A_160 : vector<16xi32>, vector<16xi1> -> vector<16xi32>
      %add3A_162 = arith.addi %add3A_138, %masked_cumsum3A_161 : vector<16xi32>
      %sub3A_163 = arith.constant 1 : i32
      %sub3A_164 = vector.broadcast %sub3A_163 : i32 to vector<16xi32>
      %sub3A_165 = arith.subi %add3A_162, %sub3A_164 : vector<16xi32>
      %min3A_166 = arith.constant 255 : i32
      %min3A_167 = vector.broadcast %min3A_166 : i32 to vector<16xi32>
      %min3A_168 = arith.minsi %sub3A_165, %min3A_167 : vector<16xi32>
      %mul3A_169 = arith.constant 16 : i32
      %mul3A_170 = arith.muli %scan3A_140, %mul3A_169 : i32
      %add3A_171 = vector.broadcast %mul3A_170 : i32 to vector<16xi32>
      %add3A_172 = arith.addi %iota3A, %add3A_171 : vector<16xi32>
      tpu.vector_store_idx %arg10[%min3A_168], %add3A_172 masked %ge3A_153 : memref<256xi32, #tpu.memory_space<vmem>>[vector<16xi32>], vector<16xi32>, vector<16xi1>
      tpu.vector_store_idx %arg9[%min3A_168], %xor3A_152 masked %ge3A_153 : memref<256xi32, #tpu.memory_space<vmem>>[vector<16xi32>], vector<16xi32>, vector<16xi1>
      %all_reduce_population_count3A_173 = tpu.all_reduce %ge3A_153 {dim = 0 : i64, kind = #tpu.reduction_kind<sum>} : vector<16xi1> -> vector<16xi32>
      %add3A_174 = arith.addi %add3A_138, %all_reduce_population_count3A_173 : vector<16xi32>
      %scan3A_175 = arith.constant 2 : i32
      %scan3A_176 = arith.addi %scan3A_115, %scan3A_175 : i32
      %mul3A_177 = arith.constant 16 : i32
      %mul3A_178 = arith.muli %scan3A_176, %mul3A_177 : i32
      %get3A_179 = arith.index_cast %mul3A_178 : i32 to index
      %get3A_180 = tpu.vector_load %arg7[%get3A_179] {strides = array<i32>} : memref<32768xf32, #tpu.memory_space<vmem>>, vector<16xf32>,
      %bitcast_convert_type3A_181 = tpu.bitcast %get3A_180 : vector<16xf32> -> vector<16xi32>
      %shift_right_arithmetic3A_182 = arith.constant 31 : i32
      %shift_right_arithmetic3A_183 = vector.broadcast %shift_right_arithmetic3A_182 : i32 to vector<16xi32>
      %shift_right_arithmetic3A_184 = arith.shrsi %bitcast_convert_type3A_181, %shift_right_arithmetic3A_183 : vector<16xi32>
      %and3A_185 = arith.constant 2147483647 : i32
      %and3A_186 = vector.broadcast %and3A_185 : i32 to vector<16xi32>
      %and3A_187 = arith.andi %shift_right_arithmetic3A_184, %and3A_186 : vector<16xi32>
      %xor3A_188 = arith.xori %bitcast_convert_type3A_181, %and3A_187 : vector<16xi32>
      %ge3A_189 = arith.cmpi sge, %xor3A_188, %gather3A_76 : vector<16xi32>
      %jit3A_190 = arith.constant 1 : i32
      %jit3A_191 = arith.constant 0 : i32
      %broadcast_in_dim3A_192 = vector.broadcast %jit3A_190 : i32 to vector<16xi32>
      %broadcast_in_dim3A_193 = vector.broadcast %jit3A_191 : i32 to vector<16xi32>
      %select_n3A_194 = arith.select %ge3A_189, %broadcast_in_dim3A_192, %broadcast_in_dim3A_193 : vector<16xi1>, vector<16xi32>
      %broadcast_in_dim3A_195 = arith.constant true
      %broadcast_in_dim3A_196 = vector.broadcast %broadcast_in_dim3A_195 : i1 to vector<16xi1>
      %masked_cumsum3A_197 = tpu.scan <sum>, %select_n3A_194 masked %broadcast_in_dim3A_196 : vector<16xi32>, vector<16xi1> -> vector<16xi32>
      %add3A_198 = arith.addi %add3A_174, %masked_cumsum3A_197 : vector<16xi32>
      %sub3A_199 = arith.constant 1 : i32
      %sub3A_200 = vector.broadcast %sub3A_199 : i32 to vector<16xi32>
      %sub3A_201 = arith.subi %add3A_198, %sub3A_200 : vector<16xi32>
      %min3A_202 = arith.constant 255 : i32
      %min3A_203 = vector.broadcast %min3A_202 : i32 to vector<16xi32>
      %min3A_204 = arith.minsi %sub3A_201, %min3A_203 : vector<16xi32>
      %mul3A_205 = arith.constant 16 : i32
      %mul3A_206 = arith.muli %scan3A_176, %mul3A_205 : i32
      %add3A_207 = vector.broadcast %mul3A_206 : i32 to vector<16xi32>
      %add3A_208 = arith.addi %iota3A, %add3A_207 : vector<16xi32>
      tpu.vector_store_idx %arg10[%min3A_204], %add3A_208 masked %ge3A_189 : memref<256xi32, #tpu.memory_space<vmem>>[vector<16xi32>], vector<16xi32>, vector<16xi1>
      tpu.vector_store_idx %arg9[%min3A_204], %xor3A_188 masked %ge3A_189 : memref<256xi32, #tpu.memory_space<vmem>>[vector<16xi32>], vector<16xi32>, vector<16xi1>
      %all_reduce_population_count3A_209 = tpu.all_reduce %ge3A_189 {dim = 0 : i64, kind = #tpu.reduction_kind<sum>} : vector<16xi1> -> vector<16xi32>
      %add3A_210 = arith.addi %add3A_174, %all_reduce_population_count3A_209 : vector<16xi32>
      %scan3A_211 = arith.constant 3 : i32
      %scan3A_212 = arith.addi %scan3A_115, %scan3A_211 : i32
      %mul3A_213 = arith.constant 16 : i32
      %mul3A_214 = arith.muli %scan3A_212, %mul3A_213 : i32
      %get3A_215 = arith.index_cast %mul3A_214 : i32 to index
      %get3A_216 = tpu.vector_load %arg7[%get3A_215] {strides = array<i32>} : memref<32768xf32, #tpu.memory_space<vmem>>, vector<16xf32>,
      %bitcast_convert_type3A_217 = tpu.bitcast %get3A_216 : vector<16xf32> -> vector<16xi32>
      %shift_right_arithmetic3A_218 = arith.constant 31 : i32
      %shift_right_arithmetic3A_219 = vector.broadcast %shift_right_arithmetic3A_218 : i32 to vector<16xi32>
      %shift_right_arithmetic3A_220 = arith.shrsi %bitcast_convert_type3A_217, %shift_right_arithmetic3A_219 : vector<16xi32>
      %and3A_221 = arith.constant 2147483647 : i32
      %and3A_222 = vector.broadcast %and3A_221 : i32 to vector<16xi32>
      %and3A_223 = arith.andi %shift_right_arithmetic3A_220, %and3A_222 : vector<16xi32>
      %xor3A_224 = arith.xori %bitcast_convert_type3A_217, %and3A_223 : vector<16xi32>
      %ge3A_225 = arith.cmpi sge, %xor3A_224, %gather3A_76 : vector<16xi32>
      %jit3A_226 = arith.constant 1 : i32
      %jit3A_227 = arith.constant 0 : i32
      %broadcast_in_dim3A_228 = vector.broadcast %jit3A_226 : i32 to vector<16xi32>
      %broadcast_in_dim3A_229 = vector.broadcast %jit3A_227 : i32 to vector<16xi32>
      %select_n3A_230 = arith.select %ge3A_225, %broadcast_in_dim3A_228, %broadcast_in_dim3A_229 : vector<16xi1>, vector<16xi32>
      %broadcast_in_dim3A_231 = arith.constant true
      %broadcast_in_dim3A_232 = vector.broadcast %broadcast_in_dim3A_231 : i1 to vector<16xi1>
      %masked_cumsum3A_233 = tpu.scan <sum>, %select_n3A_230 masked %broadcast_in_dim3A_232 : vector<16xi32>, vector<16xi1> -> vector<16xi32>
      %add3A_234 = arith.addi %add3A_210, %masked_cumsum3A_233 : vector<16xi32>
      %sub3A_235 = arith.constant 1 : i32
      %sub3A_236 = vector.broadcast %sub3A_235 : i32 to vector<16xi32>
      %sub3A_237 = arith.subi %add3A_234, %sub3A_236 : vector<16xi32>
      %min3A_238 = arith.constant 255 : i32
      %min3A_239 = vector.broadcast %min3A_238 : i32 to vector<16xi32>
      %min3A_240 = arith.minsi %sub3A_237, %min3A_239 : vector<16xi32>
      %mul3A_241 = arith.constant 16 : i32
      %mul3A_242 = arith.muli %scan3A_212, %mul3A_241 : i32
      %add3A_243 = vector.broadcast %mul3A_242 : i32 to vector<16xi32>
      %add3A_244 = arith.addi %iota3A, %add3A_243 : vector<16xi32>
      tpu.vector_store_idx %arg10[%min3A_240], %add3A_244 masked %ge3A_225 : memref<256xi32, #tpu.memory_space<vmem>>[vector<16xi32>], vector<16xi32>, vector<16xi1>
      tpu.vector_store_idx %arg9[%min3A_240], %xor3A_224 masked %ge3A_225 : memref<256xi32, #tpu.memory_space<vmem>>[vector<16xi32>], vector<16xi32>, vector<16xi1>
      %all_reduce_population_count3A_245 = tpu.all_reduce %ge3A_225 {dim = 0 : i64, kind = #tpu.reduction_kind<sum>} : vector<16xi1> -> vector<16xi32>
      %add3A_246 = arith.addi %add3A_210, %all_reduce_population_count3A_245 : vector<16xi32>
      scf.yield %add3A_246 : vector<16xi32>
    }
    %scan3A_114 = arith.constant 2048 : i32
    "tpu.region"() ({
      %run_scoped3A = tpu.sem_alloc : memref<!tpu.dma_semaphore, #tpu.memory_space<semaphore_mem>>
      %dma_start3A_115 = arith.constant 0 : i32
      %dma_start3A_116 = tpu.memref_slice %arg4[%add3A_73, %dma_start3A_115] : memref<64x256xi32, #tpu.memory_space<hbm>> -> memref<1x256xi32, #tpu.memory_space<hbm>>
      %dma_start3A_117 = tpu.memref_squeeze %dma_start3A_116 : memref<1x256xi32, #tpu.memory_space<hbm>> -> memref<256xi32, #tpu.memory_space<hbm>>
      %dma_start3A_118 = arith.constant 0 : i32
      %dma_start3A_119 = tpu.memref_slice %arg4[%add3A_73, %dma_start3A_118] : memref<64x256xi32, #tpu.memory_space<hbm>> -> memref<1x256xi32, #tpu.memory_space<hbm>>
      %dma_start3A_120 = tpu.memref_squeeze %dma_start3A_119 : memref<1x256xi32, #tpu.memory_space<hbm>> -> memref<256xi32, #tpu.memory_space<hbm>>
      tpu.enqueue_dma source(%arg9 : memref<256xi32, #tpu.memory_space<vmem>>) target(%dma_start3A_120 : memref<256xi32, #tpu.memory_space<hbm>>) target_semaphore(%run_scoped3A : memref<!tpu.dma_semaphore, #tpu.memory_space<semaphore_mem>>)
      %dma_wait3A_121 = arith.constant 0 : i32
      %dma_wait3A_122 = tpu.memref_slice %arg4[%add3A_73, %dma_wait3A_121] : memref<64x256xi32, #tpu.memory_space<hbm>> -> memref<1x256xi32, #tpu.memory_space<hbm>>
      %dma_wait3A_123 = tpu.memref_squeeze %dma_wait3A_122 : memref<1x256xi32, #tpu.memory_space<hbm>> -> memref<256xi32, #tpu.memory_space<hbm>>
      %dma_wait3A_124 = arith.constant 0 : i32
      %dma_wait3A_125 = tpu.memref_slice %arg4[%add3A_73, %dma_wait3A_124] : memref<64x256xi32, #tpu.memory_space<hbm>> -> memref<1x256xi32, #tpu.memory_space<hbm>>
      %dma_wait3A_126 = tpu.memref_squeeze %dma_wait3A_125 : memref<1x256xi32, #tpu.memory_space<hbm>> -> memref<256xi32, #tpu.memory_space<hbm>>
      tpu.wait_dma2 semaphore(%run_scoped3A : memref<!tpu.dma_semaphore, #tpu.memory_space<semaphore_mem>>) src(%arg9 : memref<256xi32, #tpu.memory_space<vmem>>) dst(%dma_wait3A_126 : memref<256xi32, #tpu.memory_space<hbm>>)
      tpu.yield
    }) : () -> ()
    "tpu.region"() ({
      %run_scoped3A = tpu.sem_alloc : memref<!tpu.dma_semaphore, #tpu.memory_space<semaphore_mem>>
      %dma_start3A_115 = arith.constant 0 : i32
      %dma_start3A_116 = tpu.memref_slice %arg5[%add3A_73, %dma_start3A_115] : memref<64x256xi32, #tpu.memory_space<hbm>> -> memref<1x256xi32, #tpu.memory_space<hbm>>
      %dma_start3A_117 = tpu.memref_squeeze %dma_start3A_116 : memref<1x256xi32, #tpu.memory_space<hbm>> -> memref<256xi32, #tpu.memory_space<hbm>>
      %dma_start3A_118 = arith.constant 0 : i32
      %dma_start3A_119 = tpu.memref_slice %arg5[%add3A_73, %dma_start3A_118] : memref<64x256xi32, #tpu.memory_space<hbm>> -> memref<1x256xi32, #tpu.memory_space<hbm>>
      %dma_start3A_120 = tpu.memref_squeeze %dma_start3A_119 : memref<1x256xi32, #tpu.memory_space<hbm>> -> memref<256xi32, #tpu.memory_space<hbm>>
      tpu.enqueue_dma source(%arg10 : memref<256xi32, #tpu.memory_space<vmem>>) target(%dma_start3A_120 : memref<256xi32, #tpu.memory_space<hbm>>) target_semaphore(%run_scoped3A : memref<!tpu.dma_semaphore, #tpu.memory_space<semaphore_mem>>)
      %dma_wait3A_121 = arith.constant 0 : i32
      %dma_wait3A_122 = tpu.memref_slice %arg5[%add3A_73, %dma_wait3A_121] : memref<64x256xi32, #tpu.memory_space<hbm>> -> memref<1x256xi32, #tpu.memory_space<hbm>>
      %dma_wait3A_123 = tpu.memref_squeeze %dma_wait3A_122 : memref<1x256xi32, #tpu.memory_space<hbm>> -> memref<256xi32, #tpu.memory_space<hbm>>
      %dma_wait3A_124 = arith.constant 0 : i32
      %dma_wait3A_125 = tpu.memref_slice %arg5[%add3A_73, %dma_wait3A_124] : memref<64x256xi32, #tpu.memory_space<hbm>> -> memref<1x256xi32, #tpu.memory_space<hbm>>
      %dma_wait3A_126 = tpu.memref_squeeze %dma_wait3A_125 : memref<1x256xi32, #tpu.memory_space<hbm>> -> memref<256xi32, #tpu.memory_space<hbm>>
      tpu.wait_dma2 semaphore(%run_scoped3A : memref<!tpu.dma_semaphore, #tpu.memory_space<semaphore_mem>>) src(%arg10 : memref<256xi32, #tpu.memory_space<vmem>>) dst(%dma_wait3A_126 : memref<256xi32, #tpu.memory_space<hbm>>)
      tpu.yield
    }) : () -> ()
    return
  }
}

#map = affine_map<(d0, d1) -> (0, 0)>
#map1 = affine_map<(d0, d1) -> (0)>
module attributes {stable_mosaic.version = 14 : i64} {
  func.func @_compact_body(%arg0: i32, %arg1: i32, %arg2: memref<64x32768xf32, #tpu.memory_space<hbm>>, %arg3: memref<64xi32, #tpu.memory_space<hbm>>, %arg4: memref<64x256xi32, #tpu.memory_space<hbm>>, %arg5: memref<64x256xi32, #tpu.memory_space<hbm>>, %arg6: memref<32768xf32, #tpu.memory_space<vmem>>, %arg7: memref<32768xf32, #tpu.memory_space<vmem>>, %arg8: memref<64xi32, #tpu.memory_space<vmem>>, %arg9: memref<256xi32, #tpu.memory_space<vmem>>, %arg10: memref<256xi32, #tpu.memory_space<vmem>>, %arg11: memref<!tpu.dma_semaphore, #tpu.memory_space<semaphore_mem>>, %arg12: memref<!tpu.dma_semaphore, #tpu.memory_space<semaphore_mem>>) attributes {dimension_semantics = [#tpu.dimension_semantics<core_parallel>, #tpu.dimension_semantics<subcore_parallel>], iteration_bounds = array<i64: 2, 16>, scalar_prefetch = 0 : i64, scratch_operands = 7 : i64, tpu.core_type = #tpu.core_type<sc_vector_subcore>, window_params = [{transform_indices = #map}, {transform_indices = #map1}, {transform_indices = #map}, {transform_indices = #map}]} {
    %mul3A = arith.constant 2 : i32
    %mul3A_0 = arith.muli %arg1, %mul3A : i32
    %add3A = arith.addi %mul3A_0, %arg0 : i32
    %mul3A_1 = arith.constant 2 : i32
    %mul3A_2 = arith.muli %add3A, %mul3A_1 : i32
    "tpu.region"() ({
      %run_scoped3A = tpu.sem_alloc : memref<!tpu.dma_semaphore, #tpu.memory_space<semaphore_mem>>
      tpu.enqueue_dma source(%arg3 : memref<64xi32, #tpu.memory_space<hbm>>) target(%arg8 : memref<64xi32, #tpu.memory_space<vmem>>) target_semaphore(%run_scoped3A : memref<!tpu.dma_semaphore, #tpu.memory_space<semaphore_mem>>)
      tpu.wait_dma2 semaphore(%run_scoped3A : memref<!tpu.dma_semaphore, #tpu.memory_space<semaphore_mem>>) src(%arg3 : memref<64xi32, #tpu.memory_space<hbm>>) dst(%arg8 : memref<64xi32, #tpu.memory_space<vmem>>)
      tpu.yield
    }) : () -> ()
    %iota3A = tpu.iota {dimensions = array<i32: 0>} : vector<16xi32>
    %broadcast_in_dim3A = arith.constant 0 : i32
    %broadcast_in_dim3A_3 = vector.broadcast %broadcast_in_dim3A : i32 to vector<16xi32>
    %broadcast_in_dim3A_4 = arith.constant -2147483648 : i32
    %broadcast_in_dim3A_5 = vector.broadcast %broadcast_in_dim3A_4 : i32 to vector<16xi32>
    %dma_start3A = arith.constant 0 : i32
    %dma_start3A_6 = tpu.memref_slice %arg2[%mul3A_2, %dma_start3A] : memref<64x32768xf32, #tpu.memory_space<hbm>> -> memref<1x32768xf32, #tpu.memory_space<hbm>>
    %dma_start3A_7 = tpu.memref_squeeze %dma_start3A_6 : memref<1x32768xf32, #tpu.memory_space<hbm>> -> memref<32768xf32, #tpu.memory_space<hbm>>
    %dma_start3A_8 = arith.constant 0 : i32
    %dma_start3A_9 = tpu.memref_slice %arg2[%mul3A_2, %dma_start3A_8] : memref<64x32768xf32, #tpu.memory_space<hbm>> -> memref<1x32768xf32, #tpu.memory_space<hbm>>
    %dma_start3A_10 = tpu.memref_squeeze %dma_start3A_9 : memref<1x32768xf32, #tpu.memory_space<hbm>> -> memref<32768xf32, #tpu.memory_space<hbm>>
    tpu.enqueue_dma source(%dma_start3A_10 : memref<32768xf32, #tpu.memory_space<hbm>>) target(%arg6 : memref<32768xf32, #tpu.memory_space<vmem>>) target_semaphore(%arg11 : memref<!tpu.dma_semaphore, #tpu.memory_space<semaphore_mem>>)
    %dma_wait3A = arith.constant 0 : i32
    %dma_wait3A_11 = tpu.memref_slice %arg2[%mul3A_2, %dma_wait3A] : memref<64x32768xf32, #tpu.memory_space<hbm>> -> memref<1x32768xf32, #tpu.memory_space<hbm>>
    %dma_wait3A_12 = tpu.memref_squeeze %dma_wait3A_11 : memref<1x32768xf32, #tpu.memory_space<hbm>> -> memref<32768xf32, #tpu.memory_space<hbm>>
    %dma_wait3A_13 = arith.constant 0 : i32
    %dma_wait3A_14 = tpu.memref_slice %arg2[%mul3A_2, %dma_wait3A_13] : memref<64x32768xf32, #tpu.memory_space<hbm>> -> memref<1x32768xf32, #tpu.memory_space<hbm>>
    %dma_wait3A_15 = tpu.memref_squeeze %dma_wait3A_14 : memref<1x32768xf32, #tpu.memory_space<hbm>> -> memref<32768xf32, #tpu.memory_space<hbm>>
    tpu.wait_dma2 semaphore(%arg11 : memref<!tpu.dma_semaphore, #tpu.memory_space<semaphore_mem>>) src(%dma_wait3A_15 : memref<32768xf32, #tpu.memory_space<hbm>>) dst(%arg6 : memref<32768xf32, #tpu.memory_space<vmem>>)
    %add3A_16 = arith.constant 0 : i32
    %add3A_17 = arith.addi %mul3A_2, %add3A_16 : i32
    %add3A_18 = arith.constant 1 : i32
    %add3A_19 = arith.addi %add3A_17, %add3A_18 : i32
    %dma_start3A_20 = arith.constant 0 : i32
    %dma_start3A_21 = tpu.memref_slice %arg2[%add3A_19, %dma_start3A_20] : memref<64x32768xf32, #tpu.memory_space<hbm>> -> memref<1x32768xf32, #tpu.memory_space<hbm>>
    %dma_start3A_22 = tpu.memref_squeeze %dma_start3A_21 : memref<1x32768xf32, #tpu.memory_space<hbm>> -> memref<32768xf32, #tpu.memory_space<hbm>>
    %dma_start3A_23 = arith.constant 0 : i32
    %dma_start3A_24 = tpu.memref_slice %arg2[%add3A_19, %dma_start3A_23] : memref<64x32768xf32, #tpu.memory_space<hbm>> -> memref<1x32768xf32, #tpu.memory_space<hbm>>
    %dma_start3A_25 = tpu.memref_squeeze %dma_start3A_24 : memref<1x32768xf32, #tpu.memory_space<hbm>> -> memref<32768xf32, #tpu.memory_space<hbm>>
    tpu.enqueue_dma source(%dma_start3A_25 : memref<32768xf32, #tpu.memory_space<hbm>>) target(%arg7 : memref<32768xf32, #tpu.memory_space<vmem>>) target_semaphore(%arg12 : memref<!tpu.dma_semaphore, #tpu.memory_space<semaphore_mem>>)
    %add3A_26 = arith.constant 0 : i32
    %add3A_27 = arith.addi %mul3A_2, %add3A_26 : i32
    %add3A_28 = vector.broadcast %add3A_27 : i32 to vector<16xi32>
    %add3A_29 = arith.addi %broadcast_in_dim3A_3, %add3A_28 : vector<16xi32>
    %gather3A = tpu.vector_load_idx %arg8[%add3A_29] : memref<64xi32, #tpu.memory_space<vmem>>[vector<16xi32>], vector<16xi32>,
    %swap3A = arith.constant 0 : index
    %swap3A_30 = tpu.vector_load %arg9[%swap3A] {strides = array<i32>} : memref<256xi32, #tpu.memory_space<vmem>>, vector<16xi32>,
    tpu.vector_store %arg9[%swap3A], %broadcast_in_dim3A_5 {strides = array<i32>} : memref<256xi32, #tpu.memory_space<vmem>>, vector<16xi32>,
    %swap3A_31 = arith.constant 16 : index
    %swap3A_32 = tpu.vector_load %arg9[%swap3A_31] {strides = array<i32>} : memref<256xi32, #tpu.memory_space<vmem>>, vector<16xi32>,
    tpu.vector_store %arg9[%swap3A_31], %broadcast_in_dim3A_5 {strides = array<i32>} : memref<256xi32, #tpu.memory_space<vmem>>, vector<16xi32>,
    %swap3A_33 = arith.constant 32 : index
    %swap3A_34 = tpu.vector_load %arg9[%swap3A_33] {strides = array<i32>} : memref<256xi32, #tpu.memory_space<vmem>>, vector<16xi32>,
    tpu.vector_store %arg9[%swap3A_33], %broadcast_in_dim3A_5 {strides = array<i32>} : memref<256xi32, #tpu.memory_space<vmem>>, vector<16xi32>,
    %swap3A_35 = arith.constant 48 : index
    %swap3A_36 = tpu.vector_load %arg9[%swap3A_35] {strides = array<i32>} : memref<256xi32, #tpu.memory_space<vmem>>, vector<16xi32>,
    tpu.vector_store %arg9[%swap3A_35], %broadcast_in_dim3A_5 {strides = array<i32>} : memref<256xi32, #tpu.memory_space<vmem>>, vector<16xi32>,
    %swap3A_37 = arith.constant 64 : index
    %swap3A_38 = tpu.vector_load %arg9[%swap3A_37] {strides = array<i32>} : memref<256xi32, #tpu.memory_space<vmem>>, vector<16xi32>,
    tpu.vector_store %arg9[%swap3A_37], %broadcast_in_dim3A_5 {strides = array<i32>} : memref<256xi32, #tpu.memory_space<vmem>>, vector<16xi32>,
    %swap3A_39 = arith.constant 80 : index
    %swap3A_40 = tpu.vector_load %arg9[%swap3A_39] {strides = array<i32>} : memref<256xi32, #tpu.memory_space<vmem>>, vector<16xi32>,
    tpu.vector_store %arg9[%swap3A_39], %broadcast_in_dim3A_5 {strides = array<i32>} : memref<256xi32, #tpu.memory_space<vmem>>, vector<16xi32>,
    %swap3A_41 = arith.constant 96 : index
    %swap3A_42 = tpu.vector_load %arg9[%swap3A_41] {strides = array<i32>} : memref<256xi32, #tpu.memory_space<vmem>>, vector<16xi32>,
    tpu.vector_store %arg9[%swap3A_41], %broadcast_in_dim3A_5 {strides = array<i32>} : memref<256xi32, #tpu.memory_space<vmem>>, vector<16xi32>,
    %swap3A_43 = arith.constant 112 : index
    %swap3A_44 = tpu.vector_load %arg9[%swap3A_43] {strides = array<i32>} : memref<256xi32, #tpu.memory_space<vmem>>, vector<16xi32>,
    tpu.vector_store %arg9[%swap3A_43], %broadcast_in_dim3A_5 {strides = array<i32>} : memref<256xi32, #tpu.memory_space<vmem>>, vector<16xi32>,
    %swap3A_45 = arith.constant 128 : index
    %swap3A_46 = tpu.vector_load %arg9[%swap3A_45] {strides = array<i32>} : memref<256xi32, #tpu.memory_space<vmem>>, vector<16xi32>,
    tpu.vector_store %arg9[%swap3A_45], %broadcast_in_dim3A_5 {strides = array<i32>} : memref<256xi32, #tpu.memory_space<vmem>>, vector<16xi32>,
    %swap3A_47 = arith.constant 144 : index
    %swap3A_48 = tpu.vector_load %arg9[%swap3A_47] {strides = array<i32>} : memref<256xi32, #tpu.memory_space<vmem>>, vector<16xi32>,
    tpu.vector_store %arg9[%swap3A_47], %broadcast_in_dim3A_5 {strides = array<i32>} : memref<256xi32, #tpu.memory_space<vmem>>, vector<16xi32>,
    %swap3A_49 = arith.constant 160 : index
    %swap3A_50 = tpu.vector_load %arg9[%swap3A_49] {strides = array<i32>} : memref<256xi32, #tpu.memory_space<vmem>>, vector<16xi32>,
    tpu.vector_store %arg9[%swap3A_49], %broadcast_in_dim3A_5 {strides = array<i32>} : memref<256xi32, #tpu.memory_space<vmem>>, vector<16xi32>,
    %swap3A_51 = arith.constant 176 : index
    %swap3A_52 = tpu.vector_load %arg9[%swap3A_51] {strides = array<i32>} : memref<256xi32, #tpu.memory_space<vmem>>, vector<16xi32>,
    tpu.vector_store %arg9[%swap3A_51], %broadcast_in_dim3A_5 {strides = array<i32>} : memref<256xi32, #tpu.memory_space<vmem>>, vector<16xi32>,
    %swap3A_53 = arith.constant 192 : index
    %swap3A_54 = tpu.vector_load %arg9[%swap3A_53] {strides = array<i32>} : memref<256xi32, #tpu.memory_space<vmem>>, vector<16xi32>,
    tpu.vector_store %arg9[%swap3A_53], %broadcast_in_dim3A_5 {strides = array<i32>} : memref<256xi32, #tpu.memory_space<vmem>>, vector<16xi32>,
    %swap3A_55 = arith.constant 208 : index
    %swap3A_56 = tpu.vector_load %arg9[%swap3A_55] {strides = array<i32>} : memref<256xi32, #tpu.memory_space<vmem>>, vector<16xi32>,
    tpu.vector_store %arg9[%swap3A_55], %broadcast_in_dim3A_5 {strides = array<i32>} : memref<256xi32, #tpu.memory_space<vmem>>, vector<16xi32>,
    %swap3A_57 = arith.constant 224 : index
    %swap3A_58 = tpu.vector_load %arg9[%swap3A_57] {strides = array<i32>} : memref<256xi32, #tpu.memory_space<vmem>>, vector<16xi32>,
    tpu.vector_store %arg9[%swap3A_57], %broadcast_in_dim3A_5 {strides = array<i32>} : memref<256xi32, #tpu.memory_space<vmem>>, vector<16xi32>,
    %swap3A_59 = arith.constant 240 : index
    %swap3A_60 = tpu.vector_load %arg9[%swap3A_59] {strides = array<i32>} : memref<256xi32, #tpu.memory_space<vmem>>, vector<16xi32>,
    tpu.vector_store %arg9[%swap3A_59], %broadcast_in_dim3A_5 {strides = array<i32>} : memref<256xi32, #tpu.memory_space<vmem>>, vector<16xi32>,
    %scan3A = arith.constant 0 : i32
    %scan3A_61 = arith.constant 2048 : i32
    %scan3A_62 = arith.addi %scan3A, %scan3A_61 : i32
    %scan3A_63 = arith.constant 4 : i32
    %scan3A_64 = scf.for %scan3A_115 = %scan3A to %scan3A_62 step %scan3A_63 iter_args(%scan3A_116 = %broadcast_in_dim3A_3) -> (vector<16xi32>)  : i32 {
      %mul3A_117 = arith.constant 16 : i32
      %mul3A_118 = arith.muli %scan3A_115, %mul3A_117 : i32
      %get3A = arith.index_cast %mul3A_118 : i32 to index
      %get3A_119 = tpu.vector_load %arg6[%get3A] {strides = array<i32>} : memref<32768xf32, #tpu.memory_space<vmem>>, vector<16xf32>,
      %bitcast_convert_type3A = tpu.bitcast %get3A_119 : vector<16xf32> -> vector<16xi32>
      %shift_right_arithmetic3A = arith.constant 31 : i32
      %shift_right_arithmetic3A_120 = vector.broadcast %shift_right_arithmetic3A : i32 to vector<16xi32>
      %shift_right_arithmetic3A_121 = arith.shrsi %bitcast_convert_type3A, %shift_right_arithmetic3A_120 : vector<16xi32>
      %and3A = arith.constant 2147483647 : i32
      %and3A_122 = vector.broadcast %and3A : i32 to vector<16xi32>
      %and3A_123 = arith.andi %shift_right_arithmetic3A_121, %and3A_122 : vector<16xi32>
      %xor3A = arith.xori %bitcast_convert_type3A, %and3A_123 : vector<16xi32>
      %ge3A = arith.cmpi sge, %xor3A, %gather3A : vector<16xi32>
      %jit3A = arith.constant 1 : i32
      %jit3A_124 = arith.constant 0 : i32
      %broadcast_in_dim3A_125 = vector.broadcast %jit3A : i32 to vector<16xi32>
      %broadcast_in_dim3A_126 = vector.broadcast %jit3A_124 : i32 to vector<16xi32>
      %select_n3A = arith.select %ge3A, %broadcast_in_dim3A_125, %broadcast_in_dim3A_126 : vector<16xi1>, vector<16xi32>
      %broadcast_in_dim3A_127 = arith.constant true
      %broadcast_in_dim3A_128 = vector.broadcast %broadcast_in_dim3A_127 : i1 to vector<16xi1>
      %masked_cumsum3A = tpu.scan <sum>, %select_n3A masked %broadcast_in_dim3A_128 : vector<16xi32>, vector<16xi1> -> vector<16xi32>
      %add3A_129 = arith.addi %scan3A_116, %masked_cumsum3A : vector<16xi32>
      %sub3A = arith.constant 1 : i32
      %sub3A_130 = vector.broadcast %sub3A : i32 to vector<16xi32>
      %sub3A_131 = arith.subi %add3A_129, %sub3A_130 : vector<16xi32>
      %min3A = arith.constant 255 : i32
      %min3A_132 = vector.broadcast %min3A : i32 to vector<16xi32>
      %min3A_133 = arith.minsi %sub3A_131, %min3A_132 : vector<16xi32>
      %mul3A_134 = arith.constant 16 : i32
      %mul3A_135 = arith.muli %scan3A_115, %mul3A_134 : i32
      %add3A_136 = vector.broadcast %mul3A_135 : i32 to vector<16xi32>
      %add3A_137 = arith.addi %iota3A, %add3A_136 : vector<16xi32>
      tpu.vector_store_idx %arg10[%min3A_133], %add3A_137 masked %ge3A : memref<256xi32, #tpu.memory_space<vmem>>[vector<16xi32>], vector<16xi32>, vector<16xi1>
      tpu.vector_store_idx %arg9[%min3A_133], %xor3A masked %ge3A : memref<256xi32, #tpu.memory_space<vmem>>[vector<16xi32>], vector<16xi32>, vector<16xi1>
      %all_reduce_population_count3A = tpu.all_reduce %ge3A {dim = 0 : i64, kind = #tpu.reduction_kind<sum>} : vector<16xi1> -> vector<16xi32>
      %add3A_138 = arith.addi %scan3A_116, %all_reduce_population_count3A : vector<16xi32>
      %scan3A_139 = arith.constant 1 : i32
      %scan3A_140 = arith.addi %scan3A_115, %scan3A_139 : i32
      %mul3A_141 = arith.constant 16 : i32
      %mul3A_142 = arith.muli %scan3A_140, %mul3A_141 : i32
      %get3A_143 = arith.index_cast %mul3A_142 : i32 to index
      %get3A_144 = tpu.vector_load %arg6[%get3A_143] {strides = array<i32>} : memref<32768xf32, #tpu.memory_space<vmem>>, vector<16xf32>,
      %bitcast_convert_type3A_145 = tpu.bitcast %get3A_144 : vector<16xf32> -> vector<16xi32>
      %shift_right_arithmetic3A_146 = arith.constant 31 : i32
      %shift_right_arithmetic3A_147 = vector.broadcast %shift_right_arithmetic3A_146 : i32 to vector<16xi32>
      %shift_right_arithmetic3A_148 = arith.shrsi %bitcast_convert_type3A_145, %shift_right_arithmetic3A_147 : vector<16xi32>
      %and3A_149 = arith.constant 2147483647 : i32
      %and3A_150 = vector.broadcast %and3A_149 : i32 to vector<16xi32>
      %and3A_151 = arith.andi %shift_right_arithmetic3A_148, %and3A_150 : vector<16xi32>
      %xor3A_152 = arith.xori %bitcast_convert_type3A_145, %and3A_151 : vector<16xi32>
      %ge3A_153 = arith.cmpi sge, %xor3A_152, %gather3A : vector<16xi32>
      %jit3A_154 = arith.constant 1 : i32
      %jit3A_155 = arith.constant 0 : i32
      %broadcast_in_dim3A_156 = vector.broadcast %jit3A_154 : i32 to vector<16xi32>
      %broadcast_in_dim3A_157 = vector.broadcast %jit3A_155 : i32 to vector<16xi32>
      %select_n3A_158 = arith.select %ge3A_153, %broadcast_in_dim3A_156, %broadcast_in_dim3A_157 : vector<16xi1>, vector<16xi32>
      %broadcast_in_dim3A_159 = arith.constant true
      %broadcast_in_dim3A_160 = vector.broadcast %broadcast_in_dim3A_159 : i1 to vector<16xi1>
      %masked_cumsum3A_161 = tpu.scan <sum>, %select_n3A_158 masked %broadcast_in_dim3A_160 : vector<16xi32>, vector<16xi1> -> vector<16xi32>
      %add3A_162 = arith.addi %add3A_138, %masked_cumsum3A_161 : vector<16xi32>
      %sub3A_163 = arith.constant 1 : i32
      %sub3A_164 = vector.broadcast %sub3A_163 : i32 to vector<16xi32>
      %sub3A_165 = arith.subi %add3A_162, %sub3A_164 : vector<16xi32>
      %min3A_166 = arith.constant 255 : i32
      %min3A_167 = vector.broadcast %min3A_166 : i32 to vector<16xi32>
      %min3A_168 = arith.minsi %sub3A_165, %min3A_167 : vector<16xi32>
      %mul3A_169 = arith.constant 16 : i32
      %mul3A_170 = arith.muli %scan3A_140, %mul3A_169 : i32
      %add3A_171 = vector.broadcast %mul3A_170 : i32 to vector<16xi32>
      %add3A_172 = arith.addi %iota3A, %add3A_171 : vector<16xi32>
      tpu.vector_store_idx %arg10[%min3A_168], %add3A_172 masked %ge3A_153 : memref<256xi32, #tpu.memory_space<vmem>>[vector<16xi32>], vector<16xi32>, vector<16xi1>
      tpu.vector_store_idx %arg9[%min3A_168], %xor3A_152 masked %ge3A_153 : memref<256xi32, #tpu.memory_space<vmem>>[vector<16xi32>], vector<16xi32>, vector<16xi1>
      %all_reduce_population_count3A_173 = tpu.all_reduce %ge3A_153 {dim = 0 : i64, kind = #tpu.reduction_kind<sum>} : vector<16xi1> -> vector<16xi32>
      %add3A_174 = arith.addi %add3A_138, %all_reduce_population_count3A_173 : vector<16xi32>
      %scan3A_175 = arith.constant 2 : i32
      %scan3A_176 = arith.addi %scan3A_115, %scan3A_175 : i32
      %mul3A_177 = arith.constant 16 : i32
      %mul3A_178 = arith.muli %scan3A_176, %mul3A_177 : i32
      %get3A_179 = arith.index_cast %mul3A_178 : i32 to index
      %get3A_180 = tpu.vector_load %arg6[%get3A_179] {strides = array<i32>} : memref<32768xf32, #tpu.memory_space<vmem>>, vector<16xf32>,
      %bitcast_convert_type3A_181 = tpu.bitcast %get3A_180 : vector<16xf32> -> vector<16xi32>
      %shift_right_arithmetic3A_182 = arith.constant 31 : i32
      %shift_right_arithmetic3A_183 = vector.broadcast %shift_right_arithmetic3A_182 : i32 to vector<16xi32>
      %shift_right_arithmetic3A_184 = arith.shrsi %bitcast_convert_type3A_181, %shift_right_arithmetic3A_183 : vector<16xi32>
      %and3A_185 = arith.constant 2147483647 : i32
      %and3A_186 = vector.broadcast %and3A_185 : i32 to vector<16xi32>
      %and3A_187 = arith.andi %shift_right_arithmetic3A_184, %and3A_186 : vector<16xi32>
      %xor3A_188 = arith.xori %bitcast_convert_type3A_181, %and3A_187 : vector<16xi32>
      %ge3A_189 = arith.cmpi sge, %xor3A_188, %gather3A : vector<16xi32>
      %jit3A_190 = arith.constant 1 : i32
      %jit3A_191 = arith.constant 0 : i32
      %broadcast_in_dim3A_192 = vector.broadcast %jit3A_190 : i32 to vector<16xi32>
      %broadcast_in_dim3A_193 = vector.broadcast %jit3A_191 : i32 to vector<16xi32>
      %select_n3A_194 = arith.select %ge3A_189, %broadcast_in_dim3A_192, %broadcast_in_dim3A_193 : vector<16xi1>, vector<16xi32>
      %broadcast_in_dim3A_195 = arith.constant true
      %broadcast_in_dim3A_196 = vector.broadcast %broadcast_in_dim3A_195 : i1 to vector<16xi1>
      %masked_cumsum3A_197 = tpu.scan <sum>, %select_n3A_194 masked %broadcast_in_dim3A_196 : vector<16xi32>, vector<16xi1> -> vector<16xi32>
      %add3A_198 = arith.addi %add3A_174, %masked_cumsum3A_197 : vector<16xi32>
      %sub3A_199 = arith.constant 1 : i32
      %sub3A_200 = vector.broadcast %sub3A_199 : i32 to vector<16xi32>
      %sub3A_201 = arith.subi %add3A_198, %sub3A_200 : vector<16xi32>
      %min3A_202 = arith.constant 255 : i32
      %min3A_203 = vector.broadcast %min3A_202 : i32 to vector<16xi32>
      %min3A_204 = arith.minsi %sub3A_201, %min3A_203 : vector<16xi32>
      %mul3A_205 = arith.constant 16 : i32
      %mul3A_206 = arith.muli %scan3A_176, %mul3A_205 : i32
      %add3A_207 = vector.broadcast %mul3A_206 : i32 to vector<16xi32>
      %add3A_208 = arith.addi %iota3A, %add3A_207 : vector<16xi32>
      tpu.vector_store_idx %arg10[%min3A_204], %add3A_208 masked %ge3A_189 : memref<256xi32, #tpu.memory_space<vmem>>[vector<16xi32>], vector<16xi32>, vector<16xi1>
      tpu.vector_store_idx %arg9[%min3A_204], %xor3A_188 masked %ge3A_189 : memref<256xi32, #tpu.memory_space<vmem>>[vector<16xi32>], vector<16xi32>, vector<16xi1>
      %all_reduce_population_count3A_209 = tpu.all_reduce %ge3A_189 {dim = 0 : i64, kind = #tpu.reduction_kind<sum>} : vector<16xi1> -> vector<16xi32>
      %add3A_210 = arith.addi %add3A_174, %all_reduce_population_count3A_209 : vector<16xi32>
      %scan3A_211 = arith.constant 3 : i32
      %scan3A_212 = arith.addi %scan3A_115, %scan3A_211 : i32
      %mul3A_213 = arith.constant 16 : i32
      %mul3A_214 = arith.muli %scan3A_212, %mul3A_213 : i32
      %get3A_215 = arith.index_cast %mul3A_214 : i32 to index
      %get3A_216 = tpu.vector_load %arg6[%get3A_215] {strides = array<i32>} : memref<32768xf32, #tpu.memory_space<vmem>>, vector<16xf32>,
      %bitcast_convert_type3A_217 = tpu.bitcast %get3A_216 : vector<16xf32> -> vector<16xi32>
      %shift_right_arithmetic3A_218 = arith.constant 31 : i32
      %shift_right_arithmetic3A_219 = vector.broadcast %shift_right_arithmetic3A_218 : i32 to vector<16xi32>
      %shift_right_arithmetic3A_220 = arith.shrsi %bitcast_convert_type3A_217, %shift_right_arithmetic3A_219 : vector<16xi32>
      %and3A_221 = arith.constant 2147483647 : i32
      %and3A_222 = vector.broadcast %and3A_221 : i32 to vector<16xi32>
      %and3A_223 = arith.andi %shift_right_arithmetic3A_220, %and3A_222 : vector<16xi32>
      %xor3A_224 = arith.xori %bitcast_convert_type3A_217, %and3A_223 : vector<16xi32>
      %ge3A_225 = arith.cmpi sge, %xor3A_224, %gather3A : vector<16xi32>
      %jit3A_226 = arith.constant 1 : i32
      %jit3A_227 = arith.constant 0 : i32
      %broadcast_in_dim3A_228 = vector.broadcast %jit3A_226 : i32 to vector<16xi32>
      %broadcast_in_dim3A_229 = vector.broadcast %jit3A_227 : i32 to vector<16xi32>
      %select_n3A_230 = arith.select %ge3A_225, %broadcast_in_dim3A_228, %broadcast_in_dim3A_229 : vector<16xi1>, vector<16xi32>
      %broadcast_in_dim3A_231 = arith.constant true
      %broadcast_in_dim3A_232 = vector.broadcast %broadcast_in_dim3A_231 : i1 to vector<16xi1>
      %masked_cumsum3A_233 = tpu.scan <sum>, %select_n3A_230 masked %broadcast_in_dim3A_232 : vector<16xi32>, vector<16xi1> -> vector<16xi32>
      %add3A_234 = arith.addi %add3A_210, %masked_cumsum3A_233 : vector<16xi32>
      %sub3A_235 = arith.constant 1 : i32
      %sub3A_236 = vector.broadcast %sub3A_235 : i32 to vector<16xi32>
      %sub3A_237 = arith.subi %add3A_234, %sub3A_236 : vector<16xi32>
      %min3A_238 = arith.constant 255 : i32
      %min3A_239 = vector.broadcast %min3A_238 : i32 to vector<16xi32>
      %min3A_240 = arith.minsi %sub3A_237, %min3A_239 : vector<16xi32>
      %mul3A_241 = arith.constant 16 : i32
      %mul3A_242 = arith.muli %scan3A_212, %mul3A_241 : i32
      %add3A_243 = vector.broadcast %mul3A_242 : i32 to vector<16xi32>
      %add3A_244 = arith.addi %iota3A, %add3A_243 : vector<16xi32>
      tpu.vector_store_idx %arg10[%min3A_240], %add3A_244 masked %ge3A_225 : memref<256xi32, #tpu.memory_space<vmem>>[vector<16xi32>], vector<16xi32>, vector<16xi1>
      tpu.vector_store_idx %arg9[%min3A_240], %xor3A_224 masked %ge3A_225 : memref<256xi32, #tpu.memory_space<vmem>>[vector<16xi32>], vector<16xi32>, vector<16xi1>
      %all_reduce_population_count3A_245 = tpu.all_reduce %ge3A_225 {dim = 0 : i64, kind = #tpu.reduction_kind<sum>} : vector<16xi1> -> vector<16xi32>
      %add3A_246 = arith.addi %add3A_210, %all_reduce_population_count3A_245 : vector<16xi32>
      scf.yield %add3A_246 : vector<16xi32>
    }
    %scan3A_65 = arith.constant 2048 : i32
    "tpu.region"() ({
      %run_scoped3A = tpu.sem_alloc : memref<!tpu.dma_semaphore, #tpu.memory_space<semaphore_mem>>
      %dma_start3A_115 = arith.constant 0 : i32
      %dma_start3A_116 = tpu.memref_slice %arg4[%add3A_27, %dma_start3A_115] : memref<64x256xi32, #tpu.memory_space<hbm>> -> memref<1x256xi32, #tpu.memory_space<hbm>>
      %dma_start3A_117 = tpu.memref_squeeze %dma_start3A_116 : memref<1x256xi32, #tpu.memory_space<hbm>> -> memref<256xi32, #tpu.memory_space<hbm>>
      %dma_start3A_118 = arith.constant 0 : i32
      %dma_start3A_119 = tpu.memref_slice %arg4[%add3A_27, %dma_start3A_118] : memref<64x256xi32, #tpu.memory_space<hbm>> -> memref<1x256xi32, #tpu.memory_space<hbm>>
      %dma_start3A_120 = tpu.memref_squeeze %dma_start3A_119 : memref<1x256xi32, #tpu.memory_space<hbm>> -> memref<256xi32, #tpu.memory_space<hbm>>
      tpu.enqueue_dma source(%arg9 : memref<256xi32, #tpu.memory_space<vmem>>) target(%dma_start3A_120 : memref<256xi32, #tpu.memory_space<hbm>>) target_semaphore(%run_scoped3A : memref<!tpu.dma_semaphore, #tpu.memory_space<semaphore_mem>>)
      %dma_wait3A_121 = arith.constant 0 : i32
      %dma_wait3A_122 = tpu.memref_slice %arg4[%add3A_27, %dma_wait3A_121] : memref<64x256xi32, #tpu.memory_space<hbm>> -> memref<1x256xi32, #tpu.memory_space<hbm>>
      %dma_wait3A_123 = tpu.memref_squeeze %dma_wait3A_122 : memref<1x256xi32, #tpu.memory_space<hbm>> -> memref<256xi32, #tpu.memory_space<hbm>>
      %dma_wait3A_124 = arith.constant 0 : i32
      %dma_wait3A_125 = tpu.memref_slice %arg4[%add3A_27, %dma_wait3A_124] : memref<64x256xi32, #tpu.memory_space<hbm>> -> memref<1x256xi32, #tpu.memory_space<hbm>>
      %dma_wait3A_126 = tpu.memref_squeeze %dma_wait3A_125 : memref<1x256xi32, #tpu.memory_space<hbm>> -> memref<256xi32, #tpu.memory_space<hbm>>
      tpu.wait_dma2 semaphore(%run_scoped3A : memref<!tpu.dma_semaphore, #tpu.memory_space<semaphore_mem>>) src(%arg9 : memref<256xi32, #tpu.memory_space<vmem>>) dst(%dma_wait3A_126 : memref<256xi32, #tpu.memory_space<hbm>>)
      tpu.yield
    }) : () -> ()
    "tpu.region"() ({
      %run_scoped3A = tpu.sem_alloc : memref<!tpu.dma_semaphore, #tpu.memory_space<semaphore_mem>>
      %dma_start3A_115 = arith.constant 0 : i32
      %dma_start3A_116 = tpu.memref_slice %arg5[%add3A_27, %dma_start3A_115] : memref<64x256xi32, #tpu.memory_space<hbm>> -> memref<1x256xi32, #tpu.memory_space<hbm>>
      %dma_start3A_117 = tpu.memref_squeeze %dma_start3A_116 : memref<1x256xi32, #tpu.memory_space<hbm>> -> memref<256xi32, #tpu.memory_space<hbm>>
      %dma_start3A_118 = arith.constant 0 : i32
      %dma_start3A_119 = tpu.memref_slice %arg5[%add3A_27, %dma_start3A_118] : memref<64x256xi32, #tpu.memory_space<hbm>> -> memref<1x256xi32, #tpu.memory_space<hbm>>
      %dma_start3A_120 = tpu.memref_squeeze %dma_start3A_119 : memref<1x256xi32, #tpu.memory_space<hbm>> -> memref<256xi32, #tpu.memory_space<hbm>>
      tpu.enqueue_dma source(%arg10 : memref<256xi32, #tpu.memory_space<vmem>>) target(%dma_start3A_120 : memref<256xi32, #tpu.memory_space<hbm>>) target_semaphore(%run_scoped3A : memref<!tpu.dma_semaphore, #tpu.memory_space<semaphore_mem>>)
      %dma_wait3A_121 = arith.constant 0 : i32
      %dma_wait3A_122 = tpu.memref_slice %arg5[%add3A_27, %dma_wait3A_121] : memref<64x256xi32, #tpu.memory_space<hbm>> -> memref<1x256xi32, #tpu.memory_space<hbm>>
      %dma_wait3A_123 = tpu.memref_squeeze %dma_wait3A_122 : memref<1x256xi32, #tpu.memory_space<hbm>> -> memref<256xi32, #tpu.memory_space<hbm>>
      %dma_wait3A_124 = arith.constant 0 : i32
      %dma_wait3A_125 = tpu.memref_slice %arg5[%add3A_27, %dma_wait3A_124] : memref<64x256xi32, #tpu.memory_space<hbm>> -> memref<1x256xi32, #tpu.memory_space<hbm>>
      %dma_wait3A_126 = tpu.memref_squeeze %dma_wait3A_125 : memref<1x256xi32, #tpu.memory_space<hbm>> -> memref<256xi32, #tpu.memory_space<hbm>>
      tpu.wait_dma2 semaphore(%run_scoped3A : memref<!tpu.dma_semaphore, #tpu.memory_space<semaphore_mem>>) src(%arg10 : memref<256xi32, #tpu.memory_space<vmem>>) dst(%dma_wait3A_126 : memref<256xi32, #tpu.memory_space<hbm>>)
      tpu.yield
    }) : () -> ()
    %dma_wait3A_66 = arith.constant 0 : i32
    %dma_wait3A_67 = tpu.memref_slice %arg2[%add3A_19, %dma_wait3A_66] : memref<64x32768xf32, #tpu.memory_space<hbm>> -> memref<1x32768xf32, #tpu.memory_space<hbm>>
    %dma_wait3A_68 = tpu.memref_squeeze %dma_wait3A_67 : memref<1x32768xf32, #tpu.memory_space<hbm>> -> memref<32768xf32, #tpu.memory_space<hbm>>
    %dma_wait3A_69 = arith.constant 0 : i32
    %dma_wait3A_70 = tpu.memref_slice %arg2[%add3A_19, %dma_wait3A_69] : memref<64x32768xf32, #tpu.memory_space<hbm>> -> memref<1x32768xf32, #tpu.memory_space<hbm>>
    %dma_wait3A_71 = tpu.memref_squeeze %dma_wait3A_70 : memref<1x32768xf32, #tpu.memory_space<hbm>> -> memref<32768xf32, #tpu.memory_space<hbm>>
    tpu.wait_dma2 semaphore(%arg12 : memref<!tpu.dma_semaphore, #tpu.memory_space<semaphore_mem>>) src(%dma_wait3A_71 : memref<32768xf32, #tpu.memory_space<hbm>>) dst(%arg7 : memref<32768xf32, #tpu.memory_space<vmem>>)
    %add3A_72 = arith.constant 1 : i32
    %add3A_73 = arith.addi %mul3A_2, %add3A_72 : i32
    %add3A_74 = vector.broadcast %add3A_73 : i32 to vector<16xi32>
    %add3A_75 = arith.addi %broadcast_in_dim3A_3, %add3A_74 : vector<16xi32>
    %gather3A_76 = tpu.vector_load_idx %arg8[%add3A_75] : memref<64xi32, #tpu.memory_space<vmem>>[vector<16xi32>], vector<16xi32>,
    %swap3A_77 = arith.constant 0 : index
    %swap3A_78 = tpu.vector_load %arg9[%swap3A_77] {strides = array<i32>} : memref<256xi32, #tpu.memory_space<vmem>>, vector<16xi32>,
    tpu.vector_store %arg9[%swap3A_77], %broadcast_in_dim3A_5 {strides = array<i32>} : memref<256xi32, #tpu.memory_space<vmem>>, vector<16xi32>,
    %swap3A_79 = arith.constant 16 : index
    %swap3A_80 = tpu.vector_load %arg9[%swap3A_79] {strides = array<i32>} : memref<256xi32, #tpu.memory_space<vmem>>, vector<16xi32>,
    tpu.vector_store %arg9[%swap3A_79], %broadcast_in_dim3A_5 {strides = array<i32>} : memref<256xi32, #tpu.memory_space<vmem>>, vector<16xi32>,
    %swap3A_81 = arith.constant 32 : index
    %swap3A_82 = tpu.vector_load %arg9[%swap3A_81] {strides = array<i32>} : memref<256xi32, #tpu.memory_space<vmem>>, vector<16xi32>,
    tpu.vector_store %arg9[%swap3A_81], %broadcast_in_dim3A_5 {strides = array<i32>} : memref<256xi32, #tpu.memory_space<vmem>>, vector<16xi32>,
    %swap3A_83 = arith.constant 48 : index
    %swap3A_84 = tpu.vector_load %arg9[%swap3A_83] {strides = array<i32>} : memref<256xi32, #tpu.memory_space<vmem>>, vector<16xi32>,
    tpu.vector_store %arg9[%swap3A_83], %broadcast_in_dim3A_5 {strides = array<i32>} : memref<256xi32, #tpu.memory_space<vmem>>, vector<16xi32>,
    %swap3A_85 = arith.constant 64 : index
    %swap3A_86 = tpu.vector_load %arg9[%swap3A_85] {strides = array<i32>} : memref<256xi32, #tpu.memory_space<vmem>>, vector<16xi32>,
    tpu.vector_store %arg9[%swap3A_85], %broadcast_in_dim3A_5 {strides = array<i32>} : memref<256xi32, #tpu.memory_space<vmem>>, vector<16xi32>,
    %swap3A_87 = arith.constant 80 : index
    %swap3A_88 = tpu.vector_load %arg9[%swap3A_87] {strides = array<i32>} : memref<256xi32, #tpu.memory_space<vmem>>, vector<16xi32>,
    tpu.vector_store %arg9[%swap3A_87], %broadcast_in_dim3A_5 {strides = array<i32>} : memref<256xi32, #tpu.memory_space<vmem>>, vector<16xi32>,
    %swap3A_89 = arith.constant 96 : index
    %swap3A_90 = tpu.vector_load %arg9[%swap3A_89] {strides = array<i32>} : memref<256xi32, #tpu.memory_space<vmem>>, vector<16xi32>,
    tpu.vector_store %arg9[%swap3A_89], %broadcast_in_dim3A_5 {strides = array<i32>} : memref<256xi32, #tpu.memory_space<vmem>>, vector<16xi32>,
    %swap3A_91 = arith.constant 112 : index
    %swap3A_92 = tpu.vector_load %arg9[%swap3A_91] {strides = array<i32>} : memref<256xi32, #tpu.memory_space<vmem>>, vector<16xi32>,
    tpu.vector_store %arg9[%swap3A_91], %broadcast_in_dim3A_5 {strides = array<i32>} : memref<256xi32, #tpu.memory_space<vmem>>, vector<16xi32>,
    %swap3A_93 = arith.constant 128 : index
    %swap3A_94 = tpu.vector_load %arg9[%swap3A_93] {strides = array<i32>} : memref<256xi32, #tpu.memory_space<vmem>>, vector<16xi32>,
    tpu.vector_store %arg9[%swap3A_93], %broadcast_in_dim3A_5 {strides = array<i32>} : memref<256xi32, #tpu.memory_space<vmem>>, vector<16xi32>,
    %swap3A_95 = arith.constant 144 : index
    %swap3A_96 = tpu.vector_load %arg9[%swap3A_95] {strides = array<i32>} : memref<256xi32, #tpu.memory_space<vmem>>, vector<16xi32>,
    tpu.vector_store %arg9[%swap3A_95], %broadcast_in_dim3A_5 {strides = array<i32>} : memref<256xi32, #tpu.memory_space<vmem>>, vector<16xi32>,
    %swap3A_97 = arith.constant 160 : index
    %swap3A_98 = tpu.vector_load %arg9[%swap3A_97] {strides = array<i32>} : memref<256xi32, #tpu.memory_space<vmem>>, vector<16xi32>,
    tpu.vector_store %arg9[%swap3A_97], %broadcast_in_dim3A_5 {strides = array<i32>} : memref<256xi32, #tpu.memory_space<vmem>>, vector<16xi32>,
    %swap3A_99 = arith.constant 176 : index
    %swap3A_100 = tpu.vector_load %arg9[%swap3A_99] {strides = array<i32>} : memref<256xi32, #tpu.memory_space<vmem>>, vector<16xi32>,
    tpu.vector_store %arg9[%swap3A_99], %broadcast_in_dim3A_5 {strides = array<i32>} : memref<256xi32, #tpu.memory_space<vmem>>, vector<16xi32>,
    %swap3A_101 = arith.constant 192 : index
    %swap3A_102 = tpu.vector_load %arg9[%swap3A_101] {strides = array<i32>} : memref<256xi32, #tpu.memory_space<vmem>>, vector<16xi32>,
    tpu.vector_store %arg9[%swap3A_101], %broadcast_in_dim3A_5 {strides = array<i32>} : memref<256xi32, #tpu.memory_space<vmem>>, vector<16xi32>,
    %swap3A_103 = arith.constant 208 : index
    %swap3A_104 = tpu.vector_load %arg9[%swap3A_103] {strides = array<i32>} : memref<256xi32, #tpu.memory_space<vmem>>, vector<16xi32>,
    tpu.vector_store %arg9[%swap3A_103], %broadcast_in_dim3A_5 {strides = array<i32>} : memref<256xi32, #tpu.memory_space<vmem>>, vector<16xi32>,
    %swap3A_105 = arith.constant 224 : index
    %swap3A_106 = tpu.vector_load %arg9[%swap3A_105] {strides = array<i32>} : memref<256xi32, #tpu.memory_space<vmem>>, vector<16xi32>,
    tpu.vector_store %arg9[%swap3A_105], %broadcast_in_dim3A_5 {strides = array<i32>} : memref<256xi32, #tpu.memory_space<vmem>>, vector<16xi32>,
    %swap3A_107 = arith.constant 240 : index
    %swap3A_108 = tpu.vector_load %arg9[%swap3A_107] {strides = array<i32>} : memref<256xi32, #tpu.memory_space<vmem>>, vector<16xi32>,
    tpu.vector_store %arg9[%swap3A_107], %broadcast_in_dim3A_5 {strides = array<i32>} : memref<256xi32, #tpu.memory_space<vmem>>, vector<16xi32>,
    %scan3A_109 = arith.constant 0 : i32
    %scan3A_110 = arith.constant 2048 : i32
    %scan3A_111 = arith.addi %scan3A_109, %scan3A_110 : i32
    %scan3A_112 = arith.constant 4 : i32
    %scan3A_113 = scf.for %scan3A_115 = %scan3A_109 to %scan3A_111 step %scan3A_112 iter_args(%scan3A_116 = %broadcast_in_dim3A_3) -> (vector<16xi32>)  : i32 {
      %mul3A_117 = arith.constant 16 : i32
      %mul3A_118 = arith.muli %scan3A_115, %mul3A_117 : i32
      %get3A = arith.index_cast %mul3A_118 : i32 to index
      %get3A_119 = tpu.vector_load %arg7[%get3A] {strides = array<i32>} : memref<32768xf32, #tpu.memory_space<vmem>>, vector<16xf32>,
      %bitcast_convert_type3A = tpu.bitcast %get3A_119 : vector<16xf32> -> vector<16xi32>
      %shift_right_arithmetic3A = arith.constant 31 : i32
      %shift_right_arithmetic3A_120 = vector.broadcast %shift_right_arithmetic3A : i32 to vector<16xi32>
      %shift_right_arithmetic3A_121 = arith.shrsi %bitcast_convert_type3A, %shift_right_arithmetic3A_120 : vector<16xi32>
      %and3A = arith.constant 2147483647 : i32
      %and3A_122 = vector.broadcast %and3A : i32 to vector<16xi32>
      %and3A_123 = arith.andi %shift_right_arithmetic3A_121, %and3A_122 : vector<16xi32>
      %xor3A = arith.xori %bitcast_convert_type3A, %and3A_123 : vector<16xi32>
      %ge3A = arith.cmpi sge, %xor3A, %gather3A_76 : vector<16xi32>
      %jit3A = arith.constant 1 : i32
      %jit3A_124 = arith.constant 0 : i32
      %broadcast_in_dim3A_125 = vector.broadcast %jit3A : i32 to vector<16xi32>
      %broadcast_in_dim3A_126 = vector.broadcast %jit3A_124 : i32 to vector<16xi32>
      %select_n3A = arith.select %ge3A, %broadcast_in_dim3A_125, %broadcast_in_dim3A_126 : vector<16xi1>, vector<16xi32>
      %broadcast_in_dim3A_127 = arith.constant true
      %broadcast_in_dim3A_128 = vector.broadcast %broadcast_in_dim3A_127 : i1 to vector<16xi1>
      %masked_cumsum3A = tpu.scan <sum>, %select_n3A masked %broadcast_in_dim3A_128 : vector<16xi32>, vector<16xi1> -> vector<16xi32>
      %add3A_129 = arith.addi %scan3A_116, %masked_cumsum3A : vector<16xi32>
      %sub3A = arith.constant 1 : i32
      %sub3A_130 = vector.broadcast %sub3A : i32 to vector<16xi32>
      %sub3A_131 = arith.subi %add3A_129, %sub3A_130 : vector<16xi32>
      %min3A = arith.constant 255 : i32
      %min3A_132 = vector.broadcast %min3A : i32 to vector<16xi32>
      %min3A_133 = arith.minsi %sub3A_131, %min3A_132 : vector<16xi32>
      %mul3A_134 = arith.constant 16 : i32
      %mul3A_135 = arith.muli %scan3A_115, %mul3A_134 : i32
      %add3A_136 = vector.broadcast %mul3A_135 : i32 to vector<16xi32>
      %add3A_137 = arith.addi %iota3A, %add3A_136 : vector<16xi32>
      tpu.vector_store_idx %arg10[%min3A_133], %add3A_137 masked %ge3A : memref<256xi32, #tpu.memory_space<vmem>>[vector<16xi32>], vector<16xi32>, vector<16xi1>
      tpu.vector_store_idx %arg9[%min3A_133], %xor3A masked %ge3A : memref<256xi32, #tpu.memory_space<vmem>>[vector<16xi32>], vector<16xi32>, vector<16xi1>
      %all_reduce_population_count3A = tpu.all_reduce %ge3A {dim = 0 : i64, kind = #tpu.reduction_kind<sum>} : vector<16xi1> -> vector<16xi32>
      %add3A_138 = arith.addi %scan3A_116, %all_reduce_population_count3A : vector<16xi32>
      %scan3A_139 = arith.constant 1 : i32
      %scan3A_140 = arith.addi %scan3A_115, %scan3A_139 : i32
      %mul3A_141 = arith.constant 16 : i32
      %mul3A_142 = arith.muli %scan3A_140, %mul3A_141 : i32
      %get3A_143 = arith.index_cast %mul3A_142 : i32 to index
      %get3A_144 = tpu.vector_load %arg7[%get3A_143] {strides = array<i32>} : memref<32768xf32, #tpu.memory_space<vmem>>, vector<16xf32>,
      %bitcast_convert_type3A_145 = tpu.bitcast %get3A_144 : vector<16xf32> -> vector<16xi32>
      %shift_right_arithmetic3A_146 = arith.constant 31 : i32
      %shift_right_arithmetic3A_147 = vector.broadcast %shift_right_arithmetic3A_146 : i32 to vector<16xi32>
      %shift_right_arithmetic3A_148 = arith.shrsi %bitcast_convert_type3A_145, %shift_right_arithmetic3A_147 : vector<16xi32>
      %and3A_149 = arith.constant 2147483647 : i32
      %and3A_150 = vector.broadcast %and3A_149 : i32 to vector<16xi32>
      %and3A_151 = arith.andi %shift_right_arithmetic3A_148, %and3A_150 : vector<16xi32>
      %xor3A_152 = arith.xori %bitcast_convert_type3A_145, %and3A_151 : vector<16xi32>
      %ge3A_153 = arith.cmpi sge, %xor3A_152, %gather3A_76 : vector<16xi32>
      %jit3A_154 = arith.constant 1 : i32
      %jit3A_155 = arith.constant 0 : i32
      %broadcast_in_dim3A_156 = vector.broadcast %jit3A_154 : i32 to vector<16xi32>
      %broadcast_in_dim3A_157 = vector.broadcast %jit3A_155 : i32 to vector<16xi32>
      %select_n3A_158 = arith.select %ge3A_153, %broadcast_in_dim3A_156, %broadcast_in_dim3A_157 : vector<16xi1>, vector<16xi32>
      %broadcast_in_dim3A_159 = arith.constant true
      %broadcast_in_dim3A_160 = vector.broadcast %broadcast_in_dim3A_159 : i1 to vector<16xi1>
      %masked_cumsum3A_161 = tpu.scan <sum>, %select_n3A_158 masked %broadcast_in_dim3A_160 : vector<16xi32>, vector<16xi1> -> vector<16xi32>
      %add3A_162 = arith.addi %add3A_138, %masked_cumsum3A_161 : vector<16xi32>
      %sub3A_163 = arith.constant 1 : i32
      %sub3A_164 = vector.broadcast %sub3A_163 : i32 to vector<16xi32>
      %sub3A_165 = arith.subi %add3A_162, %sub3A_164 : vector<16xi32>
      %min3A_166 = arith.constant 255 : i32
      %min3A_167 = vector.broadcast %min3A_166 : i32 to vector<16xi32>
      %min3A_168 = arith.minsi %sub3A_165, %min3A_167 : vector<16xi32>
      %mul3A_169 = arith.constant 16 : i32
      %mul3A_170 = arith.muli %scan3A_140, %mul3A_169 : i32
      %add3A_171 = vector.broadcast %mul3A_170 : i32 to vector<16xi32>
      %add3A_172 = arith.addi %iota3A, %add3A_171 : vector<16xi32>
      tpu.vector_store_idx %arg10[%min3A_168], %add3A_172 masked %ge3A_153 : memref<256xi32, #tpu.memory_space<vmem>>[vector<16xi32>], vector<16xi32>, vector<16xi1>
      tpu.vector_store_idx %arg9[%min3A_168], %xor3A_152 masked %ge3A_153 : memref<256xi32, #tpu.memory_space<vmem>>[vector<16xi32>], vector<16xi32>, vector<16xi1>
      %all_reduce_population_count3A_173 = tpu.all_reduce %ge3A_153 {dim = 0 : i64, kind = #tpu.reduction_kind<sum>} : vector<16xi1> -> vector<16xi32>
      %add3A_174 = arith.addi %add3A_138, %all_reduce_population_count3A_173 : vector<16xi32>
      %scan3A_175 = arith.constant 2 : i32
      %scan3A_176 = arith.addi %scan3A_115, %scan3A_175 : i32
      %mul3A_177 = arith.constant 16 : i32
      %mul3A_178 = arith.muli %scan3A_176, %mul3A_177 : i32
      %get3A_179 = arith.index_cast %mul3A_178 : i32 to index
      %get3A_180 = tpu.vector_load %arg7[%get3A_179] {strides = array<i32>} : memref<32768xf32, #tpu.memory_space<vmem>>, vector<16xf32>,
      %bitcast_convert_type3A_181 = tpu.bitcast %get3A_180 : vector<16xf32> -> vector<16xi32>
      %shift_right_arithmetic3A_182 = arith.constant 31 : i32
      %shift_right_arithmetic3A_183 = vector.broadcast %shift_right_arithmetic3A_182 : i32 to vector<16xi32>
      %shift_right_arithmetic3A_184 = arith.shrsi %bitcast_convert_type3A_181, %shift_right_arithmetic3A_183 : vector<16xi32>
      %and3A_185 = arith.constant 2147483647 : i32
      %and3A_186 = vector.broadcast %and3A_185 : i32 to vector<16xi32>
      %and3A_187 = arith.andi %shift_right_arithmetic3A_184, %and3A_186 : vector<16xi32>
      %xor3A_188 = arith.xori %bitcast_convert_type3A_181, %and3A_187 : vector<16xi32>
      %ge3A_189 = arith.cmpi sge, %xor3A_188, %gather3A_76 : vector<16xi32>
      %jit3A_190 = arith.constant 1 : i32
      %jit3A_191 = arith.constant 0 : i32
      %broadcast_in_dim3A_192 = vector.broadcast %jit3A_190 : i32 to vector<16xi32>
      %broadcast_in_dim3A_193 = vector.broadcast %jit3A_191 : i32 to vector<16xi32>
      %select_n3A_194 = arith.select %ge3A_189, %broadcast_in_dim3A_192, %broadcast_in_dim3A_193 : vector<16xi1>, vector<16xi32>
      %broadcast_in_dim3A_195 = arith.constant true
      %broadcast_in_dim3A_196 = vector.broadcast %broadcast_in_dim3A_195 : i1 to vector<16xi1>
      %masked_cumsum3A_197 = tpu.scan <sum>, %select_n3A_194 masked %broadcast_in_dim3A_196 : vector<16xi32>, vector<16xi1> -> vector<16xi32>
      %add3A_198 = arith.addi %add3A_174, %masked_cumsum3A_197 : vector<16xi32>
      %sub3A_199 = arith.constant 1 : i32
      %sub3A_200 = vector.broadcast %sub3A_199 : i32 to vector<16xi32>
      %sub3A_201 = arith.subi %add3A_198, %sub3A_200 : vector<16xi32>
      %min3A_202 = arith.constant 255 : i32
      %min3A_203 = vector.broadcast %min3A_202 : i32 to vector<16xi32>
      %min3A_204 = arith.minsi %sub3A_201, %min3A_203 : vector<16xi32>
      %mul3A_205 = arith.constant 16 : i32
      %mul3A_206 = arith.muli %scan3A_176, %mul3A_205 : i32
      %add3A_207 = vector.broadcast %mul3A_206 : i32 to vector<16xi32>
      %add3A_208 = arith.addi %iota3A, %add3A_207 : vector<16xi32>
      tpu.vector_store_idx %arg10[%min3A_204], %add3A_208 masked %ge3A_189 : memref<256xi32, #tpu.memory_space<vmem>>[vector<16xi32>], vector<16xi32>, vector<16xi1>
      tpu.vector_store_idx %arg9[%min3A_204], %xor3A_188 masked %ge3A_189 : memref<256xi32, #tpu.memory_space<vmem>>[vector<16xi32>], vector<16xi32>, vector<16xi1>
      %all_reduce_population_count3A_209 = tpu.all_reduce %ge3A_189 {dim = 0 : i64, kind = #tpu.reduction_kind<sum>} : vector<16xi1> -> vector<16xi32>
      %add3A_210 = arith.addi %add3A_174, %all_reduce_population_count3A_209 : vector<16xi32>
      %scan3A_211 = arith.constant 3 : i32
      %scan3A_212 = arith.addi %scan3A_115, %scan3A_211 : i32
      %mul3A_213 = arith.constant 16 : i32
      %mul3A_214 = arith.muli %scan3A_212, %mul3A_213 : i32
      %get3A_215 = arith.index_cast %mul3A_214 : i32 to index
      %get3A_216 = tpu.vector_load %arg7[%get3A_215] {strides = array<i32>} : memref<32768xf32, #tpu.memory_space<vmem>>, vector<16xf32>,
      %bitcast_convert_type3A_217 = tpu.bitcast %get3A_216 : vector<16xf32> -> vector<16xi32>
      %shift_right_arithmetic3A_218 = arith.constant 31 : i32
      %shift_right_arithmetic3A_219 = vector.broadcast %shift_right_arithmetic3A_218 : i32 to vector<16xi32>
      %shift_right_arithmetic3A_220 = arith.shrsi %bitcast_convert_type3A_217, %shift_right_arithmetic3A_219 : vector<16xi32>
      %and3A_221 = arith.constant 2147483647 : i32
      %and3A_222 = vector.broadcast %and3A_221 : i32 to vector<16xi32>
      %and3A_223 = arith.andi %shift_right_arithmetic3A_220, %and3A_222 : vector<16xi32>
      %xor3A_224 = arith.xori %bitcast_convert_type3A_217, %and3A_223 : vector<16xi32>
      %ge3A_225 = arith.cmpi sge, %xor3A_224, %gather3A_76 : vector<16xi32>
      %jit3A_226 = arith.constant 1 : i32
      %jit3A_227 = arith.constant 0 : i32
      %broadcast_in_dim3A_228 = vector.broadcast %jit3A_226 : i32 to vector<16xi32>
      %broadcast_in_dim3A_229 = vector.broadcast %jit3A_227 : i32 to vector<16xi32>
      %select_n3A_230 = arith.select %ge3A_225, %broadcast_in_dim3A_228, %broadcast_in_dim3A_229 : vector<16xi1>, vector<16xi32>
      %broadcast_in_dim3A_231 = arith.constant true
      %broadcast_in_dim3A_232 = vector.broadcast %broadcast_in_dim3A_231 : i1 to vector<16xi1>
      %masked_cumsum3A_233 = tpu.scan <sum>, %select_n3A_230 masked %broadcast_in_dim3A_232 : vector<16xi32>, vector<16xi1> -> vector<16xi32>
      %add3A_234 = arith.addi %add3A_210, %masked_cumsum3A_233 : vector<16xi32>
      %sub3A_235 = arith.constant 1 : i32
      %sub3A_236 = vector.broadcast %sub3A_235 : i32 to vector<16xi32>
      %sub3A_237 = arith.subi %add3A_234, %sub3A_236 : vector<16xi32>
      %min3A_238 = arith.constant 255 : i32
      %min3A_239 = vector.broadcast %min3A_238 : i32 to vector<16xi32>
      %min3A_240 = arith.minsi %sub3A_237, %min3A_239 : vector<16xi32>
      %mul3A_241 = arith.constant 16 : i32
      %mul3A_242 = arith.muli %scan3A_212, %mul3A_241 : i32
      %add3A_243 = vector.broadcast %mul3A_242 : i32 to vector<16xi32>
      %add3A_244 = arith.addi %iota3A, %add3A_243 : vector<16xi32>
      tpu.vector_store_idx %arg10[%min3A_240], %add3A_244 masked %ge3A_225 : memref<256xi32, #tpu.memory_space<vmem>>[vector<16xi32>], vector<16xi32>, vector<16xi1>
      tpu.vector_store_idx %arg9[%min3A_240], %xor3A_224 masked %ge3A_225 : memref<256xi32, #tpu.memory_space<vmem>>[vector<16xi32>], vector<16xi32>, vector<16xi1>
      %all_reduce_population_count3A_245 = tpu.all_reduce %ge3A_225 {dim = 0 : i64, kind = #tpu.reduction_kind<sum>} : vector<16xi1> -> vector<16xi32>
      %add3A_246 = arith.addi %add3A_210, %all_reduce_population_count3A_245 : vector<16xi32>
      scf.yield %add3A_246 : vector<16xi32>
    }
    %scan3A_114 = arith.constant 2048 : i32
    "tpu.region"() ({
      %run_scoped3A = tpu.sem_alloc : memref<!tpu.dma_semaphore, #tpu.memory_space<semaphore_mem>>
      %dma_start3A_115 = arith.constant 0 : i32
      %dma_start3A_116 = tpu.memref_slice %arg4[%add3A_73, %dma_start3A_115] : memref<64x256xi32, #tpu.memory_space<hbm>> -> memref<1x256xi32, #tpu.memory_space<hbm>>
      %dma_start3A_117 = tpu.memref_squeeze %dma_start3A_116 : memref<1x256xi32, #tpu.memory_space<hbm>> -> memref<256xi32, #tpu.memory_space<hbm>>
      %dma_start3A_118 = arith.constant 0 : i32
      %dma_start3A_119 = tpu.memref_slice %arg4[%add3A_73, %dma_start3A_118] : memref<64x256xi32, #tpu.memory_space<hbm>> -> memref<1x256xi32, #tpu.memory_space<hbm>>
      %dma_start3A_120 = tpu.memref_squeeze %dma_start3A_119 : memref<1x256xi32, #tpu.memory_space<hbm>> -> memref<256xi32, #tpu.memory_space<hbm>>
      tpu.enqueue_dma source(%arg9 : memref<256xi32, #tpu.memory_space<vmem>>) target(%dma_start3A_120 : memref<256xi32, #tpu.memory_space<hbm>>) target_semaphore(%run_scoped3A : memref<!tpu.dma_semaphore, #tpu.memory_space<semaphore_mem>>)
      %dma_wait3A_121 = arith.constant 0 : i32
      %dma_wait3A_122 = tpu.memref_slice %arg4[%add3A_73, %dma_wait3A_121] : memref<64x256xi32, #tpu.memory_space<hbm>> -> memref<1x256xi32, #tpu.memory_space<hbm>>
      %dma_wait3A_123 = tpu.memref_squeeze %dma_wait3A_122 : memref<1x256xi32, #tpu.memory_space<hbm>> -> memref<256xi32, #tpu.memory_space<hbm>>
      %dma_wait3A_124 = arith.constant 0 : i32
      %dma_wait3A_125 = tpu.memref_slice %arg4[%add3A_73, %dma_wait3A_124] : memref<64x256xi32, #tpu.memory_space<hbm>> -> memref<1x256xi32, #tpu.memory_space<hbm>>
      %dma_wait3A_126 = tpu.memref_squeeze %dma_wait3A_125 : memref<1x256xi32, #tpu.memory_space<hbm>> -> memref<256xi32, #tpu.memory_space<hbm>>
      tpu.wait_dma2 semaphore(%run_scoped3A : memref<!tpu.dma_semaphore, #tpu.memory_space<semaphore_mem>>) src(%arg9 : memref<256xi32, #tpu.memory_space<vmem>>) dst(%dma_wait3A_126 : memref<256xi32, #tpu.memory_space<hbm>>)
      tpu.yield
    }) : () -> ()
    "tpu.region"() ({
      %run_scoped3A = tpu.sem_alloc : memref<!tpu.dma_semaphore, #tpu.memory_space<semaphore_mem>>
      %dma_start3A_115 = arith.constant 0 : i32
      %dma_start3A_116 = tpu.memref_slice %arg5[%add3A_73, %dma_start3A_115] : memref<64x256xi32, #tpu.memory_space<hbm>> -> memref<1x256xi32, #tpu.memory_space<hbm>>
      %dma_start3A_117 = tpu.memref_squeeze %dma_start3A_116 : memref<1x256xi32, #tpu.memory_space<hbm>> -> memref<256xi32, #tpu.memory_space<hbm>>
      %dma_start3A_118 = arith.constant 0 : i32
      %dma_start3A_119 = tpu.memref_slice %arg5[%add3A_73, %dma_start3A_118] : memref<64x256xi32, #tpu.memory_space<hbm>> -> memref<1x256xi32, #tpu.memory_space<hbm>>
      %dma_start3A_120 = tpu.memref_squeeze %dma_start3A_119 : memref<1x256xi32, #tpu.memory_space<hbm>> -> memref<256xi32, #tpu.memory_space<hbm>>
      tpu.enqueue_dma source(%arg10 : memref<256xi32, #tpu.memory_space<vmem>>) target(%dma_start3A_120 : memref<256xi32, #tpu.memory_space<hbm>>) target_semaphore(%run_scoped3A : memref<!tpu.dma_semaphore, #tpu.memory_space<semaphore_mem>>)
      %dma_wait3A_121 = arith.constant 0 : i32
      %dma_wait3A_122 = tpu.memref_slice %arg5[%add3A_73, %dma_wait3A_121] : memref<64x256xi32, #tpu.memory_space<hbm>> -> memref<1x256xi32, #tpu.memory_space<hbm>>
      %dma_wait3A_123 = tpu.memref_squeeze %dma_wait3A_122 : memref<1x256xi32, #tpu.memory_space<hbm>> -> memref<256xi32, #tpu.memory_space<hbm>>
      %dma_wait3A_124 = arith.constant 0 : i32
      %dma_wait3A_125 = tpu.memref_slice %arg5[%add3A_73, %dma_wait3A_124] : memref<64x256xi32, #tpu.memory_space<hbm>> -> memref<1x256xi32, #tpu.memory_space<hbm>>
      %dma_wait3A_126 = tpu.memref_squeeze %dma_wait3A_125 : memref<1x256xi32, #tpu.memory_space<hbm>> -> memref<256xi32, #tpu.memory_space<hbm>>
      tpu.wait_dma2 semaphore(%run_scoped3A : memref<!tpu.dma_semaphore, #tpu.memory_space<semaphore_mem>>) src(%arg10 : memref<256xi32, #tpu.memory_space<vmem>>) dst(%dma_wait3A_126 : memref<256xi32, #tpu.memory_space<hbm>>)
      tpu.yield
    }) : () -> ()
    return
  }
}

module attributes {stable_mosaic.version = 14 : i64} {
  func.func @_thresh_body(%arg0: i32, %arg1: memref<16x32768xf32, #tpu.memory_space<vmem>>, %arg2: memref<16x1xi32, #tpu.memory_space<vmem>>, %arg3: memref<16x32768xi32, #tpu.memory_space<vmem>>) attributes {dimension_semantics = [#tpu.dimension_semantics<arbitrary>], iteration_bounds = array<i64: 4>, scalar_prefetch = 0 : i64, scratch_operands = 1 : i64, tpu.core_type = #tpu.core_type<tc>, window_params = [{transform_indices = @transform_0, window_bounds = array<i64: 16, 32768>}, {transform_indices = @transform_1, window_bounds = array<i64: 16, 1>}]} {
    %get3A = arith.constant 0 : index
    %get3A_0 = arith.constant 0 : index
    %get3A_1 = vector.load %arg1[%get3A, %get3A_0] : memref<16x32768xf32, #tpu.memory_space<vmem>>, vector<16x32768xf32>
    %bitcast_convert_type3A = tpu.bitcast %get3A_1 : vector<16x32768xf32> -> vector<16x32768xi32>
    %shift_right_arithmetic3A = arith.constant 31 : i32
    %shift_right_arithmetic3A_2 = vector.broadcast %shift_right_arithmetic3A : i32 to vector<16x32768xi32>
    %shift_right_arithmetic3A_3 = arith.shrsi %bitcast_convert_type3A, %shift_right_arithmetic3A_2 : vector<16x32768xi32>
    %and3A = arith.constant 2147483647 : i32
    %and3A_4 = vector.broadcast %and3A : i32 to vector<16x32768xi32>
    %and3A_5 = arith.andi %shift_right_arithmetic3A_3, %and3A_4 : vector<16x32768xi32>
    %xor3A = arith.xori %bitcast_convert_type3A, %and3A_5 : vector<16x32768xi32>
    %swap3A = arith.constant 0 : index
    %swap3A_6 = arith.constant 0 : index
    %swap3A_7 = vector.load %arg3[%swap3A, %swap3A_6] : memref<16x32768xi32, #tpu.memory_space<vmem>>, vector<16x32768xi32>
    tpu.vector_store %arg3[%swap3A, %swap3A_6], %xor3A {strides = array<i32>} : memref<16x32768xi32, #tpu.memory_space<vmem>>, vector<16x32768xi32>,
    %ge3A = arith.constant 0 : i32
    %ge3A_8 = vector.broadcast %ge3A : i32 to vector<16x32768xi32>
    %ge3A_9 = arith.cmpi sge, %xor3A, %ge3A_8 : vector<16x32768xi32>
    %convert_element_type3A = arith.extui %ge3A_9 : vector<16x32768xi1> to vector<16x32768xi32>
    %reduce_sum3A = arith.constant dense<0> : vector<16xi32>
    %reduce_sum3A_10 = vector.multi_reduction <add>, %convert_element_type3A, %reduce_sum3A [1] : vector<16x32768xi32> to vector<16xi32>
    %broadcast_in_dim3A = vector.shape_cast %reduce_sum3A_10 : vector<16xi32> to vector<16x1xi32>
    %ge3A_11 = arith.constant 200 : i32
    %ge3A_12 = vector.broadcast %ge3A_11 : i32 to vector<16x1xi32>
    %ge3A_13 = arith.cmpi sge, %broadcast_in_dim3A, %ge3A_12 : vector<16x1xi32>
    %jit3A = arith.constant 0 : i32
    %jit3A_14 = arith.constant -2147483648 : i32
    %broadcast_in_dim3A_15 = vector.broadcast %jit3A : i32 to vector<16x1xi32>
    %broadcast_in_dim3A_16 = vector.broadcast %jit3A_14 : i32 to vector<16x1xi32>
    %select_n3A = arith.select %ge3A_13, %broadcast_in_dim3A_15, %broadcast_in_dim3A_16 : vector<16x1xi1>, vector<16x1xi32>
    %scan3A = arith.constant 200 : i32
    %scan3A_17 = arith.constant 0 : i32
    %scan3A_18 = arith.constant 15 : i32
    %scan3A_19 = arith.addi %scan3A_17, %scan3A_18 : i32
    %scan3A_20 = arith.constant 1 : i32
    %scan3A_21 = scf.for %scan3A_26 = %scan3A_17 to %scan3A_19 step %scan3A_20 iter_args(%scan3A_27 = %select_n3A) -> (vector<16x1xi32>)  : i32 {
      %sub3A = arith.constant 30 : i32
      %sub3A_28 = arith.subi %sub3A, %scan3A_26 : i32
      %shift_left3A = arith.constant 1 : i32
      %shift_left3A_29 = arith.shli %shift_left3A, %sub3A_28 : i32
      %add3A = vector.broadcast %shift_left3A_29 : i32 to vector<16x1xi32>
      %add3A_30 = arith.addi %scan3A_27, %add3A : vector<16x1xi32>
      %get3A_31 = arith.constant 0 : index
      %get3A_32 = arith.constant 0 : index
      %get3A_33 = vector.load %arg3[%get3A_31, %get3A_32] : memref<16x32768xi32, #tpu.memory_space<vmem>>, vector<16x32768xi32>
      %ge3A_34 = vector.broadcast %add3A_30 : vector<16x1xi32> to vector<16x32768xi32>
      %ge3A_35 = arith.cmpi sge, %get3A_33, %ge3A_34 : vector<16x32768xi32>
      %convert_element_type3A_36 = arith.extui %ge3A_35 : vector<16x32768xi1> to vector<16x32768xi32>
      %reduce_sum3A_37 = arith.constant dense<0> : vector<16xi32>
      %reduce_sum3A_38 = vector.multi_reduction <add>, %convert_element_type3A_36, %reduce_sum3A_37 [1] : vector<16x32768xi32> to vector<16xi32>
      %broadcast_in_dim3A_39 = vector.shape_cast %reduce_sum3A_38 : vector<16xi32> to vector<16x1xi32>
      %ge3A_40 = vector.broadcast %scan3A : i32 to vector<16x1xi32>
      %ge3A_41 = arith.cmpi sge, %broadcast_in_dim3A_39, %ge3A_40 : vector<16x1xi32>
      %select_n3A_42 = arith.select %ge3A_41, %add3A_30, %scan3A_27 : vector<16x1xi1>, vector<16x1xi32>
      scf.yield %select_n3A_42 : vector<16x1xi32>
    }
    %scan3A_22 = arith.constant 15 : i32
    %swap3A_23 = arith.constant 0 : index
    %swap3A_24 = arith.constant 0 : index
    %swap3A_25 = vector.load %arg2[%swap3A_23, %swap3A_24] : memref<16x1xi32, #tpu.memory_space<vmem>>, vector<16x1xi32>
    tpu.vector_store %arg2[%swap3A_23, %swap3A_24], %scan3A_21 {strides = array<i32>} : memref<16x1xi32, #tpu.memory_space<vmem>>, vector<16x1xi32>,
    return
  }
  func.func @transform_0(%arg0: i32) -> (i32, i32) {
    %c0_i32 = arith.constant 0 : i32
    %c0_i32_0 = arith.constant 0 : i32
    return %arg0, %c0_i32 : i32, i32
  }
  func.func @transform_1(%arg0: i32) -> (i32, i32) {
    %c0_i32 = arith.constant 0 : i32
    %c0_i32_0 = arith.constant 0 : i32
    return %arg0, %c0_i32 : i32, i32
  }
}

module attributes {stable_mosaic.version = 14 : i64} {
  func.func @_sort_body(%arg0: memref<64x256xi32, #tpu.memory_space<vmem>>, %arg1: memref<64x256xi32, #tpu.memory_space<vmem>>, %arg2: memref<64x200xi32, #tpu.memory_space<vmem>>, %arg3: memref<64x200xf32, #tpu.memory_space<vmem>>) attributes {dimension_semantics = [], scalar_prefetch = 0 : i64, scratch_operands = 0 : i64, tpu.core_type = #tpu.core_type<tc>} {
    %get3A = arith.constant 0 : index
    %get3A_0 = arith.constant 0 : index
    %get3A_1 = vector.load %arg0[%get3A, %get3A_0] : memref<64x256xi32, #tpu.memory_space<vmem>>, vector<64x256xi32>
    %get3A_2 = arith.constant 0 : index
    %get3A_3 = arith.constant 0 : index
    %get3A_4 = vector.load %arg1[%get3A_2, %get3A_3] : memref<64x256xi32, #tpu.memory_space<vmem>>, vector<64x256xi32>
    %iota3A = tpu.iota {dimensions = array<i32: 1>} : vector<64x256xi32>
    %and3A = arith.constant 1 : i32
    %and3A_5 = vector.broadcast %and3A : i32 to vector<64x256xi32>
    %and3A_6 = arith.andi %iota3A, %and3A_5 : vector<64x256xi32>
    %ne3A = arith.constant 0 : i32
    %ne3A_7 = vector.broadcast %ne3A : i32 to vector<64x256xi32>
    %ne3A_8 = arith.cmpi ne, %and3A_6, %ne3A_7 : vector<64x256xi32>
    %slice3A = vector.extract_strided_slice %get3A_1 {offsets = [0, 255], sizes = [64, 1], strides = [1, 1]} : vector<64x256xi32> to vector<64x1xi32>
    %slice3A_9 = vector.extract_strided_slice %get3A_1 {offsets = [0, 0], sizes = [64, 255], strides = [1, 1]} : vector<64x256xi32> to vector<64x255xi32>
    %concatenate3A = tpu.concatenate %slice3A, %slice3A_9 in 1 : vector<64x1xi32>, vector<64x255xi32> -> vector<64x256xi32>
    %slice3A_10 = vector.extract_strided_slice %get3A_1 {offsets = [0, 1], sizes = [64, 255], strides = [1, 1]} : vector<64x256xi32> to vector<64x255xi32>
    %slice3A_11 = vector.extract_strided_slice %get3A_1 {offsets = [0, 0], sizes = [64, 1], strides = [1, 1]} : vector<64x256xi32> to vector<64x1xi32>
    %concatenate3A_12 = tpu.concatenate %slice3A_10, %slice3A_11 in 1 : vector<64x255xi32>, vector<64x1xi32> -> vector<64x256xi32>
    %select_n3A = arith.select %ne3A_8, %concatenate3A, %concatenate3A_12 : vector<64x256xi1>, vector<64x256xi32>
    %slice3A_13 = vector.extract_strided_slice %get3A_4 {offsets = [0, 255], sizes = [64, 1], strides = [1, 1]} : vector<64x256xi32> to vector<64x1xi32>
    %slice3A_14 = vector.extract_strided_slice %get3A_4 {offsets = [0, 0], sizes = [64, 255], strides = [1, 1]} : vector<64x256xi32> to vector<64x255xi32>
    %concatenate3A_15 = tpu.concatenate %slice3A_13, %slice3A_14 in 1 : vector<64x1xi32>, vector<64x255xi32> -> vector<64x256xi32>
    %slice3A_16 = vector.extract_strided_slice %get3A_4 {offsets = [0, 1], sizes = [64, 255], strides = [1, 1]} : vector<64x256xi32> to vector<64x255xi32>
    %slice3A_17 = vector.extract_strided_slice %get3A_4 {offsets = [0, 0], sizes = [64, 1], strides = [1, 1]} : vector<64x256xi32> to vector<64x1xi32>
    %concatenate3A_18 = tpu.concatenate %slice3A_16, %slice3A_17 in 1 : vector<64x255xi32>, vector<64x1xi32> -> vector<64x256xi32>
    %select_n3A_19 = arith.select %ne3A_8, %concatenate3A_15, %concatenate3A_18 : vector<64x256xi1>, vector<64x256xi32>
    %and3A_20 = arith.constant 2 : i32
    %and3A_21 = vector.broadcast %and3A_20 : i32 to vector<64x256xi32>
    %and3A_22 = arith.andi %iota3A, %and3A_21 : vector<64x256xi32>
    %eq3A = arith.constant 0 : i32
    %eq3A_23 = vector.broadcast %eq3A : i32 to vector<64x256xi32>
    %eq3A_24 = arith.cmpi eq, %and3A_22, %eq3A_23 : vector<64x256xi32>
    %xor3A = arith.xori %eq3A_24, %ne3A_8 : vector<64x256xi1>
    %gt3A = arith.cmpi sgt, %get3A_1, %select_n3A : vector<64x256xi32>
    %eq3A_25 = arith.cmpi eq, %get3A_1, %select_n3A : vector<64x256xi32>
    %lt3A = arith.cmpi slt, %get3A_4, %select_n3A_19 : vector<64x256xi32>
    %and3A_26 = arith.andi %eq3A_25, %lt3A : vector<64x256xi1>
    %or3A = arith.ori %gt3A, %and3A_26 : vector<64x256xi1>
    %eq3A_27 = arith.xori %xor3A, %or3A : vector<64x256xi1>
    %eq3A_28 = arith.constant dense<true> : vector<64x256xi1>
    %eq3A_29 = arith.xori %eq3A_27, %eq3A_28 : vector<64x256xi1>
    %select_n3A_30 = arith.select %eq3A_29, %get3A_1, %select_n3A : vector<64x256xi1>, vector<64x256xi32>
    %select_n3A_31 = arith.select %eq3A_29, %get3A_4, %select_n3A_19 : vector<64x256xi1>, vector<64x256xi32>
    %and3A_32 = arith.constant 2 : i32
    %and3A_33 = vector.broadcast %and3A_32 : i32 to vector<64x256xi32>
    %and3A_34 = arith.andi %iota3A, %and3A_33 : vector<64x256xi32>
    %ne3A_35 = arith.constant 0 : i32
    %ne3A_36 = vector.broadcast %ne3A_35 : i32 to vector<64x256xi32>
    %ne3A_37 = arith.cmpi ne, %and3A_34, %ne3A_36 : vector<64x256xi32>
    %slice3A_38 = vector.extract_strided_slice %select_n3A_30 {offsets = [0, 254], sizes = [64, 2], strides = [1, 1]} : vector<64x256xi32> to vector<64x2xi32>
    %slice3A_39 = vector.extract_strided_slice %select_n3A_30 {offsets = [0, 0], sizes = [64, 254], strides = [1, 1]} : vector<64x256xi32> to vector<64x254xi32>
    %concatenate3A_40 = tpu.concatenate %slice3A_38, %slice3A_39 in 1 : vector<64x2xi32>, vector<64x254xi32> -> vector<64x256xi32>
    %slice3A_41 = vector.extract_strided_slice %select_n3A_30 {offsets = [0, 2], sizes = [64, 254], strides = [1, 1]} : vector<64x256xi32> to vector<64x254xi32>
    %slice3A_42 = vector.extract_strided_slice %select_n3A_30 {offsets = [0, 0], sizes = [64, 2], strides = [1, 1]} : vector<64x256xi32> to vector<64x2xi32>
    %concatenate3A_43 = tpu.concatenate %slice3A_41, %slice3A_42 in 1 : vector<64x254xi32>, vector<64x2xi32> -> vector<64x256xi32>
    %select_n3A_44 = arith.select %ne3A_37, %concatenate3A_40, %concatenate3A_43 : vector<64x256xi1>, vector<64x256xi32>
    %slice3A_45 = vector.extract_strided_slice %select_n3A_31 {offsets = [0, 254], sizes = [64, 2], strides = [1, 1]} : vector<64x256xi32> to vector<64x2xi32>
    %slice3A_46 = vector.extract_strided_slice %select_n3A_31 {offsets = [0, 0], sizes = [64, 254], strides = [1, 1]} : vector<64x256xi32> to vector<64x254xi32>
    %concatenate3A_47 = tpu.concatenate %slice3A_45, %slice3A_46 in 1 : vector<64x2xi32>, vector<64x254xi32> -> vector<64x256xi32>
    %slice3A_48 = vector.extract_strided_slice %select_n3A_31 {offsets = [0, 2], sizes = [64, 254], strides = [1, 1]} : vector<64x256xi32> to vector<64x254xi32>
    %slice3A_49 = vector.extract_strided_slice %select_n3A_31 {offsets = [0, 0], sizes = [64, 2], strides = [1, 1]} : vector<64x256xi32> to vector<64x2xi32>
    %concatenate3A_50 = tpu.concatenate %slice3A_48, %slice3A_49 in 1 : vector<64x254xi32>, vector<64x2xi32> -> vector<64x256xi32>
    %select_n3A_51 = arith.select %ne3A_37, %concatenate3A_47, %concatenate3A_50 : vector<64x256xi1>, vector<64x256xi32>
    %and3A_52 = arith.constant 4 : i32
    %and3A_53 = vector.broadcast %and3A_52 : i32 to vector<64x256xi32>
    %and3A_54 = arith.andi %iota3A, %and3A_53 : vector<64x256xi32>
    %eq3A_55 = arith.constant 0 : i32
    %eq3A_56 = vector.broadcast %eq3A_55 : i32 to vector<64x256xi32>
    %eq3A_57 = arith.cmpi eq, %and3A_54, %eq3A_56 : vector<64x256xi32>
    %xor3A_58 = arith.xori %eq3A_57, %ne3A_37 : vector<64x256xi1>
    %gt3A_59 = arith.cmpi sgt, %select_n3A_30, %select_n3A_44 : vector<64x256xi32>
    %eq3A_60 = arith.cmpi eq, %select_n3A_30, %select_n3A_44 : vector<64x256xi32>
    %lt3A_61 = arith.cmpi slt, %select_n3A_31, %select_n3A_51 : vector<64x256xi32>
    %and3A_62 = arith.andi %eq3A_60, %lt3A_61 : vector<64x256xi1>
    %or3A_63 = arith.ori %gt3A_59, %and3A_62 : vector<64x256xi1>
    %eq3A_64 = arith.xori %xor3A_58, %or3A_63 : vector<64x256xi1>
    %eq3A_65 = arith.constant dense<true> : vector<64x256xi1>
    %eq3A_66 = arith.xori %eq3A_64, %eq3A_65 : vector<64x256xi1>
    %select_n3A_67 = arith.select %eq3A_66, %select_n3A_30, %select_n3A_44 : vector<64x256xi1>, vector<64x256xi32>
    %select_n3A_68 = arith.select %eq3A_66, %select_n3A_31, %select_n3A_51 : vector<64x256xi1>, vector<64x256xi32>
    %and3A_69 = arith.constant 1 : i32
    %and3A_70 = vector.broadcast %and3A_69 : i32 to vector<64x256xi32>
    %and3A_71 = arith.andi %iota3A, %and3A_70 : vector<64x256xi32>
    %ne3A_72 = arith.constant 0 : i32
    %ne3A_73 = vector.broadcast %ne3A_72 : i32 to vector<64x256xi32>
    %ne3A_74 = arith.cmpi ne, %and3A_71, %ne3A_73 : vector<64x256xi32>
    %slice3A_75 = vector.extract_strided_slice %select_n3A_67 {offsets = [0, 255], sizes = [64, 1], strides = [1, 1]} : vector<64x256xi32> to vector<64x1xi32>
    %slice3A_76 = vector.extract_strided_slice %select_n3A_67 {offsets = [0, 0], sizes = [64, 255], strides = [1, 1]} : vector<64x256xi32> to vector<64x255xi32>
    %concatenate3A_77 = tpu.concatenate %slice3A_75, %slice3A_76 in 1 : vector<64x1xi32>, vector<64x255xi32> -> vector<64x256xi32>
    %slice3A_78 = vector.extract_strided_slice %select_n3A_67 {offsets = [0, 1], sizes = [64, 255], strides = [1, 1]} : vector<64x256xi32> to vector<64x255xi32>
    %slice3A_79 = vector.extract_strided_slice %select_n3A_67 {offsets = [0, 0], sizes = [64, 1], strides = [1, 1]} : vector<64x256xi32> to vector<64x1xi32>
    %concatenate3A_80 = tpu.concatenate %slice3A_78, %slice3A_79 in 1 : vector<64x255xi32>, vector<64x1xi32> -> vector<64x256xi32>
    %select_n3A_81 = arith.select %ne3A_74, %concatenate3A_77, %concatenate3A_80 : vector<64x256xi1>, vector<64x256xi32>
    %slice3A_82 = vector.extract_strided_slice %select_n3A_68 {offsets = [0, 255], sizes = [64, 1], strides = [1, 1]} : vector<64x256xi32> to vector<64x1xi32>
    %slice3A_83 = vector.extract_strided_slice %select_n3A_68 {offsets = [0, 0], sizes = [64, 255], strides = [1, 1]} : vector<64x256xi32> to vector<64x255xi32>
    %concatenate3A_84 = tpu.concatenate %slice3A_82, %slice3A_83 in 1 : vector<64x1xi32>, vector<64x255xi32> -> vector<64x256xi32>
    %slice3A_85 = vector.extract_strided_slice %select_n3A_68 {offsets = [0, 1], sizes = [64, 255], strides = [1, 1]} : vector<64x256xi32> to vector<64x255xi32>
    %slice3A_86 = vector.extract_strided_slice %select_n3A_68 {offsets = [0, 0], sizes = [64, 1], strides = [1, 1]} : vector<64x256xi32> to vector<64x1xi32>
    %concatenate3A_87 = tpu.concatenate %slice3A_85, %slice3A_86 in 1 : vector<64x255xi32>, vector<64x1xi32> -> vector<64x256xi32>
    %select_n3A_88 = arith.select %ne3A_74, %concatenate3A_84, %concatenate3A_87 : vector<64x256xi1>, vector<64x256xi32>
    %and3A_89 = arith.constant 4 : i32
    %and3A_90 = vector.broadcast %and3A_89 : i32 to vector<64x256xi32>
    %and3A_91 = arith.andi %iota3A, %and3A_90 : vector<64x256xi32>
    %eq3A_92 = arith.constant 0 : i32
    %eq3A_93 = vector.broadcast %eq3A_92 : i32 to vector<64x256xi32>
    %eq3A_94 = arith.cmpi eq, %and3A_91, %eq3A_93 : vector<64x256xi32>
    %xor3A_95 = arith.xori %eq3A_94, %ne3A_74 : vector<64x256xi1>
    %gt3A_96 = arith.cmpi sgt, %select_n3A_67, %select_n3A_81 : vector<64x256xi32>
    %eq3A_97 = arith.cmpi eq, %select_n3A_67, %select_n3A_81 : vector<64x256xi32>
    %lt3A_98 = arith.cmpi slt, %select_n3A_68, %select_n3A_88 : vector<64x256xi32>
    %and3A_99 = arith.andi %eq3A_97, %lt3A_98 : vector<64x256xi1>
    %or3A_100 = arith.ori %gt3A_96, %and3A_99 : vector<64x256xi1>
    %eq3A_101 = arith.xori %xor3A_95, %or3A_100 : vector<64x256xi1>
    %eq3A_102 = arith.constant dense<true> : vector<64x256xi1>
    %eq3A_103 = arith.xori %eq3A_101, %eq3A_102 : vector<64x256xi1>
    %select_n3A_104 = arith.select %eq3A_103, %select_n3A_67, %select_n3A_81 : vector<64x256xi1>, vector<64x256xi32>
    %select_n3A_105 = arith.select %eq3A_103, %select_n3A_68, %select_n3A_88 : vector<64x256xi1>, vector<64x256xi32>
    %and3A_106 = arith.constant 4 : i32
    %and3A_107 = vector.broadcast %and3A_106 : i32 to vector<64x256xi32>
    %and3A_108 = arith.andi %iota3A, %and3A_107 : vector<64x256xi32>
    %ne3A_109 = arith.constant 0 : i32
    %ne3A_110 = vector.broadcast %ne3A_109 : i32 to vector<64x256xi32>
    %ne3A_111 = arith.cmpi ne, %and3A_108, %ne3A_110 : vector<64x256xi32>
    %slice3A_112 = vector.extract_strided_slice %select_n3A_104 {offsets = [0, 252], sizes = [64, 4], strides = [1, 1]} : vector<64x256xi32> to vector<64x4xi32>
    %slice3A_113 = vector.extract_strided_slice %select_n3A_104 {offsets = [0, 0], sizes = [64, 252], strides = [1, 1]} : vector<64x256xi32> to vector<64x252xi32>
    %concatenate3A_114 = tpu.concatenate %slice3A_112, %slice3A_113 in 1 : vector<64x4xi32>, vector<64x252xi32> -> vector<64x256xi32>
    %slice3A_115 = vector.extract_strided_slice %select_n3A_104 {offsets = [0, 4], sizes = [64, 252], strides = [1, 1]} : vector<64x256xi32> to vector<64x252xi32>
    %slice3A_116 = vector.extract_strided_slice %select_n3A_104 {offsets = [0, 0], sizes = [64, 4], strides = [1, 1]} : vector<64x256xi32> to vector<64x4xi32>
    %concatenate3A_117 = tpu.concatenate %slice3A_115, %slice3A_116 in 1 : vector<64x252xi32>, vector<64x4xi32> -> vector<64x256xi32>
    %select_n3A_118 = arith.select %ne3A_111, %concatenate3A_114, %concatenate3A_117 : vector<64x256xi1>, vector<64x256xi32>
    %slice3A_119 = vector.extract_strided_slice %select_n3A_105 {offsets = [0, 252], sizes = [64, 4], strides = [1, 1]} : vector<64x256xi32> to vector<64x4xi32>
    %slice3A_120 = vector.extract_strided_slice %select_n3A_105 {offsets = [0, 0], sizes = [64, 252], strides = [1, 1]} : vector<64x256xi32> to vector<64x252xi32>
    %concatenate3A_121 = tpu.concatenate %slice3A_119, %slice3A_120 in 1 : vector<64x4xi32>, vector<64x252xi32> -> vector<64x256xi32>
    %slice3A_122 = vector.extract_strided_slice %select_n3A_105 {offsets = [0, 4], sizes = [64, 252], strides = [1, 1]} : vector<64x256xi32> to vector<64x252xi32>
    %slice3A_123 = vector.extract_strided_slice %select_n3A_105 {offsets = [0, 0], sizes = [64, 4], strides = [1, 1]} : vector<64x256xi32> to vector<64x4xi32>
    %concatenate3A_124 = tpu.concatenate %slice3A_122, %slice3A_123 in 1 : vector<64x252xi32>, vector<64x4xi32> -> vector<64x256xi32>
    %select_n3A_125 = arith.select %ne3A_111, %concatenate3A_121, %concatenate3A_124 : vector<64x256xi1>, vector<64x256xi32>
    %and3A_126 = arith.constant 8 : i32
    %and3A_127 = vector.broadcast %and3A_126 : i32 to vector<64x256xi32>
    %and3A_128 = arith.andi %iota3A, %and3A_127 : vector<64x256xi32>
    %eq3A_129 = arith.constant 0 : i32
    %eq3A_130 = vector.broadcast %eq3A_129 : i32 to vector<64x256xi32>
    %eq3A_131 = arith.cmpi eq, %and3A_128, %eq3A_130 : vector<64x256xi32>
    %xor3A_132 = arith.xori %eq3A_131, %ne3A_111 : vector<64x256xi1>
    %gt3A_133 = arith.cmpi sgt, %select_n3A_104, %select_n3A_118 : vector<64x256xi32>
    %eq3A_134 = arith.cmpi eq, %select_n3A_104, %select_n3A_118 : vector<64x256xi32>
    %lt3A_135 = arith.cmpi slt, %select_n3A_105, %select_n3A_125 : vector<64x256xi32>
    %and3A_136 = arith.andi %eq3A_134, %lt3A_135 : vector<64x256xi1>
    %or3A_137 = arith.ori %gt3A_133, %and3A_136 : vector<64x256xi1>
    %eq3A_138 = arith.xori %xor3A_132, %or3A_137 : vector<64x256xi1>
    %eq3A_139 = arith.constant dense<true> : vector<64x256xi1>
    %eq3A_140 = arith.xori %eq3A_138, %eq3A_139 : vector<64x256xi1>
    %select_n3A_141 = arith.select %eq3A_140, %select_n3A_104, %select_n3A_118 : vector<64x256xi1>, vector<64x256xi32>
    %select_n3A_142 = arith.select %eq3A_140, %select_n3A_105, %select_n3A_125 : vector<64x256xi1>, vector<64x256xi32>
    %and3A_143 = arith.constant 2 : i32
    %and3A_144 = vector.broadcast %and3A_143 : i32 to vector<64x256xi32>
    %and3A_145 = arith.andi %iota3A, %and3A_144 : vector<64x256xi32>
    %ne3A_146 = arith.constant 0 : i32
    %ne3A_147 = vector.broadcast %ne3A_146 : i32 to vector<64x256xi32>
    %ne3A_148 = arith.cmpi ne, %and3A_145, %ne3A_147 : vector<64x256xi32>
    %slice3A_149 = vector.extract_strided_slice %select_n3A_141 {offsets = [0, 254], sizes = [64, 2], strides = [1, 1]} : vector<64x256xi32> to vector<64x2xi32>
    %slice3A_150 = vector.extract_strided_slice %select_n3A_141 {offsets = [0, 0], sizes = [64, 254], strides = [1, 1]} : vector<64x256xi32> to vector<64x254xi32>
    %concatenate3A_151 = tpu.concatenate %slice3A_149, %slice3A_150 in 1 : vector<64x2xi32>, vector<64x254xi32> -> vector<64x256xi32>
    %slice3A_152 = vector.extract_strided_slice %select_n3A_141 {offsets = [0, 2], sizes = [64, 254], strides = [1, 1]} : vector<64x256xi32> to vector<64x254xi32>
    %slice3A_153 = vector.extract_strided_slice %select_n3A_141 {offsets = [0, 0], sizes = [64, 2], strides = [1, 1]} : vector<64x256xi32> to vector<64x2xi32>
    %concatenate3A_154 = tpu.concatenate %slice3A_152, %slice3A_153 in 1 : vector<64x254xi32>, vector<64x2xi32> -> vector<64x256xi32>
    %select_n3A_155 = arith.select %ne3A_148, %concatenate3A_151, %concatenate3A_154 : vector<64x256xi1>, vector<64x256xi32>
    %slice3A_156 = vector.extract_strided_slice %select_n3A_142 {offsets = [0, 254], sizes = [64, 2], strides = [1, 1]} : vector<64x256xi32> to vector<64x2xi32>
    %slice3A_157 = vector.extract_strided_slice %select_n3A_142 {offsets = [0, 0], sizes = [64, 254], strides = [1, 1]} : vector<64x256xi32> to vector<64x254xi32>
    %concatenate3A_158 = tpu.concatenate %slice3A_156, %slice3A_157 in 1 : vector<64x2xi32>, vector<64x254xi32> -> vector<64x256xi32>
    %slice3A_159 = vector.extract_strided_slice %select_n3A_142 {offsets = [0, 2], sizes = [64, 254], strides = [1, 1]} : vector<64x256xi32> to vector<64x254xi32>
    %slice3A_160 = vector.extract_strided_slice %select_n3A_142 {offsets = [0, 0], sizes = [64, 2], strides = [1, 1]} : vector<64x256xi32> to vector<64x2xi32>
    %concatenate3A_161 = tpu.concatenate %slice3A_159, %slice3A_160 in 1 : vector<64x254xi32>, vector<64x2xi32> -> vector<64x256xi32>
    %select_n3A_162 = arith.select %ne3A_148, %concatenate3A_158, %concatenate3A_161 : vector<64x256xi1>, vector<64x256xi32>
    %and3A_163 = arith.constant 8 : i32
    %and3A_164 = vector.broadcast %and3A_163 : i32 to vector<64x256xi32>
    %and3A_165 = arith.andi %iota3A, %and3A_164 : vector<64x256xi32>
    %eq3A_166 = arith.constant 0 : i32
    %eq3A_167 = vector.broadcast %eq3A_166 : i32 to vector<64x256xi32>
    %eq3A_168 = arith.cmpi eq, %and3A_165, %eq3A_167 : vector<64x256xi32>
    %xor3A_169 = arith.xori %eq3A_168, %ne3A_148 : vector<64x256xi1>
    %gt3A_170 = arith.cmpi sgt, %select_n3A_141, %select_n3A_155 : vector<64x256xi32>
    %eq3A_171 = arith.cmpi eq, %select_n3A_141, %select_n3A_155 : vector<64x256xi32>
    %lt3A_172 = arith.cmpi slt, %select_n3A_142, %select_n3A_162 : vector<64x256xi32>
    %and3A_173 = arith.andi %eq3A_171, %lt3A_172 : vector<64x256xi1>
    %or3A_174 = arith.ori %gt3A_170, %and3A_173 : vector<64x256xi1>
    %eq3A_175 = arith.xori %xor3A_169, %or3A_174 : vector<64x256xi1>
    %eq3A_176 = arith.constant dense<true> : vector<64x256xi1>
    %eq3A_177 = arith.xori %eq3A_175, %eq3A_176 : vector<64x256xi1>
    %select_n3A_178 = arith.select %eq3A_177, %select_n3A_141, %select_n3A_155 : vector<64x256xi1>, vector<64x256xi32>
    %select_n3A_179 = arith.select %eq3A_177, %select_n3A_142, %select_n3A_162 : vector<64x256xi1>, vector<64x256xi32>
    %and3A_180 = arith.constant 1 : i32
    %and3A_181 = vector.broadcast %and3A_180 : i32 to vector<64x256xi32>
    %and3A_182 = arith.andi %iota3A, %and3A_181 : vector<64x256xi32>
    %ne3A_183 = arith.constant 0 : i32
    %ne3A_184 = vector.broadcast %ne3A_183 : i32 to vector<64x256xi32>
    %ne3A_185 = arith.cmpi ne, %and3A_182, %ne3A_184 : vector<64x256xi32>
    %slice3A_186 = vector.extract_strided_slice %select_n3A_178 {offsets = [0, 255], sizes = [64, 1], strides = [1, 1]} : vector<64x256xi32> to vector<64x1xi32>
    %slice3A_187 = vector.extract_strided_slice %select_n3A_178 {offsets = [0, 0], sizes = [64, 255], strides = [1, 1]} : vector<64x256xi32> to vector<64x255xi32>
    %concatenate3A_188 = tpu.concatenate %slice3A_186, %slice3A_187 in 1 : vector<64x1xi32>, vector<64x255xi32> -> vector<64x256xi32>
    %slice3A_189 = vector.extract_strided_slice %select_n3A_178 {offsets = [0, 1], sizes = [64, 255], strides = [1, 1]} : vector<64x256xi32> to vector<64x255xi32>
    %slice3A_190 = vector.extract_strided_slice %select_n3A_178 {offsets = [0, 0], sizes = [64, 1], strides = [1, 1]} : vector<64x256xi32> to vector<64x1xi32>
    %concatenate3A_191 = tpu.concatenate %slice3A_189, %slice3A_190 in 1 : vector<64x255xi32>, vector<64x1xi32> -> vector<64x256xi32>
    %select_n3A_192 = arith.select %ne3A_185, %concatenate3A_188, %concatenate3A_191 : vector<64x256xi1>, vector<64x256xi32>
    %slice3A_193 = vector.extract_strided_slice %select_n3A_179 {offsets = [0, 255], sizes = [64, 1], strides = [1, 1]} : vector<64x256xi32> to vector<64x1xi32>
    %slice3A_194 = vector.extract_strided_slice %select_n3A_179 {offsets = [0, 0], sizes = [64, 255], strides = [1, 1]} : vector<64x256xi32> to vector<64x255xi32>
    %concatenate3A_195 = tpu.concatenate %slice3A_193, %slice3A_194 in 1 : vector<64x1xi32>, vector<64x255xi32> -> vector<64x256xi32>
    %slice3A_196 = vector.extract_strided_slice %select_n3A_179 {offsets = [0, 1], sizes = [64, 255], strides = [1, 1]} : vector<64x256xi32> to vector<64x255xi32>
    %slice3A_197 = vector.extract_strided_slice %select_n3A_179 {offsets = [0, 0], sizes = [64, 1], strides = [1, 1]} : vector<64x256xi32> to vector<64x1xi32>
    %concatenate3A_198 = tpu.concatenate %slice3A_196, %slice3A_197 in 1 : vector<64x255xi32>, vector<64x1xi32> -> vector<64x256xi32>
    %select_n3A_199 = arith.select %ne3A_185, %concatenate3A_195, %concatenate3A_198 : vector<64x256xi1>, vector<64x256xi32>
    %and3A_200 = arith.constant 8 : i32
    %and3A_201 = vector.broadcast %and3A_200 : i32 to vector<64x256xi32>
    %and3A_202 = arith.andi %iota3A, %and3A_201 : vector<64x256xi32>
    %eq3A_203 = arith.constant 0 : i32
    %eq3A_204 = vector.broadcast %eq3A_203 : i32 to vector<64x256xi32>
    %eq3A_205 = arith.cmpi eq, %and3A_202, %eq3A_204 : vector<64x256xi32>
    %xor3A_206 = arith.xori %eq3A_205, %ne3A_185 : vector<64x256xi1>
    %gt3A_207 = arith.cmpi sgt, %select_n3A_178, %select_n3A_192 : vector<64x256xi32>
    %eq3A_208 = arith.cmpi eq, %select_n3A_178, %select_n3A_192 : vector<64x256xi32>
    %lt3A_209 = arith.cmpi slt, %select_n3A_179, %select_n3A_199 : vector<64x256xi32>
    %and3A_210 = arith.andi %eq3A_208, %lt3A_209 : vector<64x256xi1>
    %or3A_211 = arith.ori %gt3A_207, %and3A_210 : vector<64x256xi1>
    %eq3A_212 = arith.xori %xor3A_206, %or3A_211 : vector<64x256xi1>
    %eq3A_213 = arith.constant dense<true> : vector<64x256xi1>
    %eq3A_214 = arith.xori %eq3A_212, %eq3A_213 : vector<64x256xi1>
    %select_n3A_215 = arith.select %eq3A_214, %select_n3A_178, %select_n3A_192 : vector<64x256xi1>, vector<64x256xi32>
    %select_n3A_216 = arith.select %eq3A_214, %select_n3A_179, %select_n3A_199 : vector<64x256xi1>, vector<64x256xi32>
    %and3A_217 = arith.constant 8 : i32
    %and3A_218 = vector.broadcast %and3A_217 : i32 to vector<64x256xi32>
    %and3A_219 = arith.andi %iota3A, %and3A_218 : vector<64x256xi32>
    %ne3A_220 = arith.constant 0 : i32
    %ne3A_221 = vector.broadcast %ne3A_220 : i32 to vector<64x256xi32>
    %ne3A_222 = arith.cmpi ne, %and3A_219, %ne3A_221 : vector<64x256xi32>
    %slice3A_223 = vector.extract_strided_slice %select_n3A_215 {offsets = [0, 248], sizes = [64, 8], strides = [1, 1]} : vector<64x256xi32> to vector<64x8xi32>
    %slice3A_224 = vector.extract_strided_slice %select_n3A_215 {offsets = [0, 0], sizes = [64, 248], strides = [1, 1]} : vector<64x256xi32> to vector<64x248xi32>
    %concatenate3A_225 = tpu.concatenate %slice3A_223, %slice3A_224 in 1 : vector<64x8xi32>, vector<64x248xi32> -> vector<64x256xi32>
    %slice3A_226 = vector.extract_strided_slice %select_n3A_215 {offsets = [0, 8], sizes = [64, 248], strides = [1, 1]} : vector<64x256xi32> to vector<64x248xi32>
    %slice3A_227 = vector.extract_strided_slice %select_n3A_215 {offsets = [0, 0], sizes = [64, 8], strides = [1, 1]} : vector<64x256xi32> to vector<64x8xi32>
    %concatenate3A_228 = tpu.concatenate %slice3A_226, %slice3A_227 in 1 : vector<64x248xi32>, vector<64x8xi32> -> vector<64x256xi32>
    %select_n3A_229 = arith.select %ne3A_222, %concatenate3A_225, %concatenate3A_228 : vector<64x256xi1>, vector<64x256xi32>
    %slice3A_230 = vector.extract_strided_slice %select_n3A_216 {offsets = [0, 248], sizes = [64, 8], strides = [1, 1]} : vector<64x256xi32> to vector<64x8xi32>
    %slice3A_231 = vector.extract_strided_slice %select_n3A_216 {offsets = [0, 0], sizes = [64, 248], strides = [1, 1]} : vector<64x256xi32> to vector<64x248xi32>
    %concatenate3A_232 = tpu.concatenate %slice3A_230, %slice3A_231 in 1 : vector<64x8xi32>, vector<64x248xi32> -> vector<64x256xi32>
    %slice3A_233 = vector.extract_strided_slice %select_n3A_216 {offsets = [0, 8], sizes = [64, 248], strides = [1, 1]} : vector<64x256xi32> to vector<64x248xi32>
    %slice3A_234 = vector.extract_strided_slice %select_n3A_216 {offsets = [0, 0], sizes = [64, 8], strides = [1, 1]} : vector<64x256xi32> to vector<64x8xi32>
    %concatenate3A_235 = tpu.concatenate %slice3A_233, %slice3A_234 in 1 : vector<64x248xi32>, vector<64x8xi32> -> vector<64x256xi32>
    %select_n3A_236 = arith.select %ne3A_222, %concatenate3A_232, %concatenate3A_235 : vector<64x256xi1>, vector<64x256xi32>
    %and3A_237 = arith.constant 16 : i32
    %and3A_238 = vector.broadcast %and3A_237 : i32 to vector<64x256xi32>
    %and3A_239 = arith.andi %iota3A, %and3A_238 : vector<64x256xi32>
    %eq3A_240 = arith.constant 0 : i32
    %eq3A_241 = vector.broadcast %eq3A_240 : i32 to vector<64x256xi32>
    %eq3A_242 = arith.cmpi eq, %and3A_239, %eq3A_241 : vector<64x256xi32>
    %xor3A_243 = arith.xori %eq3A_242, %ne3A_222 : vector<64x256xi1>
    %gt3A_244 = arith.cmpi sgt, %select_n3A_215, %select_n3A_229 : vector<64x256xi32>
    %eq3A_245 = arith.cmpi eq, %select_n3A_215, %select_n3A_229 : vector<64x256xi32>
    %lt3A_246 = arith.cmpi slt, %select_n3A_216, %select_n3A_236 : vector<64x256xi32>
    %and3A_247 = arith.andi %eq3A_245, %lt3A_246 : vector<64x256xi1>
    %or3A_248 = arith.ori %gt3A_244, %and3A_247 : vector<64x256xi1>
    %eq3A_249 = arith.xori %xor3A_243, %or3A_248 : vector<64x256xi1>
    %eq3A_250 = arith.constant dense<true> : vector<64x256xi1>
    %eq3A_251 = arith.xori %eq3A_249, %eq3A_250 : vector<64x256xi1>
    %select_n3A_252 = arith.select %eq3A_251, %select_n3A_215, %select_n3A_229 : vector<64x256xi1>, vector<64x256xi32>
    %select_n3A_253 = arith.select %eq3A_251, %select_n3A_216, %select_n3A_236 : vector<64x256xi1>, vector<64x256xi32>
    %and3A_254 = arith.constant 4 : i32
    %and3A_255 = vector.broadcast %and3A_254 : i32 to vector<64x256xi32>
    %and3A_256 = arith.andi %iota3A, %and3A_255 : vector<64x256xi32>
    %ne3A_257 = arith.constant 0 : i32
    %ne3A_258 = vector.broadcast %ne3A_257 : i32 to vector<64x256xi32>
    %ne3A_259 = arith.cmpi ne, %and3A_256, %ne3A_258 : vector<64x256xi32>
    %slice3A_260 = vector.extract_strided_slice %select_n3A_252 {offsets = [0, 252], sizes = [64, 4], strides = [1, 1]} : vector<64x256xi32> to vector<64x4xi32>
    %slice3A_261 = vector.extract_strided_slice %select_n3A_252 {offsets = [0, 0], sizes = [64, 252], strides = [1, 1]} : vector<64x256xi32> to vector<64x252xi32>
    %concatenate3A_262 = tpu.concatenate %slice3A_260, %slice3A_261 in 1 : vector<64x4xi32>, vector<64x252xi32> -> vector<64x256xi32>
    %slice3A_263 = vector.extract_strided_slice %select_n3A_252 {offsets = [0, 4], sizes = [64, 252], strides = [1, 1]} : vector<64x256xi32> to vector<64x252xi32>
    %slice3A_264 = vector.extract_strided_slice %select_n3A_252 {offsets = [0, 0], sizes = [64, 4], strides = [1, 1]} : vector<64x256xi32> to vector<64x4xi32>
    %concatenate3A_265 = tpu.concatenate %slice3A_263, %slice3A_264 in 1 : vector<64x252xi32>, vector<64x4xi32> -> vector<64x256xi32>
    %select_n3A_266 = arith.select %ne3A_259, %concatenate3A_262, %concatenate3A_265 : vector<64x256xi1>, vector<64x256xi32>
    %slice3A_267 = vector.extract_strided_slice %select_n3A_253 {offsets = [0, 252], sizes = [64, 4], strides = [1, 1]} : vector<64x256xi32> to vector<64x4xi32>
    %slice3A_268 = vector.extract_strided_slice %select_n3A_253 {offsets = [0, 0], sizes = [64, 252], strides = [1, 1]} : vector<64x256xi32> to vector<64x252xi32>
    %concatenate3A_269 = tpu.concatenate %slice3A_267, %slice3A_268 in 1 : vector<64x4xi32>, vector<64x252xi32> -> vector<64x256xi32>
    %slice3A_270 = vector.extract_strided_slice %select_n3A_253 {offsets = [0, 4], sizes = [64, 252], strides = [1, 1]} : vector<64x256xi32> to vector<64x252xi32>
    %slice3A_271 = vector.extract_strided_slice %select_n3A_253 {offsets = [0, 0], sizes = [64, 4], strides = [1, 1]} : vector<64x256xi32> to vector<64x4xi32>
    %concatenate3A_272 = tpu.concatenate %slice3A_270, %slice3A_271 in 1 : vector<64x252xi32>, vector<64x4xi32> -> vector<64x256xi32>
    %select_n3A_273 = arith.select %ne3A_259, %concatenate3A_269, %concatenate3A_272 : vector<64x256xi1>, vector<64x256xi32>
    %and3A_274 = arith.constant 16 : i32
    %and3A_275 = vector.broadcast %and3A_274 : i32 to vector<64x256xi32>
    %and3A_276 = arith.andi %iota3A, %and3A_275 : vector<64x256xi32>
    %eq3A_277 = arith.constant 0 : i32
    %eq3A_278 = vector.broadcast %eq3A_277 : i32 to vector<64x256xi32>
    %eq3A_279 = arith.cmpi eq, %and3A_276, %eq3A_278 : vector<64x256xi32>
    %xor3A_280 = arith.xori %eq3A_279, %ne3A_259 : vector<64x256xi1>
    %gt3A_281 = arith.cmpi sgt, %select_n3A_252, %select_n3A_266 : vector<64x256xi32>
    %eq3A_282 = arith.cmpi eq, %select_n3A_252, %select_n3A_266 : vector<64x256xi32>
    %lt3A_283 = arith.cmpi slt, %select_n3A_253, %select_n3A_273 : vector<64x256xi32>
    %and3A_284 = arith.andi %eq3A_282, %lt3A_283 : vector<64x256xi1>
    %or3A_285 = arith.ori %gt3A_281, %and3A_284 : vector<64x256xi1>
    %eq3A_286 = arith.xori %xor3A_280, %or3A_285 : vector<64x256xi1>
    %eq3A_287 = arith.constant dense<true> : vector<64x256xi1>
    %eq3A_288 = arith.xori %eq3A_286, %eq3A_287 : vector<64x256xi1>
    %select_n3A_289 = arith.select %eq3A_288, %select_n3A_252, %select_n3A_266 : vector<64x256xi1>, vector<64x256xi32>
    %select_n3A_290 = arith.select %eq3A_288, %select_n3A_253, %select_n3A_273 : vector<64x256xi1>, vector<64x256xi32>
    %and3A_291 = arith.constant 2 : i32
    %and3A_292 = vector.broadcast %and3A_291 : i32 to vector<64x256xi32>
    %and3A_293 = arith.andi %iota3A, %and3A_292 : vector<64x256xi32>
    %ne3A_294 = arith.constant 0 : i32
    %ne3A_295 = vector.broadcast %ne3A_294 : i32 to vector<64x256xi32>
    %ne3A_296 = arith.cmpi ne, %and3A_293, %ne3A_295 : vector<64x256xi32>
    %slice3A_297 = vector.extract_strided_slice %select_n3A_289 {offsets = [0, 254], sizes = [64, 2], strides = [1, 1]} : vector<64x256xi32> to vector<64x2xi32>
    %slice3A_298 = vector.extract_strided_slice %select_n3A_289 {offsets = [0, 0], sizes = [64, 254], strides = [1, 1]} : vector<64x256xi32> to vector<64x254xi32>
    %concatenate3A_299 = tpu.concatenate %slice3A_297, %slice3A_298 in 1 : vector<64x2xi32>, vector<64x254xi32> -> vector<64x256xi32>
    %slice3A_300 = vector.extract_strided_slice %select_n3A_289 {offsets = [0, 2], sizes = [64, 254], strides = [1, 1]} : vector<64x256xi32> to vector<64x254xi32>
    %slice3A_301 = vector.extract_strided_slice %select_n3A_289 {offsets = [0, 0], sizes = [64, 2], strides = [1, 1]} : vector<64x256xi32> to vector<64x2xi32>
    %concatenate3A_302 = tpu.concatenate %slice3A_300, %slice3A_301 in 1 : vector<64x254xi32>, vector<64x2xi32> -> vector<64x256xi32>
    %select_n3A_303 = arith.select %ne3A_296, %concatenate3A_299, %concatenate3A_302 : vector<64x256xi1>, vector<64x256xi32>
    %slice3A_304 = vector.extract_strided_slice %select_n3A_290 {offsets = [0, 254], sizes = [64, 2], strides = [1, 1]} : vector<64x256xi32> to vector<64x2xi32>
    %slice3A_305 = vector.extract_strided_slice %select_n3A_290 {offsets = [0, 0], sizes = [64, 254], strides = [1, 1]} : vector<64x256xi32> to vector<64x254xi32>
    %concatenate3A_306 = tpu.concatenate %slice3A_304, %slice3A_305 in 1 : vector<64x2xi32>, vector<64x254xi32> -> vector<64x256xi32>
    %slice3A_307 = vector.extract_strided_slice %select_n3A_290 {offsets = [0, 2], sizes = [64, 254], strides = [1, 1]} : vector<64x256xi32> to vector<64x254xi32>
    %slice3A_308 = vector.extract_strided_slice %select_n3A_290 {offsets = [0, 0], sizes = [64, 2], strides = [1, 1]} : vector<64x256xi32> to vector<64x2xi32>
    %concatenate3A_309 = tpu.concatenate %slice3A_307, %slice3A_308 in 1 : vector<64x254xi32>, vector<64x2xi32> -> vector<64x256xi32>
    %select_n3A_310 = arith.select %ne3A_296, %concatenate3A_306, %concatenate3A_309 : vector<64x256xi1>, vector<64x256xi32>
    %and3A_311 = arith.constant 16 : i32
    %and3A_312 = vector.broadcast %and3A_311 : i32 to vector<64x256xi32>
    %and3A_313 = arith.andi %iota3A, %and3A_312 : vector<64x256xi32>
    %eq3A_314 = arith.constant 0 : i32
    %eq3A_315 = vector.broadcast %eq3A_314 : i32 to vector<64x256xi32>
    %eq3A_316 = arith.cmpi eq, %and3A_313, %eq3A_315 : vector<64x256xi32>
    %xor3A_317 = arith.xori %eq3A_316, %ne3A_296 : vector<64x256xi1>
    %gt3A_318 = arith.cmpi sgt, %select_n3A_289, %select_n3A_303 : vector<64x256xi32>
    %eq3A_319 = arith.cmpi eq, %select_n3A_289, %select_n3A_303 : vector<64x256xi32>
    %lt3A_320 = arith.cmpi slt, %select_n3A_290, %select_n3A_310 : vector<64x256xi32>
    %and3A_321 = arith.andi %eq3A_319, %lt3A_320 : vector<64x256xi1>
    %or3A_322 = arith.ori %gt3A_318, %and3A_321 : vector<64x256xi1>
    %eq3A_323 = arith.xori %xor3A_317, %or3A_322 : vector<64x256xi1>
    %eq3A_324 = arith.constant dense<true> : vector<64x256xi1>
    %eq3A_325 = arith.xori %eq3A_323, %eq3A_324 : vector<64x256xi1>
    %select_n3A_326 = arith.select %eq3A_325, %select_n3A_289, %select_n3A_303 : vector<64x256xi1>, vector<64x256xi32>
    %select_n3A_327 = arith.select %eq3A_325, %select_n3A_290, %select_n3A_310 : vector<64x256xi1>, vector<64x256xi32>
    %and3A_328 = arith.constant 1 : i32
    %and3A_329 = vector.broadcast %and3A_328 : i32 to vector<64x256xi32>
    %and3A_330 = arith.andi %iota3A, %and3A_329 : vector<64x256xi32>
    %ne3A_331 = arith.constant 0 : i32
    %ne3A_332 = vector.broadcast %ne3A_331 : i32 to vector<64x256xi32>
    %ne3A_333 = arith.cmpi ne, %and3A_330, %ne3A_332 : vector<64x256xi32>
    %slice3A_334 = vector.extract_strided_slice %select_n3A_326 {offsets = [0, 255], sizes = [64, 1], strides = [1, 1]} : vector<64x256xi32> to vector<64x1xi32>
    %slice3A_335 = vector.extract_strided_slice %select_n3A_326 {offsets = [0, 0], sizes = [64, 255], strides = [1, 1]} : vector<64x256xi32> to vector<64x255xi32>
    %concatenate3A_336 = tpu.concatenate %slice3A_334, %slice3A_335 in 1 : vector<64x1xi32>, vector<64x255xi32> -> vector<64x256xi32>
    %slice3A_337 = vector.extract_strided_slice %select_n3A_326 {offsets = [0, 1], sizes = [64, 255], strides = [1, 1]} : vector<64x256xi32> to vector<64x255xi32>
    %slice3A_338 = vector.extract_strided_slice %select_n3A_326 {offsets = [0, 0], sizes = [64, 1], strides = [1, 1]} : vector<64x256xi32> to vector<64x1xi32>
    %concatenate3A_339 = tpu.concatenate %slice3A_337, %slice3A_338 in 1 : vector<64x255xi32>, vector<64x1xi32> -> vector<64x256xi32>
    %select_n3A_340 = arith.select %ne3A_333, %concatenate3A_336, %concatenate3A_339 : vector<64x256xi1>, vector<64x256xi32>
    %slice3A_341 = vector.extract_strided_slice %select_n3A_327 {offsets = [0, 255], sizes = [64, 1], strides = [1, 1]} : vector<64x256xi32> to vector<64x1xi32>
    %slice3A_342 = vector.extract_strided_slice %select_n3A_327 {offsets = [0, 0], sizes = [64, 255], strides = [1, 1]} : vector<64x256xi32> to vector<64x255xi32>
    %concatenate3A_343 = tpu.concatenate %slice3A_341, %slice3A_342 in 1 : vector<64x1xi32>, vector<64x255xi32> -> vector<64x256xi32>
    %slice3A_344 = vector.extract_strided_slice %select_n3A_327 {offsets = [0, 1], sizes = [64, 255], strides = [1, 1]} : vector<64x256xi32> to vector<64x255xi32>
    %slice3A_345 = vector.extract_strided_slice %select_n3A_327 {offsets = [0, 0], sizes = [64, 1], strides = [1, 1]} : vector<64x256xi32> to vector<64x1xi32>
    %concatenate3A_346 = tpu.concatenate %slice3A_344, %slice3A_345 in 1 : vector<64x255xi32>, vector<64x1xi32> -> vector<64x256xi32>
    %select_n3A_347 = arith.select %ne3A_333, %concatenate3A_343, %concatenate3A_346 : vector<64x256xi1>, vector<64x256xi32>
    %and3A_348 = arith.constant 16 : i32
    %and3A_349 = vector.broadcast %and3A_348 : i32 to vector<64x256xi32>
    %and3A_350 = arith.andi %iota3A, %and3A_349 : vector<64x256xi32>
    %eq3A_351 = arith.constant 0 : i32
    %eq3A_352 = vector.broadcast %eq3A_351 : i32 to vector<64x256xi32>
    %eq3A_353 = arith.cmpi eq, %and3A_350, %eq3A_352 : vector<64x256xi32>
    %xor3A_354 = arith.xori %eq3A_353, %ne3A_333 : vector<64x256xi1>
    %gt3A_355 = arith.cmpi sgt, %select_n3A_326, %select_n3A_340 : vector<64x256xi32>
    %eq3A_356 = arith.cmpi eq, %select_n3A_326, %select_n3A_340 : vector<64x256xi32>
    %lt3A_357 = arith.cmpi slt, %select_n3A_327, %select_n3A_347 : vector<64x256xi32>
    %and3A_358 = arith.andi %eq3A_356, %lt3A_357 : vector<64x256xi1>
    %or3A_359 = arith.ori %gt3A_355, %and3A_358 : vector<64x256xi1>
    %eq3A_360 = arith.xori %xor3A_354, %or3A_359 : vector<64x256xi1>
    %eq3A_361 = arith.constant dense<true> : vector<64x256xi1>
    %eq3A_362 = arith.xori %eq3A_360, %eq3A_361 : vector<64x256xi1>
    %select_n3A_363 = arith.select %eq3A_362, %select_n3A_326, %select_n3A_340 : vector<64x256xi1>, vector<64x256xi32>
    %select_n3A_364 = arith.select %eq3A_362, %select_n3A_327, %select_n3A_347 : vector<64x256xi1>, vector<64x256xi32>
    %and3A_365 = arith.constant 16 : i32
    %and3A_366 = vector.broadcast %and3A_365 : i32 to vector<64x256xi32>
    %and3A_367 = arith.andi %iota3A, %and3A_366 : vector<64x256xi32>
    %ne3A_368 = arith.constant 0 : i32
    %ne3A_369 = vector.broadcast %ne3A_368 : i32 to vector<64x256xi32>
    %ne3A_370 = arith.cmpi ne, %and3A_367, %ne3A_369 : vector<64x256xi32>
    %slice3A_371 = vector.extract_strided_slice %select_n3A_363 {offsets = [0, 240], sizes = [64, 16], strides = [1, 1]} : vector<64x256xi32> to vector<64x16xi32>
    %slice3A_372 = vector.extract_strided_slice %select_n3A_363 {offsets = [0, 0], sizes = [64, 240], strides = [1, 1]} : vector<64x256xi32> to vector<64x240xi32>
    %concatenate3A_373 = tpu.concatenate %slice3A_371, %slice3A_372 in 1 : vector<64x16xi32>, vector<64x240xi32> -> vector<64x256xi32>
    %slice3A_374 = vector.extract_strided_slice %select_n3A_363 {offsets = [0, 16], sizes = [64, 240], strides = [1, 1]} : vector<64x256xi32> to vector<64x240xi32>
    %slice3A_375 = vector.extract_strided_slice %select_n3A_363 {offsets = [0, 0], sizes = [64, 16], strides = [1, 1]} : vector<64x256xi32> to vector<64x16xi32>
    %concatenate3A_376 = tpu.concatenate %slice3A_374, %slice3A_375 in 1 : vector<64x240xi32>, vector<64x16xi32> -> vector<64x256xi32>
    %select_n3A_377 = arith.select %ne3A_370, %concatenate3A_373, %concatenate3A_376 : vector<64x256xi1>, vector<64x256xi32>
    %slice3A_378 = vector.extract_strided_slice %select_n3A_364 {offsets = [0, 240], sizes = [64, 16], strides = [1, 1]} : vector<64x256xi32> to vector<64x16xi32>
    %slice3A_379 = vector.extract_strided_slice %select_n3A_364 {offsets = [0, 0], sizes = [64, 240], strides = [1, 1]} : vector<64x256xi32> to vector<64x240xi32>
    %concatenate3A_380 = tpu.concatenate %slice3A_378, %slice3A_379 in 1 : vector<64x16xi32>, vector<64x240xi32> -> vector<64x256xi32>
    %slice3A_381 = vector.extract_strided_slice %select_n3A_364 {offsets = [0, 16], sizes = [64, 240], strides = [1, 1]} : vector<64x256xi32> to vector<64x240xi32>
    %slice3A_382 = vector.extract_strided_slice %select_n3A_364 {offsets = [0, 0], sizes = [64, 16], strides = [1, 1]} : vector<64x256xi32> to vector<64x16xi32>
    %concatenate3A_383 = tpu.concatenate %slice3A_381, %slice3A_382 in 1 : vector<64x240xi32>, vector<64x16xi32> -> vector<64x256xi32>
    %select_n3A_384 = arith.select %ne3A_370, %concatenate3A_380, %concatenate3A_383 : vector<64x256xi1>, vector<64x256xi32>
    %and3A_385 = arith.constant 32 : i32
    %and3A_386 = vector.broadcast %and3A_385 : i32 to vector<64x256xi32>
    %and3A_387 = arith.andi %iota3A, %and3A_386 : vector<64x256xi32>
    %eq3A_388 = arith.constant 0 : i32
    %eq3A_389 = vector.broadcast %eq3A_388 : i32 to vector<64x256xi32>
    %eq3A_390 = arith.cmpi eq, %and3A_387, %eq3A_389 : vector<64x256xi32>
    %xor3A_391 = arith.xori %eq3A_390, %ne3A_370 : vector<64x256xi1>
    %gt3A_392 = arith.cmpi sgt, %select_n3A_363, %select_n3A_377 : vector<64x256xi32>
    %eq3A_393 = arith.cmpi eq, %select_n3A_363, %select_n3A_377 : vector<64x256xi32>
    %lt3A_394 = arith.cmpi slt, %select_n3A_364, %select_n3A_384 : vector<64x256xi32>
    %and3A_395 = arith.andi %eq3A_393, %lt3A_394 : vector<64x256xi1>
    %or3A_396 = arith.ori %gt3A_392, %and3A_395 : vector<64x256xi1>
    %eq3A_397 = arith.xori %xor3A_391, %or3A_396 : vector<64x256xi1>
    %eq3A_398 = arith.constant dense<true> : vector<64x256xi1>
    %eq3A_399 = arith.xori %eq3A_397, %eq3A_398 : vector<64x256xi1>
    %select_n3A_400 = arith.select %eq3A_399, %select_n3A_363, %select_n3A_377 : vector<64x256xi1>, vector<64x256xi32>
    %select_n3A_401 = arith.select %eq3A_399, %select_n3A_364, %select_n3A_384 : vector<64x256xi1>, vector<64x256xi32>
    %and3A_402 = arith.constant 8 : i32
    %and3A_403 = vector.broadcast %and3A_402 : i32 to vector<64x256xi32>
    %and3A_404 = arith.andi %iota3A, %and3A_403 : vector<64x256xi32>
    %ne3A_405 = arith.constant 0 : i32
    %ne3A_406 = vector.broadcast %ne3A_405 : i32 to vector<64x256xi32>
    %ne3A_407 = arith.cmpi ne, %and3A_404, %ne3A_406 : vector<64x256xi32>
    %slice3A_408 = vector.extract_strided_slice %select_n3A_400 {offsets = [0, 248], sizes = [64, 8], strides = [1, 1]} : vector<64x256xi32> to vector<64x8xi32>
    %slice3A_409 = vector.extract_strided_slice %select_n3A_400 {offsets = [0, 0], sizes = [64, 248], strides = [1, 1]} : vector<64x256xi32> to vector<64x248xi32>
    %concatenate3A_410 = tpu.concatenate %slice3A_408, %slice3A_409 in 1 : vector<64x8xi32>, vector<64x248xi32> -> vector<64x256xi32>
    %slice3A_411 = vector.extract_strided_slice %select_n3A_400 {offsets = [0, 8], sizes = [64, 248], strides = [1, 1]} : vector<64x256xi32> to vector<64x248xi32>
    %slice3A_412 = vector.extract_strided_slice %select_n3A_400 {offsets = [0, 0], sizes = [64, 8], strides = [1, 1]} : vector<64x256xi32> to vector<64x8xi32>
    %concatenate3A_413 = tpu.concatenate %slice3A_411, %slice3A_412 in 1 : vector<64x248xi32>, vector<64x8xi32> -> vector<64x256xi32>
    %select_n3A_414 = arith.select %ne3A_407, %concatenate3A_410, %concatenate3A_413 : vector<64x256xi1>, vector<64x256xi32>
    %slice3A_415 = vector.extract_strided_slice %select_n3A_401 {offsets = [0, 248], sizes = [64, 8], strides = [1, 1]} : vector<64x256xi32> to vector<64x8xi32>
    %slice3A_416 = vector.extract_strided_slice %select_n3A_401 {offsets = [0, 0], sizes = [64, 248], strides = [1, 1]} : vector<64x256xi32> to vector<64x248xi32>
    %concatenate3A_417 = tpu.concatenate %slice3A_415, %slice3A_416 in 1 : vector<64x8xi32>, vector<64x248xi32> -> vector<64x256xi32>
    %slice3A_418 = vector.extract_strided_slice %select_n3A_401 {offsets = [0, 8], sizes = [64, 248], strides = [1, 1]} : vector<64x256xi32> to vector<64x248xi32>
    %slice3A_419 = vector.extract_strided_slice %select_n3A_401 {offsets = [0, 0], sizes = [64, 8], strides = [1, 1]} : vector<64x256xi32> to vector<64x8xi32>
    %concatenate3A_420 = tpu.concatenate %slice3A_418, %slice3A_419 in 1 : vector<64x248xi32>, vector<64x8xi32> -> vector<64x256xi32>
    %select_n3A_421 = arith.select %ne3A_407, %concatenate3A_417, %concatenate3A_420 : vector<64x256xi1>, vector<64x256xi32>
    %and3A_422 = arith.constant 32 : i32
    %and3A_423 = vector.broadcast %and3A_422 : i32 to vector<64x256xi32>
    %and3A_424 = arith.andi %iota3A, %and3A_423 : vector<64x256xi32>
    %eq3A_425 = arith.constant 0 : i32
    %eq3A_426 = vector.broadcast %eq3A_425 : i32 to vector<64x256xi32>
    %eq3A_427 = arith.cmpi eq, %and3A_424, %eq3A_426 : vector<64x256xi32>
    %xor3A_428 = arith.xori %eq3A_427, %ne3A_407 : vector<64x256xi1>
    %gt3A_429 = arith.cmpi sgt, %select_n3A_400, %select_n3A_414 : vector<64x256xi32>
    %eq3A_430 = arith.cmpi eq, %select_n3A_400, %select_n3A_414 : vector<64x256xi32>
    %lt3A_431 = arith.cmpi slt, %select_n3A_401, %select_n3A_421 : vector<64x256xi32>
    %and3A_432 = arith.andi %eq3A_430, %lt3A_431 : vector<64x256xi1>
    %or3A_433 = arith.ori %gt3A_429, %and3A_432 : vector<64x256xi1>
    %eq3A_434 = arith.xori %xor3A_428, %or3A_433 : vector<64x256xi1>
    %eq3A_435 = arith.constant dense<true> : vector<64x256xi1>
    %eq3A_436 = arith.xori %eq3A_434, %eq3A_435 : vector<64x256xi1>
    %select_n3A_437 = arith.select %eq3A_436, %select_n3A_400, %select_n3A_414 : vector<64x256xi1>, vector<64x256xi32>
    %select_n3A_438 = arith.select %eq3A_436, %select_n3A_401, %select_n3A_421 : vector<64x256xi1>, vector<64x256xi32>
    %and3A_439 = arith.constant 4 : i32
    %and3A_440 = vector.broadcast %and3A_439 : i32 to vector<64x256xi32>
    %and3A_441 = arith.andi %iota3A, %and3A_440 : vector<64x256xi32>
    %ne3A_442 = arith.constant 0 : i32
    %ne3A_443 = vector.broadcast %ne3A_442 : i32 to vector<64x256xi32>
    %ne3A_444 = arith.cmpi ne, %and3A_441, %ne3A_443 : vector<64x256xi32>
    %slice3A_445 = vector.extract_strided_slice %select_n3A_437 {offsets = [0, 252], sizes = [64, 4], strides = [1, 1]} : vector<64x256xi32> to vector<64x4xi32>
    %slice3A_446 = vector.extract_strided_slice %select_n3A_437 {offsets = [0, 0], sizes = [64, 252], strides = [1, 1]} : vector<64x256xi32> to vector<64x252xi32>
    %concatenate3A_447 = tpu.concatenate %slice3A_445, %slice3A_446 in 1 : vector<64x4xi32>, vector<64x252xi32> -> vector<64x256xi32>
    %slice3A_448 = vector.extract_strided_slice %select_n3A_437 {offsets = [0, 4], sizes = [64, 252], strides = [1, 1]} : vector<64x256xi32> to vector<64x252xi32>
    %slice3A_449 = vector.extract_strided_slice %select_n3A_437 {offsets = [0, 0], sizes = [64, 4], strides = [1, 1]} : vector<64x256xi32> to vector<64x4xi32>
    %concatenate3A_450 = tpu.concatenate %slice3A_448, %slice3A_449 in 1 : vector<64x252xi32>, vector<64x4xi32> -> vector<64x256xi32>
    %select_n3A_451 = arith.select %ne3A_444, %concatenate3A_447, %concatenate3A_450 : vector<64x256xi1>, vector<64x256xi32>
    %slice3A_452 = vector.extract_strided_slice %select_n3A_438 {offsets = [0, 252], sizes = [64, 4], strides = [1, 1]} : vector<64x256xi32> to vector<64x4xi32>
    %slice3A_453 = vector.extract_strided_slice %select_n3A_438 {offsets = [0, 0], sizes = [64, 252], strides = [1, 1]} : vector<64x256xi32> to vector<64x252xi32>
    %concatenate3A_454 = tpu.concatenate %slice3A_452, %slice3A_453 in 1 : vector<64x4xi32>, vector<64x252xi32> -> vector<64x256xi32>
    %slice3A_455 = vector.extract_strided_slice %select_n3A_438 {offsets = [0, 4], sizes = [64, 252], strides = [1, 1]} : vector<64x256xi32> to vector<64x252xi32>
    %slice3A_456 = vector.extract_strided_slice %select_n3A_438 {offsets = [0, 0], sizes = [64, 4], strides = [1, 1]} : vector<64x256xi32> to vector<64x4xi32>
    %concatenate3A_457 = tpu.concatenate %slice3A_455, %slice3A_456 in 1 : vector<64x252xi32>, vector<64x4xi32> -> vector<64x256xi32>
    %select_n3A_458 = arith.select %ne3A_444, %concatenate3A_454, %concatenate3A_457 : vector<64x256xi1>, vector<64x256xi32>
    %and3A_459 = arith.constant 32 : i32
    %and3A_460 = vector.broadcast %and3A_459 : i32 to vector<64x256xi32>
    %and3A_461 = arith.andi %iota3A, %and3A_460 : vector<64x256xi32>
    %eq3A_462 = arith.constant 0 : i32
    %eq3A_463 = vector.broadcast %eq3A_462 : i32 to vector<64x256xi32>
    %eq3A_464 = arith.cmpi eq, %and3A_461, %eq3A_463 : vector<64x256xi32>
    %xor3A_465 = arith.xori %eq3A_464, %ne3A_444 : vector<64x256xi1>
    %gt3A_466 = arith.cmpi sgt, %select_n3A_437, %select_n3A_451 : vector<64x256xi32>
    %eq3A_467 = arith.cmpi eq, %select_n3A_437, %select_n3A_451 : vector<64x256xi32>
    %lt3A_468 = arith.cmpi slt, %select_n3A_438, %select_n3A_458 : vector<64x256xi32>
    %and3A_469 = arith.andi %eq3A_467, %lt3A_468 : vector<64x256xi1>
    %or3A_470 = arith.ori %gt3A_466, %and3A_469 : vector<64x256xi1>
    %eq3A_471 = arith.xori %xor3A_465, %or3A_470 : vector<64x256xi1>
    %eq3A_472 = arith.constant dense<true> : vector<64x256xi1>
    %eq3A_473 = arith.xori %eq3A_471, %eq3A_472 : vector<64x256xi1>
    %select_n3A_474 = arith.select %eq3A_473, %select_n3A_437, %select_n3A_451 : vector<64x256xi1>, vector<64x256xi32>
    %select_n3A_475 = arith.select %eq3A_473, %select_n3A_438, %select_n3A_458 : vector<64x256xi1>, vector<64x256xi32>
    %and3A_476 = arith.constant 2 : i32
    %and3A_477 = vector.broadcast %and3A_476 : i32 to vector<64x256xi32>
    %and3A_478 = arith.andi %iota3A, %and3A_477 : vector<64x256xi32>
    %ne3A_479 = arith.constant 0 : i32
    %ne3A_480 = vector.broadcast %ne3A_479 : i32 to vector<64x256xi32>
    %ne3A_481 = arith.cmpi ne, %and3A_478, %ne3A_480 : vector<64x256xi32>
    %slice3A_482 = vector.extract_strided_slice %select_n3A_474 {offsets = [0, 254], sizes = [64, 2], strides = [1, 1]} : vector<64x256xi32> to vector<64x2xi32>
    %slice3A_483 = vector.extract_strided_slice %select_n3A_474 {offsets = [0, 0], sizes = [64, 254], strides = [1, 1]} : vector<64x256xi32> to vector<64x254xi32>
    %concatenate3A_484 = tpu.concatenate %slice3A_482, %slice3A_483 in 1 : vector<64x2xi32>, vector<64x254xi32> -> vector<64x256xi32>
    %slice3A_485 = vector.extract_strided_slice %select_n3A_474 {offsets = [0, 2], sizes = [64, 254], strides = [1, 1]} : vector<64x256xi32> to vector<64x254xi32>
    %slice3A_486 = vector.extract_strided_slice %select_n3A_474 {offsets = [0, 0], sizes = [64, 2], strides = [1, 1]} : vector<64x256xi32> to vector<64x2xi32>
    %concatenate3A_487 = tpu.concatenate %slice3A_485, %slice3A_486 in 1 : vector<64x254xi32>, vector<64x2xi32> -> vector<64x256xi32>
    %select_n3A_488 = arith.select %ne3A_481, %concatenate3A_484, %concatenate3A_487 : vector<64x256xi1>, vector<64x256xi32>
    %slice3A_489 = vector.extract_strided_slice %select_n3A_475 {offsets = [0, 254], sizes = [64, 2], strides = [1, 1]} : vector<64x256xi32> to vector<64x2xi32>
    %slice3A_490 = vector.extract_strided_slice %select_n3A_475 {offsets = [0, 0], sizes = [64, 254], strides = [1, 1]} : vector<64x256xi32> to vector<64x254xi32>
    %concatenate3A_491 = tpu.concatenate %slice3A_489, %slice3A_490 in 1 : vector<64x2xi32>, vector<64x254xi32> -> vector<64x256xi32>
    %slice3A_492 = vector.extract_strided_slice %select_n3A_475 {offsets = [0, 2], sizes = [64, 254], strides = [1, 1]} : vector<64x256xi32> to vector<64x254xi32>
    %slice3A_493 = vector.extract_strided_slice %select_n3A_475 {offsets = [0, 0], sizes = [64, 2], strides = [1, 1]} : vector<64x256xi32> to vector<64x2xi32>
    %concatenate3A_494 = tpu.concatenate %slice3A_492, %slice3A_493 in 1 : vector<64x254xi32>, vector<64x2xi32> -> vector<64x256xi32>
    %select_n3A_495 = arith.select %ne3A_481, %concatenate3A_491, %concatenate3A_494 : vector<64x256xi1>, vector<64x256xi32>
    %and3A_496 = arith.constant 32 : i32
    %and3A_497 = vector.broadcast %and3A_496 : i32 to vector<64x256xi32>
    %and3A_498 = arith.andi %iota3A, %and3A_497 : vector<64x256xi32>
    %eq3A_499 = arith.constant 0 : i32
    %eq3A_500 = vector.broadcast %eq3A_499 : i32 to vector<64x256xi32>
    %eq3A_501 = arith.cmpi eq, %and3A_498, %eq3A_500 : vector<64x256xi32>
    %xor3A_502 = arith.xori %eq3A_501, %ne3A_481 : vector<64x256xi1>
    %gt3A_503 = arith.cmpi sgt, %select_n3A_474, %select_n3A_488 : vector<64x256xi32>
    %eq3A_504 = arith.cmpi eq, %select_n3A_474, %select_n3A_488 : vector<64x256xi32>
    %lt3A_505 = arith.cmpi slt, %select_n3A_475, %select_n3A_495 : vector<64x256xi32>
    %and3A_506 = arith.andi %eq3A_504, %lt3A_505 : vector<64x256xi1>
    %or3A_507 = arith.ori %gt3A_503, %and3A_506 : vector<64x256xi1>
    %eq3A_508 = arith.xori %xor3A_502, %or3A_507 : vector<64x256xi1>
    %eq3A_509 = arith.constant dense<true> : vector<64x256xi1>
    %eq3A_510 = arith.xori %eq3A_508, %eq3A_509 : vector<64x256xi1>
    %select_n3A_511 = arith.select %eq3A_510, %select_n3A_474, %select_n3A_488 : vector<64x256xi1>, vector<64x256xi32>
    %select_n3A_512 = arith.select %eq3A_510, %select_n3A_475, %select_n3A_495 : vector<64x256xi1>, vector<64x256xi32>
    %and3A_513 = arith.constant 1 : i32
    %and3A_514 = vector.broadcast %and3A_513 : i32 to vector<64x256xi32>
    %and3A_515 = arith.andi %iota3A, %and3A_514 : vector<64x256xi32>
    %ne3A_516 = arith.constant 0 : i32
    %ne3A_517 = vector.broadcast %ne3A_516 : i32 to vector<64x256xi32>
    %ne3A_518 = arith.cmpi ne, %and3A_515, %ne3A_517 : vector<64x256xi32>
    %slice3A_519 = vector.extract_strided_slice %select_n3A_511 {offsets = [0, 255], sizes = [64, 1], strides = [1, 1]} : vector<64x256xi32> to vector<64x1xi32>
    %slice3A_520 = vector.extract_strided_slice %select_n3A_511 {offsets = [0, 0], sizes = [64, 255], strides = [1, 1]} : vector<64x256xi32> to vector<64x255xi32>
    %concatenate3A_521 = tpu.concatenate %slice3A_519, %slice3A_520 in 1 : vector<64x1xi32>, vector<64x255xi32> -> vector<64x256xi32>
    %slice3A_522 = vector.extract_strided_slice %select_n3A_511 {offsets = [0, 1], sizes = [64, 255], strides = [1, 1]} : vector<64x256xi32> to vector<64x255xi32>
    %slice3A_523 = vector.extract_strided_slice %select_n3A_511 {offsets = [0, 0], sizes = [64, 1], strides = [1, 1]} : vector<64x256xi32> to vector<64x1xi32>
    %concatenate3A_524 = tpu.concatenate %slice3A_522, %slice3A_523 in 1 : vector<64x255xi32>, vector<64x1xi32> -> vector<64x256xi32>
    %select_n3A_525 = arith.select %ne3A_518, %concatenate3A_521, %concatenate3A_524 : vector<64x256xi1>, vector<64x256xi32>
    %slice3A_526 = vector.extract_strided_slice %select_n3A_512 {offsets = [0, 255], sizes = [64, 1], strides = [1, 1]} : vector<64x256xi32> to vector<64x1xi32>
    %slice3A_527 = vector.extract_strided_slice %select_n3A_512 {offsets = [0, 0], sizes = [64, 255], strides = [1, 1]} : vector<64x256xi32> to vector<64x255xi32>
    %concatenate3A_528 = tpu.concatenate %slice3A_526, %slice3A_527 in 1 : vector<64x1xi32>, vector<64x255xi32> -> vector<64x256xi32>
    %slice3A_529 = vector.extract_strided_slice %select_n3A_512 {offsets = [0, 1], sizes = [64, 255], strides = [1, 1]} : vector<64x256xi32> to vector<64x255xi32>
    %slice3A_530 = vector.extract_strided_slice %select_n3A_512 {offsets = [0, 0], sizes = [64, 1], strides = [1, 1]} : vector<64x256xi32> to vector<64x1xi32>
    %concatenate3A_531 = tpu.concatenate %slice3A_529, %slice3A_530 in 1 : vector<64x255xi32>, vector<64x1xi32> -> vector<64x256xi32>
    %select_n3A_532 = arith.select %ne3A_518, %concatenate3A_528, %concatenate3A_531 : vector<64x256xi1>, vector<64x256xi32>
    %and3A_533 = arith.constant 32 : i32
    %and3A_534 = vector.broadcast %and3A_533 : i32 to vector<64x256xi32>
    %and3A_535 = arith.andi %iota3A, %and3A_534 : vector<64x256xi32>
    %eq3A_536 = arith.constant 0 : i32
    %eq3A_537 = vector.broadcast %eq3A_536 : i32 to vector<64x256xi32>
    %eq3A_538 = arith.cmpi eq, %and3A_535, %eq3A_537 : vector<64x256xi32>
    %xor3A_539 = arith.xori %eq3A_538, %ne3A_518 : vector<64x256xi1>
    %gt3A_540 = arith.cmpi sgt, %select_n3A_511, %select_n3A_525 : vector<64x256xi32>
    %eq3A_541 = arith.cmpi eq, %select_n3A_511, %select_n3A_525 : vector<64x256xi32>
    %lt3A_542 = arith.cmpi slt, %select_n3A_512, %select_n3A_532 : vector<64x256xi32>
    %and3A_543 = arith.andi %eq3A_541, %lt3A_542 : vector<64x256xi1>
    %or3A_544 = arith.ori %gt3A_540, %and3A_543 : vector<64x256xi1>
    %eq3A_545 = arith.xori %xor3A_539, %or3A_544 : vector<64x256xi1>
    %eq3A_546 = arith.constant dense<true> : vector<64x256xi1>
    %eq3A_547 = arith.xori %eq3A_545, %eq3A_546 : vector<64x256xi1>
    %select_n3A_548 = arith.select %eq3A_547, %select_n3A_511, %select_n3A_525 : vector<64x256xi1>, vector<64x256xi32>
    %select_n3A_549 = arith.select %eq3A_547, %select_n3A_512, %select_n3A_532 : vector<64x256xi1>, vector<64x256xi32>
    %and3A_550 = arith.constant 32 : i32
    %and3A_551 = vector.broadcast %and3A_550 : i32 to vector<64x256xi32>
    %and3A_552 = arith.andi %iota3A, %and3A_551 : vector<64x256xi32>
    %ne3A_553 = arith.constant 0 : i32
    %ne3A_554 = vector.broadcast %ne3A_553 : i32 to vector<64x256xi32>
    %ne3A_555 = arith.cmpi ne, %and3A_552, %ne3A_554 : vector<64x256xi32>
    %slice3A_556 = vector.extract_strided_slice %select_n3A_548 {offsets = [0, 224], sizes = [64, 32], strides = [1, 1]} : vector<64x256xi32> to vector<64x32xi32>
    %slice3A_557 = vector.extract_strided_slice %select_n3A_548 {offsets = [0, 0], sizes = [64, 224], strides = [1, 1]} : vector<64x256xi32> to vector<64x224xi32>
    %concatenate3A_558 = tpu.concatenate %slice3A_556, %slice3A_557 in 1 : vector<64x32xi32>, vector<64x224xi32> -> vector<64x256xi32>
    %slice3A_559 = vector.extract_strided_slice %select_n3A_548 {offsets = [0, 32], sizes = [64, 224], strides = [1, 1]} : vector<64x256xi32> to vector<64x224xi32>
    %slice3A_560 = vector.extract_strided_slice %select_n3A_548 {offsets = [0, 0], sizes = [64, 32], strides = [1, 1]} : vector<64x256xi32> to vector<64x32xi32>
    %concatenate3A_561 = tpu.concatenate %slice3A_559, %slice3A_560 in 1 : vector<64x224xi32>, vector<64x32xi32> -> vector<64x256xi32>
    %select_n3A_562 = arith.select %ne3A_555, %concatenate3A_558, %concatenate3A_561 : vector<64x256xi1>, vector<64x256xi32>
    %slice3A_563 = vector.extract_strided_slice %select_n3A_549 {offsets = [0, 224], sizes = [64, 32], strides = [1, 1]} : vector<64x256xi32> to vector<64x32xi32>
    %slice3A_564 = vector.extract_strided_slice %select_n3A_549 {offsets = [0, 0], sizes = [64, 224], strides = [1, 1]} : vector<64x256xi32> to vector<64x224xi32>
    %concatenate3A_565 = tpu.concatenate %slice3A_563, %slice3A_564 in 1 : vector<64x32xi32>, vector<64x224xi32> -> vector<64x256xi32>
    %slice3A_566 = vector.extract_strided_slice %select_n3A_549 {offsets = [0, 32], sizes = [64, 224], strides = [1, 1]} : vector<64x256xi32> to vector<64x224xi32>
    %slice3A_567 = vector.extract_strided_slice %select_n3A_549 {offsets = [0, 0], sizes = [64, 32], strides = [1, 1]} : vector<64x256xi32> to vector<64x32xi32>
    %concatenate3A_568 = tpu.concatenate %slice3A_566, %slice3A_567 in 1 : vector<64x224xi32>, vector<64x32xi32> -> vector<64x256xi32>
    %select_n3A_569 = arith.select %ne3A_555, %concatenate3A_565, %concatenate3A_568 : vector<64x256xi1>, vector<64x256xi32>
    %and3A_570 = arith.constant 64 : i32
    %and3A_571 = vector.broadcast %and3A_570 : i32 to vector<64x256xi32>
    %and3A_572 = arith.andi %iota3A, %and3A_571 : vector<64x256xi32>
    %eq3A_573 = arith.constant 0 : i32
    %eq3A_574 = vector.broadcast %eq3A_573 : i32 to vector<64x256xi32>
    %eq3A_575 = arith.cmpi eq, %and3A_572, %eq3A_574 : vector<64x256xi32>
    %xor3A_576 = arith.xori %eq3A_575, %ne3A_555 : vector<64x256xi1>
    %gt3A_577 = arith.cmpi sgt, %select_n3A_548, %select_n3A_562 : vector<64x256xi32>
    %eq3A_578 = arith.cmpi eq, %select_n3A_548, %select_n3A_562 : vector<64x256xi32>
    %lt3A_579 = arith.cmpi slt, %select_n3A_549, %select_n3A_569 : vector<64x256xi32>
    %and3A_580 = arith.andi %eq3A_578, %lt3A_579 : vector<64x256xi1>
    %or3A_581 = arith.ori %gt3A_577, %and3A_580 : vector<64x256xi1>
    %eq3A_582 = arith.xori %xor3A_576, %or3A_581 : vector<64x256xi1>
    %eq3A_583 = arith.constant dense<true> : vector<64x256xi1>
    %eq3A_584 = arith.xori %eq3A_582, %eq3A_583 : vector<64x256xi1>
    %select_n3A_585 = arith.select %eq3A_584, %select_n3A_548, %select_n3A_562 : vector<64x256xi1>, vector<64x256xi32>
    %select_n3A_586 = arith.select %eq3A_584, %select_n3A_549, %select_n3A_569 : vector<64x256xi1>, vector<64x256xi32>
    %and3A_587 = arith.constant 16 : i32
    %and3A_588 = vector.broadcast %and3A_587 : i32 to vector<64x256xi32>
    %and3A_589 = arith.andi %iota3A, %and3A_588 : vector<64x256xi32>
    %ne3A_590 = arith.constant 0 : i32
    %ne3A_591 = vector.broadcast %ne3A_590 : i32 to vector<64x256xi32>
    %ne3A_592 = arith.cmpi ne, %and3A_589, %ne3A_591 : vector<64x256xi32>
    %slice3A_593 = vector.extract_strided_slice %select_n3A_585 {offsets = [0, 240], sizes = [64, 16], strides = [1, 1]} : vector<64x256xi32> to vector<64x16xi32>
    %slice3A_594 = vector.extract_strided_slice %select_n3A_585 {offsets = [0, 0], sizes = [64, 240], strides = [1, 1]} : vector<64x256xi32> to vector<64x240xi32>
    %concatenate3A_595 = tpu.concatenate %slice3A_593, %slice3A_594 in 1 : vector<64x16xi32>, vector<64x240xi32> -> vector<64x256xi32>
    %slice3A_596 = vector.extract_strided_slice %select_n3A_585 {offsets = [0, 16], sizes = [64, 240], strides = [1, 1]} : vector<64x256xi32> to vector<64x240xi32>
    %slice3A_597 = vector.extract_strided_slice %select_n3A_585 {offsets = [0, 0], sizes = [64, 16], strides = [1, 1]} : vector<64x256xi32> to vector<64x16xi32>
    %concatenate3A_598 = tpu.concatenate %slice3A_596, %slice3A_597 in 1 : vector<64x240xi32>, vector<64x16xi32> -> vector<64x256xi32>
    %select_n3A_599 = arith.select %ne3A_592, %concatenate3A_595, %concatenate3A_598 : vector<64x256xi1>, vector<64x256xi32>
    %slice3A_600 = vector.extract_strided_slice %select_n3A_586 {offsets = [0, 240], sizes = [64, 16], strides = [1, 1]} : vector<64x256xi32> to vector<64x16xi32>
    %slice3A_601 = vector.extract_strided_slice %select_n3A_586 {offsets = [0, 0], sizes = [64, 240], strides = [1, 1]} : vector<64x256xi32> to vector<64x240xi32>
    %concatenate3A_602 = tpu.concatenate %slice3A_600, %slice3A_601 in 1 : vector<64x16xi32>, vector<64x240xi32> -> vector<64x256xi32>
    %slice3A_603 = vector.extract_strided_slice %select_n3A_586 {offsets = [0, 16], sizes = [64, 240], strides = [1, 1]} : vector<64x256xi32> to vector<64x240xi32>
    %slice3A_604 = vector.extract_strided_slice %select_n3A_586 {offsets = [0, 0], sizes = [64, 16], strides = [1, 1]} : vector<64x256xi32> to vector<64x16xi32>
    %concatenate3A_605 = tpu.concatenate %slice3A_603, %slice3A_604 in 1 : vector<64x240xi32>, vector<64x16xi32> -> vector<64x256xi32>
    %select_n3A_606 = arith.select %ne3A_592, %concatenate3A_602, %concatenate3A_605 : vector<64x256xi1>, vector<64x256xi32>
    %and3A_607 = arith.constant 64 : i32
    %and3A_608 = vector.broadcast %and3A_607 : i32 to vector<64x256xi32>
    %and3A_609 = arith.andi %iota3A, %and3A_608 : vector<64x256xi32>
    %eq3A_610 = arith.constant 0 : i32
    %eq3A_611 = vector.broadcast %eq3A_610 : i32 to vector<64x256xi32>
    %eq3A_612 = arith.cmpi eq, %and3A_609, %eq3A_611 : vector<64x256xi32>
    %xor3A_613 = arith.xori %eq3A_612, %ne3A_592 : vector<64x256xi1>
    %gt3A_614 = arith.cmpi sgt, %select_n3A_585, %select_n3A_599 : vector<64x256xi32>
    %eq3A_615 = arith.cmpi eq, %select_n3A_585, %select_n3A_599 : vector<64x256xi32>
    %lt3A_616 = arith.cmpi slt, %select_n3A_586, %select_n3A_606 : vector<64x256xi32>
    %and3A_617 = arith.andi %eq3A_615, %lt3A_616 : vector<64x256xi1>
    %or3A_618 = arith.ori %gt3A_614, %and3A_617 : vector<64x256xi1>
    %eq3A_619 = arith.xori %xor3A_613, %or3A_618 : vector<64x256xi1>
    %eq3A_620 = arith.constant dense<true> : vector<64x256xi1>
    %eq3A_621 = arith.xori %eq3A_619, %eq3A_620 : vector<64x256xi1>
    %select_n3A_622 = arith.select %eq3A_621, %select_n3A_585, %select_n3A_599 : vector<64x256xi1>, vector<64x256xi32>
    %select_n3A_623 = arith.select %eq3A_621, %select_n3A_586, %select_n3A_606 : vector<64x256xi1>, vector<64x256xi32>
    %and3A_624 = arith.constant 8 : i32
    %and3A_625 = vector.broadcast %and3A_624 : i32 to vector<64x256xi32>
    %and3A_626 = arith.andi %iota3A, %and3A_625 : vector<64x256xi32>
    %ne3A_627 = arith.constant 0 : i32
    %ne3A_628 = vector.broadcast %ne3A_627 : i32 to vector<64x256xi32>
    %ne3A_629 = arith.cmpi ne, %and3A_626, %ne3A_628 : vector<64x256xi32>
    %slice3A_630 = vector.extract_strided_slice %select_n3A_622 {offsets = [0, 248], sizes = [64, 8], strides = [1, 1]} : vector<64x256xi32> to vector<64x8xi32>
    %slice3A_631 = vector.extract_strided_slice %select_n3A_622 {offsets = [0, 0], sizes = [64, 248], strides = [1, 1]} : vector<64x256xi32> to vector<64x248xi32>
    %concatenate3A_632 = tpu.concatenate %slice3A_630, %slice3A_631 in 1 : vector<64x8xi32>, vector<64x248xi32> -> vector<64x256xi32>
    %slice3A_633 = vector.extract_strided_slice %select_n3A_622 {offsets = [0, 8], sizes = [64, 248], strides = [1, 1]} : vector<64x256xi32> to vector<64x248xi32>
    %slice3A_634 = vector.extract_strided_slice %select_n3A_622 {offsets = [0, 0], sizes = [64, 8], strides = [1, 1]} : vector<64x256xi32> to vector<64x8xi32>
    %concatenate3A_635 = tpu.concatenate %slice3A_633, %slice3A_634 in 1 : vector<64x248xi32>, vector<64x8xi32> -> vector<64x256xi32>
    %select_n3A_636 = arith.select %ne3A_629, %concatenate3A_632, %concatenate3A_635 : vector<64x256xi1>, vector<64x256xi32>
    %slice3A_637 = vector.extract_strided_slice %select_n3A_623 {offsets = [0, 248], sizes = [64, 8], strides = [1, 1]} : vector<64x256xi32> to vector<64x8xi32>
    %slice3A_638 = vector.extract_strided_slice %select_n3A_623 {offsets = [0, 0], sizes = [64, 248], strides = [1, 1]} : vector<64x256xi32> to vector<64x248xi32>
    %concatenate3A_639 = tpu.concatenate %slice3A_637, %slice3A_638 in 1 : vector<64x8xi32>, vector<64x248xi32> -> vector<64x256xi32>
    %slice3A_640 = vector.extract_strided_slice %select_n3A_623 {offsets = [0, 8], sizes = [64, 248], strides = [1, 1]} : vector<64x256xi32> to vector<64x248xi32>
    %slice3A_641 = vector.extract_strided_slice %select_n3A_623 {offsets = [0, 0], sizes = [64, 8], strides = [1, 1]} : vector<64x256xi32> to vector<64x8xi32>
    %concatenate3A_642 = tpu.concatenate %slice3A_640, %slice3A_641 in 1 : vector<64x248xi32>, vector<64x8xi32> -> vector<64x256xi32>
    %select_n3A_643 = arith.select %ne3A_629, %concatenate3A_639, %concatenate3A_642 : vector<64x256xi1>, vector<64x256xi32>
    %and3A_644 = arith.constant 64 : i32
    %and3A_645 = vector.broadcast %and3A_644 : i32 to vector<64x256xi32>
    %and3A_646 = arith.andi %iota3A, %and3A_645 : vector<64x256xi32>
    %eq3A_647 = arith.constant 0 : i32
    %eq3A_648 = vector.broadcast %eq3A_647 : i32 to vector<64x256xi32>
    %eq3A_649 = arith.cmpi eq, %and3A_646, %eq3A_648 : vector<64x256xi32>
    %xor3A_650 = arith.xori %eq3A_649, %ne3A_629 : vector<64x256xi1>
    %gt3A_651 = arith.cmpi sgt, %select_n3A_622, %select_n3A_636 : vector<64x256xi32>
    %eq3A_652 = arith.cmpi eq, %select_n3A_622, %select_n3A_636 : vector<64x256xi32>
    %lt3A_653 = arith.cmpi slt, %select_n3A_623, %select_n3A_643 : vector<64x256xi32>
    %and3A_654 = arith.andi %eq3A_652, %lt3A_653 : vector<64x256xi1>
    %or3A_655 = arith.ori %gt3A_651, %and3A_654 : vector<64x256xi1>
    %eq3A_656 = arith.xori %xor3A_650, %or3A_655 : vector<64x256xi1>
    %eq3A_657 = arith.constant dense<true> : vector<64x256xi1>
    %eq3A_658 = arith.xori %eq3A_656, %eq3A_657 : vector<64x256xi1>
    %select_n3A_659 = arith.select %eq3A_658, %select_n3A_622, %select_n3A_636 : vector<64x256xi1>, vector<64x256xi32>
    %select_n3A_660 = arith.select %eq3A_658, %select_n3A_623, %select_n3A_643 : vector<64x256xi1>, vector<64x256xi32>
    %and3A_661 = arith.constant 4 : i32
    %and3A_662 = vector.broadcast %and3A_661 : i32 to vector<64x256xi32>
    %and3A_663 = arith.andi %iota3A, %and3A_662 : vector<64x256xi32>
    %ne3A_664 = arith.constant 0 : i32
    %ne3A_665 = vector.broadcast %ne3A_664 : i32 to vector<64x256xi32>
    %ne3A_666 = arith.cmpi ne, %and3A_663, %ne3A_665 : vector<64x256xi32>
    %slice3A_667 = vector.extract_strided_slice %select_n3A_659 {offsets = [0, 252], sizes = [64, 4], strides = [1, 1]} : vector<64x256xi32> to vector<64x4xi32>
    %slice3A_668 = vector.extract_strided_slice %select_n3A_659 {offsets = [0, 0], sizes = [64, 252], strides = [1, 1]} : vector<64x256xi32> to vector<64x252xi32>
    %concatenate3A_669 = tpu.concatenate %slice3A_667, %slice3A_668 in 1 : vector<64x4xi32>, vector<64x252xi32> -> vector<64x256xi32>
    %slice3A_670 = vector.extract_strided_slice %select_n3A_659 {offsets = [0, 4], sizes = [64, 252], strides = [1, 1]} : vector<64x256xi32> to vector<64x252xi32>
    %slice3A_671 = vector.extract_strided_slice %select_n3A_659 {offsets = [0, 0], sizes = [64, 4], strides = [1, 1]} : vector<64x256xi32> to vector<64x4xi32>
    %concatenate3A_672 = tpu.concatenate %slice3A_670, %slice3A_671 in 1 : vector<64x252xi32>, vector<64x4xi32> -> vector<64x256xi32>
    %select_n3A_673 = arith.select %ne3A_666, %concatenate3A_669, %concatenate3A_672 : vector<64x256xi1>, vector<64x256xi32>
    %slice3A_674 = vector.extract_strided_slice %select_n3A_660 {offsets = [0, 252], sizes = [64, 4], strides = [1, 1]} : vector<64x256xi32> to vector<64x4xi32>
    %slice3A_675 = vector.extract_strided_slice %select_n3A_660 {offsets = [0, 0], sizes = [64, 252], strides = [1, 1]} : vector<64x256xi32> to vector<64x252xi32>
    %concatenate3A_676 = tpu.concatenate %slice3A_674, %slice3A_675 in 1 : vector<64x4xi32>, vector<64x252xi32> -> vector<64x256xi32>
    %slice3A_677 = vector.extract_strided_slice %select_n3A_660 {offsets = [0, 4], sizes = [64, 252], strides = [1, 1]} : vector<64x256xi32> to vector<64x252xi32>
    %slice3A_678 = vector.extract_strided_slice %select_n3A_660 {offsets = [0, 0], sizes = [64, 4], strides = [1, 1]} : vector<64x256xi32> to vector<64x4xi32>
    %concatenate3A_679 = tpu.concatenate %slice3A_677, %slice3A_678 in 1 : vector<64x252xi32>, vector<64x4xi32> -> vector<64x256xi32>
    %select_n3A_680 = arith.select %ne3A_666, %concatenate3A_676, %concatenate3A_679 : vector<64x256xi1>, vector<64x256xi32>
    %and3A_681 = arith.constant 64 : i32
    %and3A_682 = vector.broadcast %and3A_681 : i32 to vector<64x256xi32>
    %and3A_683 = arith.andi %iota3A, %and3A_682 : vector<64x256xi32>
    %eq3A_684 = arith.constant 0 : i32
    %eq3A_685 = vector.broadcast %eq3A_684 : i32 to vector<64x256xi32>
    %eq3A_686 = arith.cmpi eq, %and3A_683, %eq3A_685 : vector<64x256xi32>
    %xor3A_687 = arith.xori %eq3A_686, %ne3A_666 : vector<64x256xi1>
    %gt3A_688 = arith.cmpi sgt, %select_n3A_659, %select_n3A_673 : vector<64x256xi32>
    %eq3A_689 = arith.cmpi eq, %select_n3A_659, %select_n3A_673 : vector<64x256xi32>
    %lt3A_690 = arith.cmpi slt, %select_n3A_660, %select_n3A_680 : vector<64x256xi32>
    %and3A_691 = arith.andi %eq3A_689, %lt3A_690 : vector<64x256xi1>
    %or3A_692 = arith.ori %gt3A_688, %and3A_691 : vector<64x256xi1>
    %eq3A_693 = arith.xori %xor3A_687, %or3A_692 : vector<64x256xi1>
    %eq3A_694 = arith.constant dense<true> : vector<64x256xi1>
    %eq3A_695 = arith.xori %eq3A_693, %eq3A_694 : vector<64x256xi1>
    %select_n3A_696 = arith.select %eq3A_695, %select_n3A_659, %select_n3A_673 : vector<64x256xi1>, vector<64x256xi32>
    %select_n3A_697 = arith.select %eq3A_695, %select_n3A_660, %select_n3A_680 : vector<64x256xi1>, vector<64x256xi32>
    %and3A_698 = arith.constant 2 : i32
    %and3A_699 = vector.broadcast %and3A_698 : i32 to vector<64x256xi32>
    %and3A_700 = arith.andi %iota3A, %and3A_699 : vector<64x256xi32>
    %ne3A_701 = arith.constant 0 : i32
    %ne3A_702 = vector.broadcast %ne3A_701 : i32 to vector<64x256xi32>
    %ne3A_703 = arith.cmpi ne, %and3A_700, %ne3A_702 : vector<64x256xi32>
    %slice3A_704 = vector.extract_strided_slice %select_n3A_696 {offsets = [0, 254], sizes = [64, 2], strides = [1, 1]} : vector<64x256xi32> to vector<64x2xi32>
    %slice3A_705 = vector.extract_strided_slice %select_n3A_696 {offsets = [0, 0], sizes = [64, 254], strides = [1, 1]} : vector<64x256xi32> to vector<64x254xi32>
    %concatenate3A_706 = tpu.concatenate %slice3A_704, %slice3A_705 in 1 : vector<64x2xi32>, vector<64x254xi32> -> vector<64x256xi32>
    %slice3A_707 = vector.extract_strided_slice %select_n3A_696 {offsets = [0, 2], sizes = [64, 254], strides = [1, 1]} : vector<64x256xi32> to vector<64x254xi32>
    %slice3A_708 = vector.extract_strided_slice %select_n3A_696 {offsets = [0, 0], sizes = [64, 2], strides = [1, 1]} : vector<64x256xi32> to vector<64x2xi32>
    %concatenate3A_709 = tpu.concatenate %slice3A_707, %slice3A_708 in 1 : vector<64x254xi32>, vector<64x2xi32> -> vector<64x256xi32>
    %select_n3A_710 = arith.select %ne3A_703, %concatenate3A_706, %concatenate3A_709 : vector<64x256xi1>, vector<64x256xi32>
    %slice3A_711 = vector.extract_strided_slice %select_n3A_697 {offsets = [0, 254], sizes = [64, 2], strides = [1, 1]} : vector<64x256xi32> to vector<64x2xi32>
    %slice3A_712 = vector.extract_strided_slice %select_n3A_697 {offsets = [0, 0], sizes = [64, 254], strides = [1, 1]} : vector<64x256xi32> to vector<64x254xi32>
    %concatenate3A_713 = tpu.concatenate %slice3A_711, %slice3A_712 in 1 : vector<64x2xi32>, vector<64x254xi32> -> vector<64x256xi32>
    %slice3A_714 = vector.extract_strided_slice %select_n3A_697 {offsets = [0, 2], sizes = [64, 254], strides = [1, 1]} : vector<64x256xi32> to vector<64x254xi32>
    %slice3A_715 = vector.extract_strided_slice %select_n3A_697 {offsets = [0, 0], sizes = [64, 2], strides = [1, 1]} : vector<64x256xi32> to vector<64x2xi32>
    %concatenate3A_716 = tpu.concatenate %slice3A_714, %slice3A_715 in 1 : vector<64x254xi32>, vector<64x2xi32> -> vector<64x256xi32>
    %select_n3A_717 = arith.select %ne3A_703, %concatenate3A_713, %concatenate3A_716 : vector<64x256xi1>, vector<64x256xi32>
    %and3A_718 = arith.constant 64 : i32
    %and3A_719 = vector.broadcast %and3A_718 : i32 to vector<64x256xi32>
    %and3A_720 = arith.andi %iota3A, %and3A_719 : vector<64x256xi32>
    %eq3A_721 = arith.constant 0 : i32
    %eq3A_722 = vector.broadcast %eq3A_721 : i32 to vector<64x256xi32>
    %eq3A_723 = arith.cmpi eq, %and3A_720, %eq3A_722 : vector<64x256xi32>
    %xor3A_724 = arith.xori %eq3A_723, %ne3A_703 : vector<64x256xi1>
    %gt3A_725 = arith.cmpi sgt, %select_n3A_696, %select_n3A_710 : vector<64x256xi32>
    %eq3A_726 = arith.cmpi eq, %select_n3A_696, %select_n3A_710 : vector<64x256xi32>
    %lt3A_727 = arith.cmpi slt, %select_n3A_697, %select_n3A_717 : vector<64x256xi32>
    %and3A_728 = arith.andi %eq3A_726, %lt3A_727 : vector<64x256xi1>
    %or3A_729 = arith.ori %gt3A_725, %and3A_728 : vector<64x256xi1>
    %eq3A_730 = arith.xori %xor3A_724, %or3A_729 : vector<64x256xi1>
    %eq3A_731 = arith.constant dense<true> : vector<64x256xi1>
    %eq3A_732 = arith.xori %eq3A_730, %eq3A_731 : vector<64x256xi1>
    %select_n3A_733 = arith.select %eq3A_732, %select_n3A_696, %select_n3A_710 : vector<64x256xi1>, vector<64x256xi32>
    %select_n3A_734 = arith.select %eq3A_732, %select_n3A_697, %select_n3A_717 : vector<64x256xi1>, vector<64x256xi32>
    %and3A_735 = arith.constant 1 : i32
    %and3A_736 = vector.broadcast %and3A_735 : i32 to vector<64x256xi32>
    %and3A_737 = arith.andi %iota3A, %and3A_736 : vector<64x256xi32>
    %ne3A_738 = arith.constant 0 : i32
    %ne3A_739 = vector.broadcast %ne3A_738 : i32 to vector<64x256xi32>
    %ne3A_740 = arith.cmpi ne, %and3A_737, %ne3A_739 : vector<64x256xi32>
    %slice3A_741 = vector.extract_strided_slice %select_n3A_733 {offsets = [0, 255], sizes = [64, 1], strides = [1, 1]} : vector<64x256xi32> to vector<64x1xi32>
    %slice3A_742 = vector.extract_strided_slice %select_n3A_733 {offsets = [0, 0], sizes = [64, 255], strides = [1, 1]} : vector<64x256xi32> to vector<64x255xi32>
    %concatenate3A_743 = tpu.concatenate %slice3A_741, %slice3A_742 in 1 : vector<64x1xi32>, vector<64x255xi32> -> vector<64x256xi32>
    %slice3A_744 = vector.extract_strided_slice %select_n3A_733 {offsets = [0, 1], sizes = [64, 255], strides = [1, 1]} : vector<64x256xi32> to vector<64x255xi32>
    %slice3A_745 = vector.extract_strided_slice %select_n3A_733 {offsets = [0, 0], sizes = [64, 1], strides = [1, 1]} : vector<64x256xi32> to vector<64x1xi32>
    %concatenate3A_746 = tpu.concatenate %slice3A_744, %slice3A_745 in 1 : vector<64x255xi32>, vector<64x1xi32> -> vector<64x256xi32>
    %select_n3A_747 = arith.select %ne3A_740, %concatenate3A_743, %concatenate3A_746 : vector<64x256xi1>, vector<64x256xi32>
    %slice3A_748 = vector.extract_strided_slice %select_n3A_734 {offsets = [0, 255], sizes = [64, 1], strides = [1, 1]} : vector<64x256xi32> to vector<64x1xi32>
    %slice3A_749 = vector.extract_strided_slice %select_n3A_734 {offsets = [0, 0], sizes = [64, 255], strides = [1, 1]} : vector<64x256xi32> to vector<64x255xi32>
    %concatenate3A_750 = tpu.concatenate %slice3A_748, %slice3A_749 in 1 : vector<64x1xi32>, vector<64x255xi32> -> vector<64x256xi32>
    %slice3A_751 = vector.extract_strided_slice %select_n3A_734 {offsets = [0, 1], sizes = [64, 255], strides = [1, 1]} : vector<64x256xi32> to vector<64x255xi32>
    %slice3A_752 = vector.extract_strided_slice %select_n3A_734 {offsets = [0, 0], sizes = [64, 1], strides = [1, 1]} : vector<64x256xi32> to vector<64x1xi32>
    %concatenate3A_753 = tpu.concatenate %slice3A_751, %slice3A_752 in 1 : vector<64x255xi32>, vector<64x1xi32> -> vector<64x256xi32>
    %select_n3A_754 = arith.select %ne3A_740, %concatenate3A_750, %concatenate3A_753 : vector<64x256xi1>, vector<64x256xi32>
    %and3A_755 = arith.constant 64 : i32
    %and3A_756 = vector.broadcast %and3A_755 : i32 to vector<64x256xi32>
    %and3A_757 = arith.andi %iota3A, %and3A_756 : vector<64x256xi32>
    %eq3A_758 = arith.constant 0 : i32
    %eq3A_759 = vector.broadcast %eq3A_758 : i32 to vector<64x256xi32>
    %eq3A_760 = arith.cmpi eq, %and3A_757, %eq3A_759 : vector<64x256xi32>
    %xor3A_761 = arith.xori %eq3A_760, %ne3A_740 : vector<64x256xi1>
    %gt3A_762 = arith.cmpi sgt, %select_n3A_733, %select_n3A_747 : vector<64x256xi32>
    %eq3A_763 = arith.cmpi eq, %select_n3A_733, %select_n3A_747 : vector<64x256xi32>
    %lt3A_764 = arith.cmpi slt, %select_n3A_734, %select_n3A_754 : vector<64x256xi32>
    %and3A_765 = arith.andi %eq3A_763, %lt3A_764 : vector<64x256xi1>
    %or3A_766 = arith.ori %gt3A_762, %and3A_765 : vector<64x256xi1>
    %eq3A_767 = arith.xori %xor3A_761, %or3A_766 : vector<64x256xi1>
    %eq3A_768 = arith.constant dense<true> : vector<64x256xi1>
    %eq3A_769 = arith.xori %eq3A_767, %eq3A_768 : vector<64x256xi1>
    %select_n3A_770 = arith.select %eq3A_769, %select_n3A_733, %select_n3A_747 : vector<64x256xi1>, vector<64x256xi32>
    %select_n3A_771 = arith.select %eq3A_769, %select_n3A_734, %select_n3A_754 : vector<64x256xi1>, vector<64x256xi32>
    %and3A_772 = arith.constant 64 : i32
    %and3A_773 = vector.broadcast %and3A_772 : i32 to vector<64x256xi32>
    %and3A_774 = arith.andi %iota3A, %and3A_773 : vector<64x256xi32>
    %ne3A_775 = arith.constant 0 : i32
    %ne3A_776 = vector.broadcast %ne3A_775 : i32 to vector<64x256xi32>
    %ne3A_777 = arith.cmpi ne, %and3A_774, %ne3A_776 : vector<64x256xi32>
    %slice3A_778 = vector.extract_strided_slice %select_n3A_770 {offsets = [0, 192], sizes = [64, 64], strides = [1, 1]} : vector<64x256xi32> to vector<64x64xi32>
    %slice3A_779 = vector.extract_strided_slice %select_n3A_770 {offsets = [0, 0], sizes = [64, 192], strides = [1, 1]} : vector<64x256xi32> to vector<64x192xi32>
    %concatenate3A_780 = tpu.concatenate %slice3A_778, %slice3A_779 in 1 : vector<64x64xi32>, vector<64x192xi32> -> vector<64x256xi32>
    %slice3A_781 = vector.extract_strided_slice %select_n3A_770 {offsets = [0, 64], sizes = [64, 192], strides = [1, 1]} : vector<64x256xi32> to vector<64x192xi32>
    %slice3A_782 = vector.extract_strided_slice %select_n3A_770 {offsets = [0, 0], sizes = [64, 64], strides = [1, 1]} : vector<64x256xi32> to vector<64x64xi32>
    %concatenate3A_783 = tpu.concatenate %slice3A_781, %slice3A_782 in 1 : vector<64x192xi32>, vector<64x64xi32> -> vector<64x256xi32>
    %select_n3A_784 = arith.select %ne3A_777, %concatenate3A_780, %concatenate3A_783 : vector<64x256xi1>, vector<64x256xi32>
    %slice3A_785 = vector.extract_strided_slice %select_n3A_771 {offsets = [0, 192], sizes = [64, 64], strides = [1, 1]} : vector<64x256xi32> to vector<64x64xi32>
    %slice3A_786 = vector.extract_strided_slice %select_n3A_771 {offsets = [0, 0], sizes = [64, 192], strides = [1, 1]} : vector<64x256xi32> to vector<64x192xi32>
    %concatenate3A_787 = tpu.concatenate %slice3A_785, %slice3A_786 in 1 : vector<64x64xi32>, vector<64x192xi32> -> vector<64x256xi32>
    %slice3A_788 = vector.extract_strided_slice %select_n3A_771 {offsets = [0, 64], sizes = [64, 192], strides = [1, 1]} : vector<64x256xi32> to vector<64x192xi32>
    %slice3A_789 = vector.extract_strided_slice %select_n3A_771 {offsets = [0, 0], sizes = [64, 64], strides = [1, 1]} : vector<64x256xi32> to vector<64x64xi32>
    %concatenate3A_790 = tpu.concatenate %slice3A_788, %slice3A_789 in 1 : vector<64x192xi32>, vector<64x64xi32> -> vector<64x256xi32>
    %select_n3A_791 = arith.select %ne3A_777, %concatenate3A_787, %concatenate3A_790 : vector<64x256xi1>, vector<64x256xi32>
    %and3A_792 = arith.constant 128 : i32
    %and3A_793 = vector.broadcast %and3A_792 : i32 to vector<64x256xi32>
    %and3A_794 = arith.andi %iota3A, %and3A_793 : vector<64x256xi32>
    %eq3A_795 = arith.constant 0 : i32
    %eq3A_796 = vector.broadcast %eq3A_795 : i32 to vector<64x256xi32>
    %eq3A_797 = arith.cmpi eq, %and3A_794, %eq3A_796 : vector<64x256xi32>
    %xor3A_798 = arith.xori %eq3A_797, %ne3A_777 : vector<64x256xi1>
    %gt3A_799 = arith.cmpi sgt, %select_n3A_770, %select_n3A_784 : vector<64x256xi32>
    %eq3A_800 = arith.cmpi eq, %select_n3A_770, %select_n3A_784 : vector<64x256xi32>
    %lt3A_801 = arith.cmpi slt, %select_n3A_771, %select_n3A_791 : vector<64x256xi32>
    %and3A_802 = arith.andi %eq3A_800, %lt3A_801 : vector<64x256xi1>
    %or3A_803 = arith.ori %gt3A_799, %and3A_802 : vector<64x256xi1>
    %eq3A_804 = arith.xori %xor3A_798, %or3A_803 : vector<64x256xi1>
    %eq3A_805 = arith.constant dense<true> : vector<64x256xi1>
    %eq3A_806 = arith.xori %eq3A_804, %eq3A_805 : vector<64x256xi1>
    %select_n3A_807 = arith.select %eq3A_806, %select_n3A_770, %select_n3A_784 : vector<64x256xi1>, vector<64x256xi32>
    %select_n3A_808 = arith.select %eq3A_806, %select_n3A_771, %select_n3A_791 : vector<64x256xi1>, vector<64x256xi32>
    %and3A_809 = arith.constant 32 : i32
    %and3A_810 = vector.broadcast %and3A_809 : i32 to vector<64x256xi32>
    %and3A_811 = arith.andi %iota3A, %and3A_810 : vector<64x256xi32>
    %ne3A_812 = arith.constant 0 : i32
    %ne3A_813 = vector.broadcast %ne3A_812 : i32 to vector<64x256xi32>
    %ne3A_814 = arith.cmpi ne, %and3A_811, %ne3A_813 : vector<64x256xi32>
    %slice3A_815 = vector.extract_strided_slice %select_n3A_807 {offsets = [0, 224], sizes = [64, 32], strides = [1, 1]} : vector<64x256xi32> to vector<64x32xi32>
    %slice3A_816 = vector.extract_strided_slice %select_n3A_807 {offsets = [0, 0], sizes = [64, 224], strides = [1, 1]} : vector<64x256xi32> to vector<64x224xi32>
    %concatenate3A_817 = tpu.concatenate %slice3A_815, %slice3A_816 in 1 : vector<64x32xi32>, vector<64x224xi32> -> vector<64x256xi32>
    %slice3A_818 = vector.extract_strided_slice %select_n3A_807 {offsets = [0, 32], sizes = [64, 224], strides = [1, 1]} : vector<64x256xi32> to vector<64x224xi32>
    %slice3A_819 = vector.extract_strided_slice %select_n3A_807 {offsets = [0, 0], sizes = [64, 32], strides = [1, 1]} : vector<64x256xi32> to vector<64x32xi32>
    %concatenate3A_820 = tpu.concatenate %slice3A_818, %slice3A_819 in 1 : vector<64x224xi32>, vector<64x32xi32> -> vector<64x256xi32>
    %select_n3A_821 = arith.select %ne3A_814, %concatenate3A_817, %concatenate3A_820 : vector<64x256xi1>, vector<64x256xi32>
    %slice3A_822 = vector.extract_strided_slice %select_n3A_808 {offsets = [0, 224], sizes = [64, 32], strides = [1, 1]} : vector<64x256xi32> to vector<64x32xi32>
    %slice3A_823 = vector.extract_strided_slice %select_n3A_808 {offsets = [0, 0], sizes = [64, 224], strides = [1, 1]} : vector<64x256xi32> to vector<64x224xi32>
    %concatenate3A_824 = tpu.concatenate %slice3A_822, %slice3A_823 in 1 : vector<64x32xi32>, vector<64x224xi32> -> vector<64x256xi32>
    %slice3A_825 = vector.extract_strided_slice %select_n3A_808 {offsets = [0, 32], sizes = [64, 224], strides = [1, 1]} : vector<64x256xi32> to vector<64x224xi32>
    %slice3A_826 = vector.extract_strided_slice %select_n3A_808 {offsets = [0, 0], sizes = [64, 32], strides = [1, 1]} : vector<64x256xi32> to vector<64x32xi32>
    %concatenate3A_827 = tpu.concatenate %slice3A_825, %slice3A_826 in 1 : vector<64x224xi32>, vector<64x32xi32> -> vector<64x256xi32>
    %select_n3A_828 = arith.select %ne3A_814, %concatenate3A_824, %concatenate3A_827 : vector<64x256xi1>, vector<64x256xi32>
    %and3A_829 = arith.constant 128 : i32
    %and3A_830 = vector.broadcast %and3A_829 : i32 to vector<64x256xi32>
    %and3A_831 = arith.andi %iota3A, %and3A_830 : vector<64x256xi32>
    %eq3A_832 = arith.constant 0 : i32
    %eq3A_833 = vector.broadcast %eq3A_832 : i32 to vector<64x256xi32>
    %eq3A_834 = arith.cmpi eq, %and3A_831, %eq3A_833 : vector<64x256xi32>
    %xor3A_835 = arith.xori %eq3A_834, %ne3A_814 : vector<64x256xi1>
    %gt3A_836 = arith.cmpi sgt, %select_n3A_807, %select_n3A_821 : vector<64x256xi32>
    %eq3A_837 = arith.cmpi eq, %select_n3A_807, %select_n3A_821 : vector<64x256xi32>
    %lt3A_838 = arith.cmpi slt, %select_n3A_808, %select_n3A_828 : vector<64x256xi32>
    %and3A_839 = arith.andi %eq3A_837, %lt3A_838 : vector<64x256xi1>
    %or3A_840 = arith.ori %gt3A_836, %and3A_839 : vector<64x256xi1>
    %eq3A_841 = arith.xori %xor3A_835, %or3A_840 : vector<64x256xi1>
    %eq3A_842 = arith.constant dense<true> : vector<64x256xi1>
    %eq3A_843 = arith.xori %eq3A_841, %eq3A_842 : vector<64x256xi1>
    %select_n3A_844 = arith.select %eq3A_843, %select_n3A_807, %select_n3A_821 : vector<64x256xi1>, vector<64x256xi32>
    %select_n3A_845 = arith.select %eq3A_843, %select_n3A_808, %select_n3A_828 : vector<64x256xi1>, vector<64x256xi32>
    %and3A_846 = arith.constant 16 : i32
    %and3A_847 = vector.broadcast %and3A_846 : i32 to vector<64x256xi32>
    %and3A_848 = arith.andi %iota3A, %and3A_847 : vector<64x256xi32>
    %ne3A_849 = arith.constant 0 : i32
    %ne3A_850 = vector.broadcast %ne3A_849 : i32 to vector<64x256xi32>
    %ne3A_851 = arith.cmpi ne, %and3A_848, %ne3A_850 : vector<64x256xi32>
    %slice3A_852 = vector.extract_strided_slice %select_n3A_844 {offsets = [0, 240], sizes = [64, 16], strides = [1, 1]} : vector<64x256xi32> to vector<64x16xi32>
    %slice3A_853 = vector.extract_strided_slice %select_n3A_844 {offsets = [0, 0], sizes = [64, 240], strides = [1, 1]} : vector<64x256xi32> to vector<64x240xi32>
    %concatenate3A_854 = tpu.concatenate %slice3A_852, %slice3A_853 in 1 : vector<64x16xi32>, vector<64x240xi32> -> vector<64x256xi32>
    %slice3A_855 = vector.extract_strided_slice %select_n3A_844 {offsets = [0, 16], sizes = [64, 240], strides = [1, 1]} : vector<64x256xi32> to vector<64x240xi32>
    %slice3A_856 = vector.extract_strided_slice %select_n3A_844 {offsets = [0, 0], sizes = [64, 16], strides = [1, 1]} : vector<64x256xi32> to vector<64x16xi32>
    %concatenate3A_857 = tpu.concatenate %slice3A_855, %slice3A_856 in 1 : vector<64x240xi32>, vector<64x16xi32> -> vector<64x256xi32>
    %select_n3A_858 = arith.select %ne3A_851, %concatenate3A_854, %concatenate3A_857 : vector<64x256xi1>, vector<64x256xi32>
    %slice3A_859 = vector.extract_strided_slice %select_n3A_845 {offsets = [0, 240], sizes = [64, 16], strides = [1, 1]} : vector<64x256xi32> to vector<64x16xi32>
    %slice3A_860 = vector.extract_strided_slice %select_n3A_845 {offsets = [0, 0], sizes = [64, 240], strides = [1, 1]} : vector<64x256xi32> to vector<64x240xi32>
    %concatenate3A_861 = tpu.concatenate %slice3A_859, %slice3A_860 in 1 : vector<64x16xi32>, vector<64x240xi32> -> vector<64x256xi32>
    %slice3A_862 = vector.extract_strided_slice %select_n3A_845 {offsets = [0, 16], sizes = [64, 240], strides = [1, 1]} : vector<64x256xi32> to vector<64x240xi32>
    %slice3A_863 = vector.extract_strided_slice %select_n3A_845 {offsets = [0, 0], sizes = [64, 16], strides = [1, 1]} : vector<64x256xi32> to vector<64x16xi32>
    %concatenate3A_864 = tpu.concatenate %slice3A_862, %slice3A_863 in 1 : vector<64x240xi32>, vector<64x16xi32> -> vector<64x256xi32>
    %select_n3A_865 = arith.select %ne3A_851, %concatenate3A_861, %concatenate3A_864 : vector<64x256xi1>, vector<64x256xi32>
    %and3A_866 = arith.constant 128 : i32
    %and3A_867 = vector.broadcast %and3A_866 : i32 to vector<64x256xi32>
    %and3A_868 = arith.andi %iota3A, %and3A_867 : vector<64x256xi32>
    %eq3A_869 = arith.constant 0 : i32
    %eq3A_870 = vector.broadcast %eq3A_869 : i32 to vector<64x256xi32>
    %eq3A_871 = arith.cmpi eq, %and3A_868, %eq3A_870 : vector<64x256xi32>
    %xor3A_872 = arith.xori %eq3A_871, %ne3A_851 : vector<64x256xi1>
    %gt3A_873 = arith.cmpi sgt, %select_n3A_844, %select_n3A_858 : vector<64x256xi32>
    %eq3A_874 = arith.cmpi eq, %select_n3A_844, %select_n3A_858 : vector<64x256xi32>
    %lt3A_875 = arith.cmpi slt, %select_n3A_845, %select_n3A_865 : vector<64x256xi32>
    %and3A_876 = arith.andi %eq3A_874, %lt3A_875 : vector<64x256xi1>
    %or3A_877 = arith.ori %gt3A_873, %and3A_876 : vector<64x256xi1>
    %eq3A_878 = arith.xori %xor3A_872, %or3A_877 : vector<64x256xi1>
    %eq3A_879 = arith.constant dense<true> : vector<64x256xi1>
    %eq3A_880 = arith.xori %eq3A_878, %eq3A_879 : vector<64x256xi1>
    %select_n3A_881 = arith.select %eq3A_880, %select_n3A_844, %select_n3A_858 : vector<64x256xi1>, vector<64x256xi32>
    %select_n3A_882 = arith.select %eq3A_880, %select_n3A_845, %select_n3A_865 : vector<64x256xi1>, vector<64x256xi32>
    %and3A_883 = arith.constant 8 : i32
    %and3A_884 = vector.broadcast %and3A_883 : i32 to vector<64x256xi32>
    %and3A_885 = arith.andi %iota3A, %and3A_884 : vector<64x256xi32>
    %ne3A_886 = arith.constant 0 : i32
    %ne3A_887 = vector.broadcast %ne3A_886 : i32 to vector<64x256xi32>
    %ne3A_888 = arith.cmpi ne, %and3A_885, %ne3A_887 : vector<64x256xi32>
    %slice3A_889 = vector.extract_strided_slice %select_n3A_881 {offsets = [0, 248], sizes = [64, 8], strides = [1, 1]} : vector<64x256xi32> to vector<64x8xi32>
    %slice3A_890 = vector.extract_strided_slice %select_n3A_881 {offsets = [0, 0], sizes = [64, 248], strides = [1, 1]} : vector<64x256xi32> to vector<64x248xi32>
    %concatenate3A_891 = tpu.concatenate %slice3A_889, %slice3A_890 in 1 : vector<64x8xi32>, vector<64x248xi32> -> vector<64x256xi32>
    %slice3A_892 = vector.extract_strided_slice %select_n3A_881 {offsets = [0, 8], sizes = [64, 248], strides = [1, 1]} : vector<64x256xi32> to vector<64x248xi32>
    %slice3A_893 = vector.extract_strided_slice %select_n3A_881 {offsets = [0, 0], sizes = [64, 8], strides = [1, 1]} : vector<64x256xi32> to vector<64x8xi32>
    %concatenate3A_894 = tpu.concatenate %slice3A_892, %slice3A_893 in 1 : vector<64x248xi32>, vector<64x8xi32> -> vector<64x256xi32>
    %select_n3A_895 = arith.select %ne3A_888, %concatenate3A_891, %concatenate3A_894 : vector<64x256xi1>, vector<64x256xi32>
    %slice3A_896 = vector.extract_strided_slice %select_n3A_882 {offsets = [0, 248], sizes = [64, 8], strides = [1, 1]} : vector<64x256xi32> to vector<64x8xi32>
    %slice3A_897 = vector.extract_strided_slice %select_n3A_882 {offsets = [0, 0], sizes = [64, 248], strides = [1, 1]} : vector<64x256xi32> to vector<64x248xi32>
    %concatenate3A_898 = tpu.concatenate %slice3A_896, %slice3A_897 in 1 : vector<64x8xi32>, vector<64x248xi32> -> vector<64x256xi32>
    %slice3A_899 = vector.extract_strided_slice %select_n3A_882 {offsets = [0, 8], sizes = [64, 248], strides = [1, 1]} : vector<64x256xi32> to vector<64x248xi32>
    %slice3A_900 = vector.extract_strided_slice %select_n3A_882 {offsets = [0, 0], sizes = [64, 8], strides = [1, 1]} : vector<64x256xi32> to vector<64x8xi32>
    %concatenate3A_901 = tpu.concatenate %slice3A_899, %slice3A_900 in 1 : vector<64x248xi32>, vector<64x8xi32> -> vector<64x256xi32>
    %select_n3A_902 = arith.select %ne3A_888, %concatenate3A_898, %concatenate3A_901 : vector<64x256xi1>, vector<64x256xi32>
    %and3A_903 = arith.constant 128 : i32
    %and3A_904 = vector.broadcast %and3A_903 : i32 to vector<64x256xi32>
    %and3A_905 = arith.andi %iota3A, %and3A_904 : vector<64x256xi32>
    %eq3A_906 = arith.constant 0 : i32
    %eq3A_907 = vector.broadcast %eq3A_906 : i32 to vector<64x256xi32>
    %eq3A_908 = arith.cmpi eq, %and3A_905, %eq3A_907 : vector<64x256xi32>
    %xor3A_909 = arith.xori %eq3A_908, %ne3A_888 : vector<64x256xi1>
    %gt3A_910 = arith.cmpi sgt, %select_n3A_881, %select_n3A_895 : vector<64x256xi32>
    %eq3A_911 = arith.cmpi eq, %select_n3A_881, %select_n3A_895 : vector<64x256xi32>
    %lt3A_912 = arith.cmpi slt, %select_n3A_882, %select_n3A_902 : vector<64x256xi32>
    %and3A_913 = arith.andi %eq3A_911, %lt3A_912 : vector<64x256xi1>
    %or3A_914 = arith.ori %gt3A_910, %and3A_913 : vector<64x256xi1>
    %eq3A_915 = arith.xori %xor3A_909, %or3A_914 : vector<64x256xi1>
    %eq3A_916 = arith.constant dense<true> : vector<64x256xi1>
    %eq3A_917 = arith.xori %eq3A_915, %eq3A_916 : vector<64x256xi1>
    %select_n3A_918 = arith.select %eq3A_917, %select_n3A_881, %select_n3A_895 : vector<64x256xi1>, vector<64x256xi32>
    %select_n3A_919 = arith.select %eq3A_917, %select_n3A_882, %select_n3A_902 : vector<64x256xi1>, vector<64x256xi32>
    %and3A_920 = arith.constant 4 : i32
    %and3A_921 = vector.broadcast %and3A_920 : i32 to vector<64x256xi32>
    %and3A_922 = arith.andi %iota3A, %and3A_921 : vector<64x256xi32>
    %ne3A_923 = arith.constant 0 : i32
    %ne3A_924 = vector.broadcast %ne3A_923 : i32 to vector<64x256xi32>
    %ne3A_925 = arith.cmpi ne, %and3A_922, %ne3A_924 : vector<64x256xi32>
    %slice3A_926 = vector.extract_strided_slice %select_n3A_918 {offsets = [0, 252], sizes = [64, 4], strides = [1, 1]} : vector<64x256xi32> to vector<64x4xi32>
    %slice3A_927 = vector.extract_strided_slice %select_n3A_918 {offsets = [0, 0], sizes = [64, 252], strides = [1, 1]} : vector<64x256xi32> to vector<64x252xi32>
    %concatenate3A_928 = tpu.concatenate %slice3A_926, %slice3A_927 in 1 : vector<64x4xi32>, vector<64x252xi32> -> vector<64x256xi32>
    %slice3A_929 = vector.extract_strided_slice %select_n3A_918 {offsets = [0, 4], sizes = [64, 252], strides = [1, 1]} : vector<64x256xi32> to vector<64x252xi32>
    %slice3A_930 = vector.extract_strided_slice %select_n3A_918 {offsets = [0, 0], sizes = [64, 4], strides = [1, 1]} : vector<64x256xi32> to vector<64x4xi32>
    %concatenate3A_931 = tpu.concatenate %slice3A_929, %slice3A_930 in 1 : vector<64x252xi32>, vector<64x4xi32> -> vector<64x256xi32>
    %select_n3A_932 = arith.select %ne3A_925, %concatenate3A_928, %concatenate3A_931 : vector<64x256xi1>, vector<64x256xi32>
    %slice3A_933 = vector.extract_strided_slice %select_n3A_919 {offsets = [0, 252], sizes = [64, 4], strides = [1, 1]} : vector<64x256xi32> to vector<64x4xi32>
    %slice3A_934 = vector.extract_strided_slice %select_n3A_919 {offsets = [0, 0], sizes = [64, 252], strides = [1, 1]} : vector<64x256xi32> to vector<64x252xi32>
    %concatenate3A_935 = tpu.concatenate %slice3A_933, %slice3A_934 in 1 : vector<64x4xi32>, vector<64x252xi32> -> vector<64x256xi32>
    %slice3A_936 = vector.extract_strided_slice %select_n3A_919 {offsets = [0, 4], sizes = [64, 252], strides = [1, 1]} : vector<64x256xi32> to vector<64x252xi32>
    %slice3A_937 = vector.extract_strided_slice %select_n3A_919 {offsets = [0, 0], sizes = [64, 4], strides = [1, 1]} : vector<64x256xi32> to vector<64x4xi32>
    %concatenate3A_938 = tpu.concatenate %slice3A_936, %slice3A_937 in 1 : vector<64x252xi32>, vector<64x4xi32> -> vector<64x256xi32>
    %select_n3A_939 = arith.select %ne3A_925, %concatenate3A_935, %concatenate3A_938 : vector<64x256xi1>, vector<64x256xi32>
    %and3A_940 = arith.constant 128 : i32
    %and3A_941 = vector.broadcast %and3A_940 : i32 to vector<64x256xi32>
    %and3A_942 = arith.andi %iota3A, %and3A_941 : vector<64x256xi32>
    %eq3A_943 = arith.constant 0 : i32
    %eq3A_944 = vector.broadcast %eq3A_943 : i32 to vector<64x256xi32>
    %eq3A_945 = arith.cmpi eq, %and3A_942, %eq3A_944 : vector<64x256xi32>
    %xor3A_946 = arith.xori %eq3A_945, %ne3A_925 : vector<64x256xi1>
    %gt3A_947 = arith.cmpi sgt, %select_n3A_918, %select_n3A_932 : vector<64x256xi32>
    %eq3A_948 = arith.cmpi eq, %select_n3A_918, %select_n3A_932 : vector<64x256xi32>
    %lt3A_949 = arith.cmpi slt, %select_n3A_919, %select_n3A_939 : vector<64x256xi32>
    %and3A_950 = arith.andi %eq3A_948, %lt3A_949 : vector<64x256xi1>
    %or3A_951 = arith.ori %gt3A_947, %and3A_950 : vector<64x256xi1>
    %eq3A_952 = arith.xori %xor3A_946, %or3A_951 : vector<64x256xi1>
    %eq3A_953 = arith.constant dense<true> : vector<64x256xi1>
    %eq3A_954 = arith.xori %eq3A_952, %eq3A_953 : vector<64x256xi1>
    %select_n3A_955 = arith.select %eq3A_954, %select_n3A_918, %select_n3A_932 : vector<64x256xi1>, vector<64x256xi32>
    %select_n3A_956 = arith.select %eq3A_954, %select_n3A_919, %select_n3A_939 : vector<64x256xi1>, vector<64x256xi32>
    %and3A_957 = arith.constant 2 : i32
    %and3A_958 = vector.broadcast %and3A_957 : i32 to vector<64x256xi32>
    %and3A_959 = arith.andi %iota3A, %and3A_958 : vector<64x256xi32>
    %ne3A_960 = arith.constant 0 : i32
    %ne3A_961 = vector.broadcast %ne3A_960 : i32 to vector<64x256xi32>
    %ne3A_962 = arith.cmpi ne, %and3A_959, %ne3A_961 : vector<64x256xi32>
    %slice3A_963 = vector.extract_strided_slice %select_n3A_955 {offsets = [0, 254], sizes = [64, 2], strides = [1, 1]} : vector<64x256xi32> to vector<64x2xi32>
    %slice3A_964 = vector.extract_strided_slice %select_n3A_955 {offsets = [0, 0], sizes = [64, 254], strides = [1, 1]} : vector<64x256xi32> to vector<64x254xi32>
    %concatenate3A_965 = tpu.concatenate %slice3A_963, %slice3A_964 in 1 : vector<64x2xi32>, vector<64x254xi32> -> vector<64x256xi32>
    %slice3A_966 = vector.extract_strided_slice %select_n3A_955 {offsets = [0, 2], sizes = [64, 254], strides = [1, 1]} : vector<64x256xi32> to vector<64x254xi32>
    %slice3A_967 = vector.extract_strided_slice %select_n3A_955 {offsets = [0, 0], sizes = [64, 2], strides = [1, 1]} : vector<64x256xi32> to vector<64x2xi32>
    %concatenate3A_968 = tpu.concatenate %slice3A_966, %slice3A_967 in 1 : vector<64x254xi32>, vector<64x2xi32> -> vector<64x256xi32>
    %select_n3A_969 = arith.select %ne3A_962, %concatenate3A_965, %concatenate3A_968 : vector<64x256xi1>, vector<64x256xi32>
    %slice3A_970 = vector.extract_strided_slice %select_n3A_956 {offsets = [0, 254], sizes = [64, 2], strides = [1, 1]} : vector<64x256xi32> to vector<64x2xi32>
    %slice3A_971 = vector.extract_strided_slice %select_n3A_956 {offsets = [0, 0], sizes = [64, 254], strides = [1, 1]} : vector<64x256xi32> to vector<64x254xi32>
    %concatenate3A_972 = tpu.concatenate %slice3A_970, %slice3A_971 in 1 : vector<64x2xi32>, vector<64x254xi32> -> vector<64x256xi32>
    %slice3A_973 = vector.extract_strided_slice %select_n3A_956 {offsets = [0, 2], sizes = [64, 254], strides = [1, 1]} : vector<64x256xi32> to vector<64x254xi32>
    %slice3A_974 = vector.extract_strided_slice %select_n3A_956 {offsets = [0, 0], sizes = [64, 2], strides = [1, 1]} : vector<64x256xi32> to vector<64x2xi32>
    %concatenate3A_975 = tpu.concatenate %slice3A_973, %slice3A_974 in 1 : vector<64x254xi32>, vector<64x2xi32> -> vector<64x256xi32>
    %select_n3A_976 = arith.select %ne3A_962, %concatenate3A_972, %concatenate3A_975 : vector<64x256xi1>, vector<64x256xi32>
    %and3A_977 = arith.constant 128 : i32
    %and3A_978 = vector.broadcast %and3A_977 : i32 to vector<64x256xi32>
    %and3A_979 = arith.andi %iota3A, %and3A_978 : vector<64x256xi32>
    %eq3A_980 = arith.constant 0 : i32
    %eq3A_981 = vector.broadcast %eq3A_980 : i32 to vector<64x256xi32>
    %eq3A_982 = arith.cmpi eq, %and3A_979, %eq3A_981 : vector<64x256xi32>
    %xor3A_983 = arith.xori %eq3A_982, %ne3A_962 : vector<64x256xi1>
    %gt3A_984 = arith.cmpi sgt, %select_n3A_955, %select_n3A_969 : vector<64x256xi32>
    %eq3A_985 = arith.cmpi eq, %select_n3A_955, %select_n3A_969 : vector<64x256xi32>
    %lt3A_986 = arith.cmpi slt, %select_n3A_956, %select_n3A_976 : vector<64x256xi32>
    %and3A_987 = arith.andi %eq3A_985, %lt3A_986 : vector<64x256xi1>
    %or3A_988 = arith.ori %gt3A_984, %and3A_987 : vector<64x256xi1>
    %eq3A_989 = arith.xori %xor3A_983, %or3A_988 : vector<64x256xi1>
    %eq3A_990 = arith.constant dense<true> : vector<64x256xi1>
    %eq3A_991 = arith.xori %eq3A_989, %eq3A_990 : vector<64x256xi1>
    %select_n3A_992 = arith.select %eq3A_991, %select_n3A_955, %select_n3A_969 : vector<64x256xi1>, vector<64x256xi32>
    %select_n3A_993 = arith.select %eq3A_991, %select_n3A_956, %select_n3A_976 : vector<64x256xi1>, vector<64x256xi32>
    %and3A_994 = arith.constant 1 : i32
    %and3A_995 = vector.broadcast %and3A_994 : i32 to vector<64x256xi32>
    %and3A_996 = arith.andi %iota3A, %and3A_995 : vector<64x256xi32>
    %ne3A_997 = arith.constant 0 : i32
    %ne3A_998 = vector.broadcast %ne3A_997 : i32 to vector<64x256xi32>
    %ne3A_999 = arith.cmpi ne, %and3A_996, %ne3A_998 : vector<64x256xi32>
    %slice3A_1000 = vector.extract_strided_slice %select_n3A_992 {offsets = [0, 255], sizes = [64, 1], strides = [1, 1]} : vector<64x256xi32> to vector<64x1xi32>
    %slice3A_1001 = vector.extract_strided_slice %select_n3A_992 {offsets = [0, 0], sizes = [64, 255], strides = [1, 1]} : vector<64x256xi32> to vector<64x255xi32>
    %concatenate3A_1002 = tpu.concatenate %slice3A_1000, %slice3A_1001 in 1 : vector<64x1xi32>, vector<64x255xi32> -> vector<64x256xi32>
    %slice3A_1003 = vector.extract_strided_slice %select_n3A_992 {offsets = [0, 1], sizes = [64, 255], strides = [1, 1]} : vector<64x256xi32> to vector<64x255xi32>
    %slice3A_1004 = vector.extract_strided_slice %select_n3A_992 {offsets = [0, 0], sizes = [64, 1], strides = [1, 1]} : vector<64x256xi32> to vector<64x1xi32>
    %concatenate3A_1005 = tpu.concatenate %slice3A_1003, %slice3A_1004 in 1 : vector<64x255xi32>, vector<64x1xi32> -> vector<64x256xi32>
    %select_n3A_1006 = arith.select %ne3A_999, %concatenate3A_1002, %concatenate3A_1005 : vector<64x256xi1>, vector<64x256xi32>
    %slice3A_1007 = vector.extract_strided_slice %select_n3A_993 {offsets = [0, 255], sizes = [64, 1], strides = [1, 1]} : vector<64x256xi32> to vector<64x1xi32>
    %slice3A_1008 = vector.extract_strided_slice %select_n3A_993 {offsets = [0, 0], sizes = [64, 255], strides = [1, 1]} : vector<64x256xi32> to vector<64x255xi32>
    %concatenate3A_1009 = tpu.concatenate %slice3A_1007, %slice3A_1008 in 1 : vector<64x1xi32>, vector<64x255xi32> -> vector<64x256xi32>
    %slice3A_1010 = vector.extract_strided_slice %select_n3A_993 {offsets = [0, 1], sizes = [64, 255], strides = [1, 1]} : vector<64x256xi32> to vector<64x255xi32>
    %slice3A_1011 = vector.extract_strided_slice %select_n3A_993 {offsets = [0, 0], sizes = [64, 1], strides = [1, 1]} : vector<64x256xi32> to vector<64x1xi32>
    %concatenate3A_1012 = tpu.concatenate %slice3A_1010, %slice3A_1011 in 1 : vector<64x255xi32>, vector<64x1xi32> -> vector<64x256xi32>
    %select_n3A_1013 = arith.select %ne3A_999, %concatenate3A_1009, %concatenate3A_1012 : vector<64x256xi1>, vector<64x256xi32>
    %and3A_1014 = arith.constant 128 : i32
    %and3A_1015 = vector.broadcast %and3A_1014 : i32 to vector<64x256xi32>
    %and3A_1016 = arith.andi %iota3A, %and3A_1015 : vector<64x256xi32>
    %eq3A_1017 = arith.constant 0 : i32
    %eq3A_1018 = vector.broadcast %eq3A_1017 : i32 to vector<64x256xi32>
    %eq3A_1019 = arith.cmpi eq, %and3A_1016, %eq3A_1018 : vector<64x256xi32>
    %xor3A_1020 = arith.xori %eq3A_1019, %ne3A_999 : vector<64x256xi1>
    %gt3A_1021 = arith.cmpi sgt, %select_n3A_992, %select_n3A_1006 : vector<64x256xi32>
    %eq3A_1022 = arith.cmpi eq, %select_n3A_992, %select_n3A_1006 : vector<64x256xi32>
    %lt3A_1023 = arith.cmpi slt, %select_n3A_993, %select_n3A_1013 : vector<64x256xi32>
    %and3A_1024 = arith.andi %eq3A_1022, %lt3A_1023 : vector<64x256xi1>
    %or3A_1025 = arith.ori %gt3A_1021, %and3A_1024 : vector<64x256xi1>
    %eq3A_1026 = arith.xori %xor3A_1020, %or3A_1025 : vector<64x256xi1>
    %eq3A_1027 = arith.constant dense<true> : vector<64x256xi1>
    %eq3A_1028 = arith.xori %eq3A_1026, %eq3A_1027 : vector<64x256xi1>
    %select_n3A_1029 = arith.select %eq3A_1028, %select_n3A_992, %select_n3A_1006 : vector<64x256xi1>, vector<64x256xi32>
    %select_n3A_1030 = arith.select %eq3A_1028, %select_n3A_993, %select_n3A_1013 : vector<64x256xi1>, vector<64x256xi32>
    %and3A_1031 = arith.constant 128 : i32
    %and3A_1032 = vector.broadcast %and3A_1031 : i32 to vector<64x256xi32>
    %and3A_1033 = arith.andi %iota3A, %and3A_1032 : vector<64x256xi32>
    %ne3A_1034 = arith.constant 0 : i32
    %ne3A_1035 = vector.broadcast %ne3A_1034 : i32 to vector<64x256xi32>
    %ne3A_1036 = arith.cmpi ne, %and3A_1033, %ne3A_1035 : vector<64x256xi32>
    %slice3A_1037 = vector.extract_strided_slice %select_n3A_1029 {offsets = [0, 128], sizes = [64, 128], strides = [1, 1]} : vector<64x256xi32> to vector<64x128xi32>
    %slice3A_1038 = vector.extract_strided_slice %select_n3A_1029 {offsets = [0, 0], sizes = [64, 128], strides = [1, 1]} : vector<64x256xi32> to vector<64x128xi32>
    %concatenate3A_1039 = tpu.concatenate %slice3A_1037, %slice3A_1038 in 1 : vector<64x128xi32>, vector<64x128xi32> -> vector<64x256xi32>
    %slice3A_1040 = vector.extract_strided_slice %select_n3A_1029 {offsets = [0, 128], sizes = [64, 128], strides = [1, 1]} : vector<64x256xi32> to vector<64x128xi32>
    %slice3A_1041 = vector.extract_strided_slice %select_n3A_1029 {offsets = [0, 0], sizes = [64, 128], strides = [1, 1]} : vector<64x256xi32> to vector<64x128xi32>
    %concatenate3A_1042 = tpu.concatenate %slice3A_1040, %slice3A_1041 in 1 : vector<64x128xi32>, vector<64x128xi32> -> vector<64x256xi32>
    %select_n3A_1043 = arith.select %ne3A_1036, %concatenate3A_1039, %concatenate3A_1042 : vector<64x256xi1>, vector<64x256xi32>
    %slice3A_1044 = vector.extract_strided_slice %select_n3A_1030 {offsets = [0, 128], sizes = [64, 128], strides = [1, 1]} : vector<64x256xi32> to vector<64x128xi32>
    %slice3A_1045 = vector.extract_strided_slice %select_n3A_1030 {offsets = [0, 0], sizes = [64, 128], strides = [1, 1]} : vector<64x256xi32> to vector<64x128xi32>
    %concatenate3A_1046 = tpu.concatenate %slice3A_1044, %slice3A_1045 in 1 : vector<64x128xi32>, vector<64x128xi32> -> vector<64x256xi32>
    %slice3A_1047 = vector.extract_strided_slice %select_n3A_1030 {offsets = [0, 128], sizes = [64, 128], strides = [1, 1]} : vector<64x256xi32> to vector<64x128xi32>
    %slice3A_1048 = vector.extract_strided_slice %select_n3A_1030 {offsets = [0, 0], sizes = [64, 128], strides = [1, 1]} : vector<64x256xi32> to vector<64x128xi32>
    %concatenate3A_1049 = tpu.concatenate %slice3A_1047, %slice3A_1048 in 1 : vector<64x128xi32>, vector<64x128xi32> -> vector<64x256xi32>
    %select_n3A_1050 = arith.select %ne3A_1036, %concatenate3A_1046, %concatenate3A_1049 : vector<64x256xi1>, vector<64x256xi32>
    %and3A_1051 = arith.constant 256 : i32
    %and3A_1052 = vector.broadcast %and3A_1051 : i32 to vector<64x256xi32>
    %and3A_1053 = arith.andi %iota3A, %and3A_1052 : vector<64x256xi32>
    %eq3A_1054 = arith.constant 0 : i32
    %eq3A_1055 = vector.broadcast %eq3A_1054 : i32 to vector<64x256xi32>
    %eq3A_1056 = arith.cmpi eq, %and3A_1053, %eq3A_1055 : vector<64x256xi32>
    %xor3A_1057 = arith.xori %eq3A_1056, %ne3A_1036 : vector<64x256xi1>
    %gt3A_1058 = arith.cmpi sgt, %select_n3A_1029, %select_n3A_1043 : vector<64x256xi32>
    %eq3A_1059 = arith.cmpi eq, %select_n3A_1029, %select_n3A_1043 : vector<64x256xi32>
    %lt3A_1060 = arith.cmpi slt, %select_n3A_1030, %select_n3A_1050 : vector<64x256xi32>
    %and3A_1061 = arith.andi %eq3A_1059, %lt3A_1060 : vector<64x256xi1>
    %or3A_1062 = arith.ori %gt3A_1058, %and3A_1061 : vector<64x256xi1>
    %eq3A_1063 = arith.xori %xor3A_1057, %or3A_1062 : vector<64x256xi1>
    %eq3A_1064 = arith.constant dense<true> : vector<64x256xi1>
    %eq3A_1065 = arith.xori %eq3A_1063, %eq3A_1064 : vector<64x256xi1>
    %select_n3A_1066 = arith.select %eq3A_1065, %select_n3A_1029, %select_n3A_1043 : vector<64x256xi1>, vector<64x256xi32>
    %select_n3A_1067 = arith.select %eq3A_1065, %select_n3A_1030, %select_n3A_1050 : vector<64x256xi1>, vector<64x256xi32>
    %and3A_1068 = arith.constant 64 : i32
    %and3A_1069 = vector.broadcast %and3A_1068 : i32 to vector<64x256xi32>
    %and3A_1070 = arith.andi %iota3A, %and3A_1069 : vector<64x256xi32>
    %ne3A_1071 = arith.constant 0 : i32
    %ne3A_1072 = vector.broadcast %ne3A_1071 : i32 to vector<64x256xi32>
    %ne3A_1073 = arith.cmpi ne, %and3A_1070, %ne3A_1072 : vector<64x256xi32>
    %slice3A_1074 = vector.extract_strided_slice %select_n3A_1066 {offsets = [0, 192], sizes = [64, 64], strides = [1, 1]} : vector<64x256xi32> to vector<64x64xi32>
    %slice3A_1075 = vector.extract_strided_slice %select_n3A_1066 {offsets = [0, 0], sizes = [64, 192], strides = [1, 1]} : vector<64x256xi32> to vector<64x192xi32>
    %concatenate3A_1076 = tpu.concatenate %slice3A_1074, %slice3A_1075 in 1 : vector<64x64xi32>, vector<64x192xi32> -> vector<64x256xi32>
    %slice3A_1077 = vector.extract_strided_slice %select_n3A_1066 {offsets = [0, 64], sizes = [64, 192], strides = [1, 1]} : vector<64x256xi32> to vector<64x192xi32>
    %slice3A_1078 = vector.extract_strided_slice %select_n3A_1066 {offsets = [0, 0], sizes = [64, 64], strides = [1, 1]} : vector<64x256xi32> to vector<64x64xi32>
    %concatenate3A_1079 = tpu.concatenate %slice3A_1077, %slice3A_1078 in 1 : vector<64x192xi32>, vector<64x64xi32> -> vector<64x256xi32>
    %select_n3A_1080 = arith.select %ne3A_1073, %concatenate3A_1076, %concatenate3A_1079 : vector<64x256xi1>, vector<64x256xi32>
    %slice3A_1081 = vector.extract_strided_slice %select_n3A_1067 {offsets = [0, 192], sizes = [64, 64], strides = [1, 1]} : vector<64x256xi32> to vector<64x64xi32>
    %slice3A_1082 = vector.extract_strided_slice %select_n3A_1067 {offsets = [0, 0], sizes = [64, 192], strides = [1, 1]} : vector<64x256xi32> to vector<64x192xi32>
    %concatenate3A_1083 = tpu.concatenate %slice3A_1081, %slice3A_1082 in 1 : vector<64x64xi32>, vector<64x192xi32> -> vector<64x256xi32>
    %slice3A_1084 = vector.extract_strided_slice %select_n3A_1067 {offsets = [0, 64], sizes = [64, 192], strides = [1, 1]} : vector<64x256xi32> to vector<64x192xi32>
    %slice3A_1085 = vector.extract_strided_slice %select_n3A_1067 {offsets = [0, 0], sizes = [64, 64], strides = [1, 1]} : vector<64x256xi32> to vector<64x64xi32>
    %concatenate3A_1086 = tpu.concatenate %slice3A_1084, %slice3A_1085 in 1 : vector<64x192xi32>, vector<64x64xi32> -> vector<64x256xi32>
    %select_n3A_1087 = arith.select %ne3A_1073, %concatenate3A_1083, %concatenate3A_1086 : vector<64x256xi1>, vector<64x256xi32>
    %and3A_1088 = arith.constant 256 : i32
    %and3A_1089 = vector.broadcast %and3A_1088 : i32 to vector<64x256xi32>
    %and3A_1090 = arith.andi %iota3A, %and3A_1089 : vector<64x256xi32>
    %eq3A_1091 = arith.constant 0 : i32
    %eq3A_1092 = vector.broadcast %eq3A_1091 : i32 to vector<64x256xi32>
    %eq3A_1093 = arith.cmpi eq, %and3A_1090, %eq3A_1092 : vector<64x256xi32>
    %xor3A_1094 = arith.xori %eq3A_1093, %ne3A_1073 : vector<64x256xi1>
    %gt3A_1095 = arith.cmpi sgt, %select_n3A_1066, %select_n3A_1080 : vector<64x256xi32>
    %eq3A_1096 = arith.cmpi eq, %select_n3A_1066, %select_n3A_1080 : vector<64x256xi32>
    %lt3A_1097 = arith.cmpi slt, %select_n3A_1067, %select_n3A_1087 : vector<64x256xi32>
    %and3A_1098 = arith.andi %eq3A_1096, %lt3A_1097 : vector<64x256xi1>
    %or3A_1099 = arith.ori %gt3A_1095, %and3A_1098 : vector<64x256xi1>
    %eq3A_1100 = arith.xori %xor3A_1094, %or3A_1099 : vector<64x256xi1>
    %eq3A_1101 = arith.constant dense<true> : vector<64x256xi1>
    %eq3A_1102 = arith.xori %eq3A_1100, %eq3A_1101 : vector<64x256xi1>
    %select_n3A_1103 = arith.select %eq3A_1102, %select_n3A_1066, %select_n3A_1080 : vector<64x256xi1>, vector<64x256xi32>
    %select_n3A_1104 = arith.select %eq3A_1102, %select_n3A_1067, %select_n3A_1087 : vector<64x256xi1>, vector<64x256xi32>
    %and3A_1105 = arith.constant 32 : i32
    %and3A_1106 = vector.broadcast %and3A_1105 : i32 to vector<64x256xi32>
    %and3A_1107 = arith.andi %iota3A, %and3A_1106 : vector<64x256xi32>
    %ne3A_1108 = arith.constant 0 : i32
    %ne3A_1109 = vector.broadcast %ne3A_1108 : i32 to vector<64x256xi32>
    %ne3A_1110 = arith.cmpi ne, %and3A_1107, %ne3A_1109 : vector<64x256xi32>
    %slice3A_1111 = vector.extract_strided_slice %select_n3A_1103 {offsets = [0, 224], sizes = [64, 32], strides = [1, 1]} : vector<64x256xi32> to vector<64x32xi32>
    %slice3A_1112 = vector.extract_strided_slice %select_n3A_1103 {offsets = [0, 0], sizes = [64, 224], strides = [1, 1]} : vector<64x256xi32> to vector<64x224xi32>
    %concatenate3A_1113 = tpu.concatenate %slice3A_1111, %slice3A_1112 in 1 : vector<64x32xi32>, vector<64x224xi32> -> vector<64x256xi32>
    %slice3A_1114 = vector.extract_strided_slice %select_n3A_1103 {offsets = [0, 32], sizes = [64, 224], strides = [1, 1]} : vector<64x256xi32> to vector<64x224xi32>
    %slice3A_1115 = vector.extract_strided_slice %select_n3A_1103 {offsets = [0, 0], sizes = [64, 32], strides = [1, 1]} : vector<64x256xi32> to vector<64x32xi32>
    %concatenate3A_1116 = tpu.concatenate %slice3A_1114, %slice3A_1115 in 1 : vector<64x224xi32>, vector<64x32xi32> -> vector<64x256xi32>
    %select_n3A_1117 = arith.select %ne3A_1110, %concatenate3A_1113, %concatenate3A_1116 : vector<64x256xi1>, vector<64x256xi32>
    %slice3A_1118 = vector.extract_strided_slice %select_n3A_1104 {offsets = [0, 224], sizes = [64, 32], strides = [1, 1]} : vector<64x256xi32> to vector<64x32xi32>
    %slice3A_1119 = vector.extract_strided_slice %select_n3A_1104 {offsets = [0, 0], sizes = [64, 224], strides = [1, 1]} : vector<64x256xi32> to vector<64x224xi32>
    %concatenate3A_1120 = tpu.concatenate %slice3A_1118, %slice3A_1119 in 1 : vector<64x32xi32>, vector<64x224xi32> -> vector<64x256xi32>
    %slice3A_1121 = vector.extract_strided_slice %select_n3A_1104 {offsets = [0, 32], sizes = [64, 224], strides = [1, 1]} : vector<64x256xi32> to vector<64x224xi32>
    %slice3A_1122 = vector.extract_strided_slice %select_n3A_1104 {offsets = [0, 0], sizes = [64, 32], strides = [1, 1]} : vector<64x256xi32> to vector<64x32xi32>
    %concatenate3A_1123 = tpu.concatenate %slice3A_1121, %slice3A_1122 in 1 : vector<64x224xi32>, vector<64x32xi32> -> vector<64x256xi32>
    %select_n3A_1124 = arith.select %ne3A_1110, %concatenate3A_1120, %concatenate3A_1123 : vector<64x256xi1>, vector<64x256xi32>
    %and3A_1125 = arith.constant 256 : i32
    %and3A_1126 = vector.broadcast %and3A_1125 : i32 to vector<64x256xi32>
    %and3A_1127 = arith.andi %iota3A, %and3A_1126 : vector<64x256xi32>
    %eq3A_1128 = arith.constant 0 : i32
    %eq3A_1129 = vector.broadcast %eq3A_1128 : i32 to vector<64x256xi32>
    %eq3A_1130 = arith.cmpi eq, %and3A_1127, %eq3A_1129 : vector<64x256xi32>
    %xor3A_1131 = arith.xori %eq3A_1130, %ne3A_1110 : vector<64x256xi1>
    %gt3A_1132 = arith.cmpi sgt, %select_n3A_1103, %select_n3A_1117 : vector<64x256xi32>
    %eq3A_1133 = arith.cmpi eq, %select_n3A_1103, %select_n3A_1117 : vector<64x256xi32>
    %lt3A_1134 = arith.cmpi slt, %select_n3A_1104, %select_n3A_1124 : vector<64x256xi32>
    %and3A_1135 = arith.andi %eq3A_1133, %lt3A_1134 : vector<64x256xi1>
    %or3A_1136 = arith.ori %gt3A_1132, %and3A_1135 : vector<64x256xi1>
    %eq3A_1137 = arith.xori %xor3A_1131, %or3A_1136 : vector<64x256xi1>
    %eq3A_1138 = arith.constant dense<true> : vector<64x256xi1>
    %eq3A_1139 = arith.xori %eq3A_1137, %eq3A_1138 : vector<64x256xi1>
    %select_n3A_1140 = arith.select %eq3A_1139, %select_n3A_1103, %select_n3A_1117 : vector<64x256xi1>, vector<64x256xi32>
    %select_n3A_1141 = arith.select %eq3A_1139, %select_n3A_1104, %select_n3A_1124 : vector<64x256xi1>, vector<64x256xi32>
    %and3A_1142 = arith.constant 16 : i32
    %and3A_1143 = vector.broadcast %and3A_1142 : i32 to vector<64x256xi32>
    %and3A_1144 = arith.andi %iota3A, %and3A_1143 : vector<64x256xi32>
    %ne3A_1145 = arith.constant 0 : i32
    %ne3A_1146 = vector.broadcast %ne3A_1145 : i32 to vector<64x256xi32>
    %ne3A_1147 = arith.cmpi ne, %and3A_1144, %ne3A_1146 : vector<64x256xi32>
    %slice3A_1148 = vector.extract_strided_slice %select_n3A_1140 {offsets = [0, 240], sizes = [64, 16], strides = [1, 1]} : vector<64x256xi32> to vector<64x16xi32>
    %slice3A_1149 = vector.extract_strided_slice %select_n3A_1140 {offsets = [0, 0], sizes = [64, 240], strides = [1, 1]} : vector<64x256xi32> to vector<64x240xi32>
    %concatenate3A_1150 = tpu.concatenate %slice3A_1148, %slice3A_1149 in 1 : vector<64x16xi32>, vector<64x240xi32> -> vector<64x256xi32>
    %slice3A_1151 = vector.extract_strided_slice %select_n3A_1140 {offsets = [0, 16], sizes = [64, 240], strides = [1, 1]} : vector<64x256xi32> to vector<64x240xi32>
    %slice3A_1152 = vector.extract_strided_slice %select_n3A_1140 {offsets = [0, 0], sizes = [64, 16], strides = [1, 1]} : vector<64x256xi32> to vector<64x16xi32>
    %concatenate3A_1153 = tpu.concatenate %slice3A_1151, %slice3A_1152 in 1 : vector<64x240xi32>, vector<64x16xi32> -> vector<64x256xi32>
    %select_n3A_1154 = arith.select %ne3A_1147, %concatenate3A_1150, %concatenate3A_1153 : vector<64x256xi1>, vector<64x256xi32>
    %slice3A_1155 = vector.extract_strided_slice %select_n3A_1141 {offsets = [0, 240], sizes = [64, 16], strides = [1, 1]} : vector<64x256xi32> to vector<64x16xi32>
    %slice3A_1156 = vector.extract_strided_slice %select_n3A_1141 {offsets = [0, 0], sizes = [64, 240], strides = [1, 1]} : vector<64x256xi32> to vector<64x240xi32>
    %concatenate3A_1157 = tpu.concatenate %slice3A_1155, %slice3A_1156 in 1 : vector<64x16xi32>, vector<64x240xi32> -> vector<64x256xi32>
    %slice3A_1158 = vector.extract_strided_slice %select_n3A_1141 {offsets = [0, 16], sizes = [64, 240], strides = [1, 1]} : vector<64x256xi32> to vector<64x240xi32>
    %slice3A_1159 = vector.extract_strided_slice %select_n3A_1141 {offsets = [0, 0], sizes = [64, 16], strides = [1, 1]} : vector<64x256xi32> to vector<64x16xi32>
    %concatenate3A_1160 = tpu.concatenate %slice3A_1158, %slice3A_1159 in 1 : vector<64x240xi32>, vector<64x16xi32> -> vector<64x256xi32>
    %select_n3A_1161 = arith.select %ne3A_1147, %concatenate3A_1157, %concatenate3A_1160 : vector<64x256xi1>, vector<64x256xi32>
    %and3A_1162 = arith.constant 256 : i32
    %and3A_1163 = vector.broadcast %and3A_1162 : i32 to vector<64x256xi32>
    %and3A_1164 = arith.andi %iota3A, %and3A_1163 : vector<64x256xi32>
    %eq3A_1165 = arith.constant 0 : i32
    %eq3A_1166 = vector.broadcast %eq3A_1165 : i32 to vector<64x256xi32>
    %eq3A_1167 = arith.cmpi eq, %and3A_1164, %eq3A_1166 : vector<64x256xi32>
    %xor3A_1168 = arith.xori %eq3A_1167, %ne3A_1147 : vector<64x256xi1>
    %gt3A_1169 = arith.cmpi sgt, %select_n3A_1140, %select_n3A_1154 : vector<64x256xi32>
    %eq3A_1170 = arith.cmpi eq, %select_n3A_1140, %select_n3A_1154 : vector<64x256xi32>
    %lt3A_1171 = arith.cmpi slt, %select_n3A_1141, %select_n3A_1161 : vector<64x256xi32>
    %and3A_1172 = arith.andi %eq3A_1170, %lt3A_1171 : vector<64x256xi1>
    %or3A_1173 = arith.ori %gt3A_1169, %and3A_1172 : vector<64x256xi1>
    %eq3A_1174 = arith.xori %xor3A_1168, %or3A_1173 : vector<64x256xi1>
    %eq3A_1175 = arith.constant dense<true> : vector<64x256xi1>
    %eq3A_1176 = arith.xori %eq3A_1174, %eq3A_1175 : vector<64x256xi1>
    %select_n3A_1177 = arith.select %eq3A_1176, %select_n3A_1140, %select_n3A_1154 : vector<64x256xi1>, vector<64x256xi32>
    %select_n3A_1178 = arith.select %eq3A_1176, %select_n3A_1141, %select_n3A_1161 : vector<64x256xi1>, vector<64x256xi32>
    %and3A_1179 = arith.constant 8 : i32
    %and3A_1180 = vector.broadcast %and3A_1179 : i32 to vector<64x256xi32>
    %and3A_1181 = arith.andi %iota3A, %and3A_1180 : vector<64x256xi32>
    %ne3A_1182 = arith.constant 0 : i32
    %ne3A_1183 = vector.broadcast %ne3A_1182 : i32 to vector<64x256xi32>
    %ne3A_1184 = arith.cmpi ne, %and3A_1181, %ne3A_1183 : vector<64x256xi32>
    %slice3A_1185 = vector.extract_strided_slice %select_n3A_1177 {offsets = [0, 248], sizes = [64, 8], strides = [1, 1]} : vector<64x256xi32> to vector<64x8xi32>
    %slice3A_1186 = vector.extract_strided_slice %select_n3A_1177 {offsets = [0, 0], sizes = [64, 248], strides = [1, 1]} : vector<64x256xi32> to vector<64x248xi32>
    %concatenate3A_1187 = tpu.concatenate %slice3A_1185, %slice3A_1186 in 1 : vector<64x8xi32>, vector<64x248xi32> -> vector<64x256xi32>
    %slice3A_1188 = vector.extract_strided_slice %select_n3A_1177 {offsets = [0, 8], sizes = [64, 248], strides = [1, 1]} : vector<64x256xi32> to vector<64x248xi32>
    %slice3A_1189 = vector.extract_strided_slice %select_n3A_1177 {offsets = [0, 0], sizes = [64, 8], strides = [1, 1]} : vector<64x256xi32> to vector<64x8xi32>
    %concatenate3A_1190 = tpu.concatenate %slice3A_1188, %slice3A_1189 in 1 : vector<64x248xi32>, vector<64x8xi32> -> vector<64x256xi32>
    %select_n3A_1191 = arith.select %ne3A_1184, %concatenate3A_1187, %concatenate3A_1190 : vector<64x256xi1>, vector<64x256xi32>
    %slice3A_1192 = vector.extract_strided_slice %select_n3A_1178 {offsets = [0, 248], sizes = [64, 8], strides = [1, 1]} : vector<64x256xi32> to vector<64x8xi32>
    %slice3A_1193 = vector.extract_strided_slice %select_n3A_1178 {offsets = [0, 0], sizes = [64, 248], strides = [1, 1]} : vector<64x256xi32> to vector<64x248xi32>
    %concatenate3A_1194 = tpu.concatenate %slice3A_1192, %slice3A_1193 in 1 : vector<64x8xi32>, vector<64x248xi32> -> vector<64x256xi32>
    %slice3A_1195 = vector.extract_strided_slice %select_n3A_1178 {offsets = [0, 8], sizes = [64, 248], strides = [1, 1]} : vector<64x256xi32> to vector<64x248xi32>
    %slice3A_1196 = vector.extract_strided_slice %select_n3A_1178 {offsets = [0, 0], sizes = [64, 8], strides = [1, 1]} : vector<64x256xi32> to vector<64x8xi32>
    %concatenate3A_1197 = tpu.concatenate %slice3A_1195, %slice3A_1196 in 1 : vector<64x248xi32>, vector<64x8xi32> -> vector<64x256xi32>
    %select_n3A_1198 = arith.select %ne3A_1184, %concatenate3A_1194, %concatenate3A_1197 : vector<64x256xi1>, vector<64x256xi32>
    %and3A_1199 = arith.constant 256 : i32
    %and3A_1200 = vector.broadcast %and3A_1199 : i32 to vector<64x256xi32>
    %and3A_1201 = arith.andi %iota3A, %and3A_1200 : vector<64x256xi32>
    %eq3A_1202 = arith.constant 0 : i32
    %eq3A_1203 = vector.broadcast %eq3A_1202 : i32 to vector<64x256xi32>
    %eq3A_1204 = arith.cmpi eq, %and3A_1201, %eq3A_1203 : vector<64x256xi32>
    %xor3A_1205 = arith.xori %eq3A_1204, %ne3A_1184 : vector<64x256xi1>
    %gt3A_1206 = arith.cmpi sgt, %select_n3A_1177, %select_n3A_1191 : vector<64x256xi32>
    %eq3A_1207 = arith.cmpi eq, %select_n3A_1177, %select_n3A_1191 : vector<64x256xi32>
    %lt3A_1208 = arith.cmpi slt, %select_n3A_1178, %select_n3A_1198 : vector<64x256xi32>
    %and3A_1209 = arith.andi %eq3A_1207, %lt3A_1208 : vector<64x256xi1>
    %or3A_1210 = arith.ori %gt3A_1206, %and3A_1209 : vector<64x256xi1>
    %eq3A_1211 = arith.xori %xor3A_1205, %or3A_1210 : vector<64x256xi1>
    %eq3A_1212 = arith.constant dense<true> : vector<64x256xi1>
    %eq3A_1213 = arith.xori %eq3A_1211, %eq3A_1212 : vector<64x256xi1>
    %select_n3A_1214 = arith.select %eq3A_1213, %select_n3A_1177, %select_n3A_1191 : vector<64x256xi1>, vector<64x256xi32>
    %select_n3A_1215 = arith.select %eq3A_1213, %select_n3A_1178, %select_n3A_1198 : vector<64x256xi1>, vector<64x256xi32>
    %and3A_1216 = arith.constant 4 : i32
    %and3A_1217 = vector.broadcast %and3A_1216 : i32 to vector<64x256xi32>
    %and3A_1218 = arith.andi %iota3A, %and3A_1217 : vector<64x256xi32>
    %ne3A_1219 = arith.constant 0 : i32
    %ne3A_1220 = vector.broadcast %ne3A_1219 : i32 to vector<64x256xi32>
    %ne3A_1221 = arith.cmpi ne, %and3A_1218, %ne3A_1220 : vector<64x256xi32>
    %slice3A_1222 = vector.extract_strided_slice %select_n3A_1214 {offsets = [0, 252], sizes = [64, 4], strides = [1, 1]} : vector<64x256xi32> to vector<64x4xi32>
    %slice3A_1223 = vector.extract_strided_slice %select_n3A_1214 {offsets = [0, 0], sizes = [64, 252], strides = [1, 1]} : vector<64x256xi32> to vector<64x252xi32>
    %concatenate3A_1224 = tpu.concatenate %slice3A_1222, %slice3A_1223 in 1 : vector<64x4xi32>, vector<64x252xi32> -> vector<64x256xi32>
    %slice3A_1225 = vector.extract_strided_slice %select_n3A_1214 {offsets = [0, 4], sizes = [64, 252], strides = [1, 1]} : vector<64x256xi32> to vector<64x252xi32>
    %slice3A_1226 = vector.extract_strided_slice %select_n3A_1214 {offsets = [0, 0], sizes = [64, 4], strides = [1, 1]} : vector<64x256xi32> to vector<64x4xi32>
    %concatenate3A_1227 = tpu.concatenate %slice3A_1225, %slice3A_1226 in 1 : vector<64x252xi32>, vector<64x4xi32> -> vector<64x256xi32>
    %select_n3A_1228 = arith.select %ne3A_1221, %concatenate3A_1224, %concatenate3A_1227 : vector<64x256xi1>, vector<64x256xi32>
    %slice3A_1229 = vector.extract_strided_slice %select_n3A_1215 {offsets = [0, 252], sizes = [64, 4], strides = [1, 1]} : vector<64x256xi32> to vector<64x4xi32>
    %slice3A_1230 = vector.extract_strided_slice %select_n3A_1215 {offsets = [0, 0], sizes = [64, 252], strides = [1, 1]} : vector<64x256xi32> to vector<64x252xi32>
    %concatenate3A_1231 = tpu.concatenate %slice3A_1229, %slice3A_1230 in 1 : vector<64x4xi32>, vector<64x252xi32> -> vector<64x256xi32>
    %slice3A_1232 = vector.extract_strided_slice %select_n3A_1215 {offsets = [0, 4], sizes = [64, 252], strides = [1, 1]} : vector<64x256xi32> to vector<64x252xi32>
    %slice3A_1233 = vector.extract_strided_slice %select_n3A_1215 {offsets = [0, 0], sizes = [64, 4], strides = [1, 1]} : vector<64x256xi32> to vector<64x4xi32>
    %concatenate3A_1234 = tpu.concatenate %slice3A_1232, %slice3A_1233 in 1 : vector<64x252xi32>, vector<64x4xi32> -> vector<64x256xi32>
    %select_n3A_1235 = arith.select %ne3A_1221, %concatenate3A_1231, %concatenate3A_1234 : vector<64x256xi1>, vector<64x256xi32>
    %and3A_1236 = arith.constant 256 : i32
    %and3A_1237 = vector.broadcast %and3A_1236 : i32 to vector<64x256xi32>
    %and3A_1238 = arith.andi %iota3A, %and3A_1237 : vector<64x256xi32>
    %eq3A_1239 = arith.constant 0 : i32
    %eq3A_1240 = vector.broadcast %eq3A_1239 : i32 to vector<64x256xi32>
    %eq3A_1241 = arith.cmpi eq, %and3A_1238, %eq3A_1240 : vector<64x256xi32>
    %xor3A_1242 = arith.xori %eq3A_1241, %ne3A_1221 : vector<64x256xi1>
    %gt3A_1243 = arith.cmpi sgt, %select_n3A_1214, %select_n3A_1228 : vector<64x256xi32>
    %eq3A_1244 = arith.cmpi eq, %select_n3A_1214, %select_n3A_1228 : vector<64x256xi32>
    %lt3A_1245 = arith.cmpi slt, %select_n3A_1215, %select_n3A_1235 : vector<64x256xi32>
    %and3A_1246 = arith.andi %eq3A_1244, %lt3A_1245 : vector<64x256xi1>
    %or3A_1247 = arith.ori %gt3A_1243, %and3A_1246 : vector<64x256xi1>
    %eq3A_1248 = arith.xori %xor3A_1242, %or3A_1247 : vector<64x256xi1>
    %eq3A_1249 = arith.constant dense<true> : vector<64x256xi1>
    %eq3A_1250 = arith.xori %eq3A_1248, %eq3A_1249 : vector<64x256xi1>
    %select_n3A_1251 = arith.select %eq3A_1250, %select_n3A_1214, %select_n3A_1228 : vector<64x256xi1>, vector<64x256xi32>
    %select_n3A_1252 = arith.select %eq3A_1250, %select_n3A_1215, %select_n3A_1235 : vector<64x256xi1>, vector<64x256xi32>
    %and3A_1253 = arith.constant 2 : i32
    %and3A_1254 = vector.broadcast %and3A_1253 : i32 to vector<64x256xi32>
    %and3A_1255 = arith.andi %iota3A, %and3A_1254 : vector<64x256xi32>
    %ne3A_1256 = arith.constant 0 : i32
    %ne3A_1257 = vector.broadcast %ne3A_1256 : i32 to vector<64x256xi32>
    %ne3A_1258 = arith.cmpi ne, %and3A_1255, %ne3A_1257 : vector<64x256xi32>
    %slice3A_1259 = vector.extract_strided_slice %select_n3A_1251 {offsets = [0, 254], sizes = [64, 2], strides = [1, 1]} : vector<64x256xi32> to vector<64x2xi32>
    %slice3A_1260 = vector.extract_strided_slice %select_n3A_1251 {offsets = [0, 0], sizes = [64, 254], strides = [1, 1]} : vector<64x256xi32> to vector<64x254xi32>
    %concatenate3A_1261 = tpu.concatenate %slice3A_1259, %slice3A_1260 in 1 : vector<64x2xi32>, vector<64x254xi32> -> vector<64x256xi32>
    %slice3A_1262 = vector.extract_strided_slice %select_n3A_1251 {offsets = [0, 2], sizes = [64, 254], strides = [1, 1]} : vector<64x256xi32> to vector<64x254xi32>
    %slice3A_1263 = vector.extract_strided_slice %select_n3A_1251 {offsets = [0, 0], sizes = [64, 2], strides = [1, 1]} : vector<64x256xi32> to vector<64x2xi32>
    %concatenate3A_1264 = tpu.concatenate %slice3A_1262, %slice3A_1263 in 1 : vector<64x254xi32>, vector<64x2xi32> -> vector<64x256xi32>
    %select_n3A_1265 = arith.select %ne3A_1258, %concatenate3A_1261, %concatenate3A_1264 : vector<64x256xi1>, vector<64x256xi32>
    %slice3A_1266 = vector.extract_strided_slice %select_n3A_1252 {offsets = [0, 254], sizes = [64, 2], strides = [1, 1]} : vector<64x256xi32> to vector<64x2xi32>
    %slice3A_1267 = vector.extract_strided_slice %select_n3A_1252 {offsets = [0, 0], sizes = [64, 254], strides = [1, 1]} : vector<64x256xi32> to vector<64x254xi32>
    %concatenate3A_1268 = tpu.concatenate %slice3A_1266, %slice3A_1267 in 1 : vector<64x2xi32>, vector<64x254xi32> -> vector<64x256xi32>
    %slice3A_1269 = vector.extract_strided_slice %select_n3A_1252 {offsets = [0, 2], sizes = [64, 254], strides = [1, 1]} : vector<64x256xi32> to vector<64x254xi32>
    %slice3A_1270 = vector.extract_strided_slice %select_n3A_1252 {offsets = [0, 0], sizes = [64, 2], strides = [1, 1]} : vector<64x256xi32> to vector<64x2xi32>
    %concatenate3A_1271 = tpu.concatenate %slice3A_1269, %slice3A_1270 in 1 : vector<64x254xi32>, vector<64x2xi32> -> vector<64x256xi32>
    %select_n3A_1272 = arith.select %ne3A_1258, %concatenate3A_1268, %concatenate3A_1271 : vector<64x256xi1>, vector<64x256xi32>
    %and3A_1273 = arith.constant 256 : i32
    %and3A_1274 = vector.broadcast %and3A_1273 : i32 to vector<64x256xi32>
    %and3A_1275 = arith.andi %iota3A, %and3A_1274 : vector<64x256xi32>
    %eq3A_1276 = arith.constant 0 : i32
    %eq3A_1277 = vector.broadcast %eq3A_1276 : i32 to vector<64x256xi32>
    %eq3A_1278 = arith.cmpi eq, %and3A_1275, %eq3A_1277 : vector<64x256xi32>
    %xor3A_1279 = arith.xori %eq3A_1278, %ne3A_1258 : vector<64x256xi1>
    %gt3A_1280 = arith.cmpi sgt, %select_n3A_1251, %select_n3A_1265 : vector<64x256xi32>
    %eq3A_1281 = arith.cmpi eq, %select_n3A_1251, %select_n3A_1265 : vector<64x256xi32>
    %lt3A_1282 = arith.cmpi slt, %select_n3A_1252, %select_n3A_1272 : vector<64x256xi32>
    %and3A_1283 = arith.andi %eq3A_1281, %lt3A_1282 : vector<64x256xi1>
    %or3A_1284 = arith.ori %gt3A_1280, %and3A_1283 : vector<64x256xi1>
    %eq3A_1285 = arith.xori %xor3A_1279, %or3A_1284 : vector<64x256xi1>
    %eq3A_1286 = arith.constant dense<true> : vector<64x256xi1>
    %eq3A_1287 = arith.xori %eq3A_1285, %eq3A_1286 : vector<64x256xi1>
    %select_n3A_1288 = arith.select %eq3A_1287, %select_n3A_1251, %select_n3A_1265 : vector<64x256xi1>, vector<64x256xi32>
    %select_n3A_1289 = arith.select %eq3A_1287, %select_n3A_1252, %select_n3A_1272 : vector<64x256xi1>, vector<64x256xi32>
    %and3A_1290 = arith.constant 1 : i32
    %and3A_1291 = vector.broadcast %and3A_1290 : i32 to vector<64x256xi32>
    %and3A_1292 = arith.andi %iota3A, %and3A_1291 : vector<64x256xi32>
    %ne3A_1293 = arith.constant 0 : i32
    %ne3A_1294 = vector.broadcast %ne3A_1293 : i32 to vector<64x256xi32>
    %ne3A_1295 = arith.cmpi ne, %and3A_1292, %ne3A_1294 : vector<64x256xi32>
    %slice3A_1296 = vector.extract_strided_slice %select_n3A_1288 {offsets = [0, 255], sizes = [64, 1], strides = [1, 1]} : vector<64x256xi32> to vector<64x1xi32>
    %slice3A_1297 = vector.extract_strided_slice %select_n3A_1288 {offsets = [0, 0], sizes = [64, 255], strides = [1, 1]} : vector<64x256xi32> to vector<64x255xi32>
    %concatenate3A_1298 = tpu.concatenate %slice3A_1296, %slice3A_1297 in 1 : vector<64x1xi32>, vector<64x255xi32> -> vector<64x256xi32>
    %slice3A_1299 = vector.extract_strided_slice %select_n3A_1288 {offsets = [0, 1], sizes = [64, 255], strides = [1, 1]} : vector<64x256xi32> to vector<64x255xi32>
    %slice3A_1300 = vector.extract_strided_slice %select_n3A_1288 {offsets = [0, 0], sizes = [64, 1], strides = [1, 1]} : vector<64x256xi32> to vector<64x1xi32>
    %concatenate3A_1301 = tpu.concatenate %slice3A_1299, %slice3A_1300 in 1 : vector<64x255xi32>, vector<64x1xi32> -> vector<64x256xi32>
    %select_n3A_1302 = arith.select %ne3A_1295, %concatenate3A_1298, %concatenate3A_1301 : vector<64x256xi1>, vector<64x256xi32>
    %slice3A_1303 = vector.extract_strided_slice %select_n3A_1289 {offsets = [0, 255], sizes = [64, 1], strides = [1, 1]} : vector<64x256xi32> to vector<64x1xi32>
    %slice3A_1304 = vector.extract_strided_slice %select_n3A_1289 {offsets = [0, 0], sizes = [64, 255], strides = [1, 1]} : vector<64x256xi32> to vector<64x255xi32>
    %concatenate3A_1305 = tpu.concatenate %slice3A_1303, %slice3A_1304 in 1 : vector<64x1xi32>, vector<64x255xi32> -> vector<64x256xi32>
    %slice3A_1306 = vector.extract_strided_slice %select_n3A_1289 {offsets = [0, 1], sizes = [64, 255], strides = [1, 1]} : vector<64x256xi32> to vector<64x255xi32>
    %slice3A_1307 = vector.extract_strided_slice %select_n3A_1289 {offsets = [0, 0], sizes = [64, 1], strides = [1, 1]} : vector<64x256xi32> to vector<64x1xi32>
    %concatenate3A_1308 = tpu.concatenate %slice3A_1306, %slice3A_1307 in 1 : vector<64x255xi32>, vector<64x1xi32> -> vector<64x256xi32>
    %select_n3A_1309 = arith.select %ne3A_1295, %concatenate3A_1305, %concatenate3A_1308 : vector<64x256xi1>, vector<64x256xi32>
    %and3A_1310 = arith.constant 256 : i32
    %and3A_1311 = vector.broadcast %and3A_1310 : i32 to vector<64x256xi32>
    %and3A_1312 = arith.andi %iota3A, %and3A_1311 : vector<64x256xi32>
    %eq3A_1313 = arith.constant 0 : i32
    %eq3A_1314 = vector.broadcast %eq3A_1313 : i32 to vector<64x256xi32>
    %eq3A_1315 = arith.cmpi eq, %and3A_1312, %eq3A_1314 : vector<64x256xi32>
    %xor3A_1316 = arith.xori %eq3A_1315, %ne3A_1295 : vector<64x256xi1>
    %gt3A_1317 = arith.cmpi sgt, %select_n3A_1288, %select_n3A_1302 : vector<64x256xi32>
    %eq3A_1318 = arith.cmpi eq, %select_n3A_1288, %select_n3A_1302 : vector<64x256xi32>
    %lt3A_1319 = arith.cmpi slt, %select_n3A_1289, %select_n3A_1309 : vector<64x256xi32>
    %and3A_1320 = arith.andi %eq3A_1318, %lt3A_1319 : vector<64x256xi1>
    %or3A_1321 = arith.ori %gt3A_1317, %and3A_1320 : vector<64x256xi1>
    %eq3A_1322 = arith.xori %xor3A_1316, %or3A_1321 : vector<64x256xi1>
    %eq3A_1323 = arith.constant dense<true> : vector<64x256xi1>
    %eq3A_1324 = arith.xori %eq3A_1322, %eq3A_1323 : vector<64x256xi1>
    %select_n3A_1325 = arith.select %eq3A_1324, %select_n3A_1289, %select_n3A_1309 : vector<64x256xi1>, vector<64x256xi32>
    %slice3A_1326 = vector.extract_strided_slice %select_n3A_1325 {offsets = [0, 0], sizes = [64, 200], strides = [1, 1]} : vector<64x256xi32> to vector<64x200xi32>
    %swap3A = arith.constant 0 : index
    %swap3A_1327 = arith.constant 0 : index
    %swap3A_1328 = vector.load %arg2[%swap3A, %swap3A_1327] : memref<64x200xi32, #tpu.memory_space<vmem>>, vector<64x200xi32>
    tpu.vector_store %arg2[%swap3A, %swap3A_1327], %slice3A_1326 {strides = array<i32>} : memref<64x200xi32, #tpu.memory_space<vmem>>, vector<64x200xi32>,
    %broadcast_in_dim3A = arith.constant 1.000000e+00 : f32
    %broadcast_in_dim3A_1329 = vector.broadcast %broadcast_in_dim3A : f32 to vector<64x200xf32>
    %swap3A_1330 = arith.constant 0 : index
    %swap3A_1331 = arith.constant 0 : index
    %swap3A_1332 = vector.load %arg3[%swap3A_1330, %swap3A_1331] : memref<64x200xf32, #tpu.memory_space<vmem>>, vector<64x200xf32>
    tpu.vector_store %arg3[%swap3A_1330, %swap3A_1331], %broadcast_in_dim3A_1329 {strides = array<i32>} : memref<64x200xf32, #tpu.memory_space<vmem>>, vector<64x200xf32>,
    return
  }
}

</mosaic_0001>

<sc_bundles>
// kernel: kernel.11.cloned.1.call-start
scs
__scs_entry_jumppad:
0x0: {  	(pc) =	sbr.rel $0x88, $3  }
0x1: {  	(tag) =	ssettag $0x0;
	lr =	simm.s32 $0x1  }
0x2: {  	[smem:$0x3FA0] =	sst lr;
	_ =	strace $0xD0000000  }
0x3: {  	_ = 	snop  }
0x4: {  	_ = 	snop  }
0x5: {  	_ = 	snop  }
0x6: {  	_ = 	snop  }
0x7: {  	_ = 	snop  }
__scs_overlays_trampoline_lowered:
0x8: {  	[smem:$0x3FAF] =	sst s0  }
0x9: {  	[smem:$0x3FB0] =	sst s1  }
0xa: {  	[smem:$0x3FB1] =	sst s2  }
0xb: {  	[smem:$0x3FB2] =	sst s3  }
0xc: {  	[smem:$0x3FB3] =	sst s4  }
0xd: {  	[smem:$0x3FB4] =	sst s5  }
0xe: {  	[smem:$0x3FB5] =	sst s6  }
0xf: {  	[smem:$0x3FB6] =	sst s7  }
0x10: {  	[smem:$0x3FB7] =	sst s8  }
0x11: {  	[smem:$0x3FB8] =	sst s9;
	s0 =	simm.s32 @!p0 $0x0  }
0x12: {  	s1 =	sld [smem:$0x3F9E];
	s0 =	simm.s32 @p0 $0x1  }
0x13: {  	[smem:$0x3FB9] =	sst s0;
	s0 =	simm.s32 @!p1 $0x0  }
0x14: {  	s2 =	sld [smem:$0x3F9D];
	s0 =	simm.s32 @p1 $0x1  }
0x15: {  	[smem:$0x3FBA] =	sst s0;
	s0 =	simm.s32 @!p2 $0x0  }
0x16: {  	s3 =	sld [smem:$0x3FDB];
	s0 =	simm.s32 @p2 $0x1  }
0x17: {  	s4 =	simm.s32 $0x1BF5;
	[smem:$0x3FBC] =	sst s0  }
0x18: {  	s0 =	sld [smem:$0x3F9F];
	_ =	swait.ge [sflag:s4], $0x0  }
0x19: {  	s7 =	sld [smem:$0x3FA0]  }
0x1a: {  	s8 =	sadd.s32 $0xFFFFE003, lr  }
0x1b: {  	s9 =	sadd.s32 $0xFFFFFEF7, lr;
	s5 =	simm.s32 $0xFFFFFFFF;
	p2 =	slt.u32 s8, $0xFFFFF086  }
0x1c: {  	p1 =	slt.u32 s9, $0xF7A;
	s5 =	simm.s32 @!p2 $0x0  }
0x1d: {  	s5 =	simm.s32 @p1 $0x1;
	p0 =	seq.s32 s7, s2  }
0x1e: {  	s7 =	smul.u32 @!p0 $0xF7A, s2;
	p2 =	seq.s32 @!p0 s5, $0x0  }
0x1f: {  	s9 =	smul.u32 $0xF7A, s1;
	s8 =	simm.s32 @!p0 $0x1BF5;
	p2 =	por !p2, p0  }
0x20: {  	[sflag:s8] =	ssyncset.s32 @!p0 $0xFFFFF086;
	s6 =	sadd.s32 @!p0 s3, s7;
	s7 =	simm.s32 @!p0 $0x108  }
0x21: {  	s3 =	sadd.s32 s3, s9;
	s6 =	sadd.s32 @!p0 $0x88, s6;
	s7 =	simm.s32 @p2 $0x1082  }
0x22: {  	[simem:s7], [sflag:s8] =	dma.local @!p0 [hbm:s6], $0xF7A  }
0x23: {  	s9 =	sor.u32 $0xD0000000, s2;
	s6 =	simm.s32 $0x108;
	_ =	swait.ge @!p0 [sflag:s8], $0x0  }
0x24: {  	s3 =	sadd.s32 $0x88, s3;
	s6 =	simm.s32 @!p1 $0x1082;
	[sflag:s4] =	ssyncset.s32 $0xFFFFF086  }
0x25: {  	[simem:s6], [sflag:s4] =	dma.local [hbm:s3], $0xF7A  }
0x26: {  	[smem:$0x3FA0] =	sst s1;
	(tag) =	ssettag s2;
	_ =	strace s9  }
0x27: {  	s1 =	sld [smem:$0x3FB0]  }
0x28: {  	s2 =	sld [smem:$0x3FB1]  }
0x29: {  	s4 =	sld [smem:$0x3FB3]  }
0x2a: {  	p0 =	seq.s32 s5, $0x0;
	s5 =	sld [smem:$0x3FB4]  }
0x2b: {  	s6 =	sld [smem:$0x3FB5]  }
0x2c: {  	s7 =	sld [smem:$0x3FB6]  }
0x2d: {  	s3 =	simm.s32 $0x108;
	s8 =	sld [smem:$0x3FB7]  }
0x2e: {  	s3 =	simm.s32 @!p0 $0x1082;
	s9 =	sld [smem:$0x3FB8]  }
0x2f: {  	lr =	sadd.s32 s0, s3;
	s0 =	sld [smem:$0x3FAF]  }
0x30: {  	s3 =	sld [smem:$0x3FB2]  }
0x31: {  	[smem:$0x3FBB] =	sst s10  }
0x32: {  	s10 =	sld [smem:$0x3FB9];
	_ =	sdelay $0x3  }
0x33: {  	p0 =	seq.s32 s10, $0x1;
	s10 =	sld [smem:$0x3FBB];
	_ =	sdelay $0x3  }
0x34: {  	[smem:$0x3FBB] =	sst s10  }
0x35: {  	s10 =	sld [smem:$0x3FBA];
	_ =	sdelay $0x3  }
0x36: {  	p1 =	seq.s32 s10, $0x1;
	s10 =	sld [smem:$0x3FBB];
	_ =	sdelay $0x3  }
0x37: {  	[smem:$0x3FBB] =	sst s10  }
0x38: {  	s10 =	sld [smem:$0x3FBC]  }
0x39: {  	_ = 	snop;
	(pc) =	sbr.ind lr, $3  }
0x3a: {  	_ = 	snop  }
0x3b: {  	_ = 	snop  }
0x3c: {  	p2 =	seq.s32 s10, $0x1;
	s10 =	sld [smem:$0x3FBB]  }
0x3d: {  	_ =	shalt  }
0x3e: {  	_ =	shalt  }
0x3f: {  	_ =	shalt  }
0x40: {  	_ =	shalt  }
0x41: {  	_ =	shalt  }
0x42: {  	_ =	shalt  }
0x43: {  	_ =	shalt  }
0x44: {  	_ =	shalt  }
0x45: {  	_ =	shalt  }
0x46: {  	_ =	shalt  }
0x47: {  	_ =	shalt  }
0x48: {  	_ =	shalt  }
0x49: {  	_ =	shalt  }
0x4a: {  	_ =	shalt  }
0x4b: {  	_ =	shalt  }
0x4c: {  	_ =	shalt  }
0x4d: {  	_ =	shalt  }
0x4e: {  	_ =	shalt  }
0x4f: {  	_ =	shalt  }
0x50: {  	_ =	shalt  }
0x51: {  	_ =	shalt  }
0x52: {  	_ =	shalt  }
0x53: {  	_ =	shalt  }
0x54: {  	_ =	shalt  }
0x55: {  	_ =	shalt  }
0x56: {  	_ =	shalt  }
0x57: {  	_ =	shalt  }
0x58: {  	_ =	shalt  }
0x59: {  	_ =	shalt  }
0x5a: {  	_ =	shalt  }
0x5b: {  	_ =	shalt  }
0x5c: {  	_ =	shalt  }
0x5d: {  	_ =	shalt  }
0x5e: {  	_ =	shalt  }
0x5f: {  	_ =	shalt  }
0x60: {  	_ =	shalt  }
0x61: {  	_ =	shalt  }
0x62: {  	_ =	shalt  }
0x63: {  	_ =	shalt  }
0x64: {  	_ =	shalt  }
0x65: {  	_ =	shalt  }
0x66: {  	_ =	shalt  }
0x67: {  	_ =	shalt  }
0x68: {  	_ =	shalt  }
0x69: {  	_ =	shalt  }
0x6a: {  	_ =	shalt  }
0x6b: {  	_ =	shalt  }
0x6c: {  	_ =	shalt  }
0x6d: {  	_ =	shalt  }
0x6e: {  	_ =	shalt  }
0x6f: {  	_ =	shalt  }
0x70: {  	_ =	shalt  }
0x71: {  	_ =	shalt  }
0x72: {  	_ =	shalt  }
0x73: {  	_ =	shalt  }
0x74: {  	_ =	shalt  }
0x75: {  	_ =	shalt  }
0x76: {  	_ =	shalt  }
0x77: {  	_ =	shalt  }
0x78: {  	_ =	shalt  }
0x79: {  	_ =	shalt  }
0x7a: {  	_ =	shalt  }
0x7b: {  	_ =	shalt  }
0x7c: {  	_ =	shalt  }
0x7d: {  	_ =	shalt  }
0x7e: {  	_ =	shalt  }
0x7f: {  	_ =	shalt  }
0x80: {  	_ =	shalt  }
0x81: {  	_ =	shalt  }
0x82: {  	_ =	shalt  }
0x83: {  	_ =	shalt  }
0x84: {  	_ =	shalt  }
0x85: {  	_ =	shalt  }
0x86: {  	_ =	shalt  }
0x87: {  	_ =	shalt  }
.Lfunc_end0:
.L_simem_size_0:
called_computation.1_lowered:
.L_overlay_start_0:
0x88: {  	s2 =	sld [smem:$0x3FD9]  }
0x89: {  	s3 =	sld [smem:$0x3FFE];
	_ =	sdelay $0x1  }
0x8a: {  	s1 =	srdreg.scid  }
0x8b: {  	s0 =	sand.u32 $0x1, s1  }
0x8c: {  	s15 =	sshll.u32 s0, $0xA;
	s2 =	sadd.s32 s3, s2  }
0x8d: {  	s2 =	sadd.s32 s2, s15  }
0x8e: {  	[smem:$0x3FC7] =	sst s2  }
0x8f: {  	_ = 	snop  }
0x90: {  	s2 =	sld [smem:$0x3FD0];
	_ =	sdelay $0x2  }
0x91: {  	s4 =	simm.s32 $0xB;
	s16 =	simm.s32 $0x10  }
0x92: {  	[smem:s16], [sflag:s4] =	dma.local [hbm:s2], $0x1  }
0x93: {  	_ =	swait.eq [sflag:s4], $0x1  }
0x94: {  	[sflag:s4] =	ssyncset.done $0x0  }
0x95: {  	s17 =	sld [smem:$0x10];
	[sflag:s4] =	ssyncadd.s32 $0xFFFFFFFF  }
0x96: {  	s18 =	sld [smem:$0x11];
	(tm) =	ssettm $0x1  }
0x97: {  	s19 =	sld [smem:$0x3FFB];
	_ =	sdelay $0x3  }
0x98: {  	_ =	strace s19  }
0x99: {  	s2 =	sld [smem:$0x3FFC];
	_ =	sdelay $0x3  }
0x9a: {  	_ =	strace s2  }
0x9b: {  	s2 =	sld [smem:$0x3FFD];
	_ =	sdelay $0x3  }
0x9c: {  	_ =	strace s2  }
0x9d: {  	_ =	strace $0x8FFFFFFF  }
0x9e: {  	s20 =	sld [smem:$0x3FDB];
	_ =	sdelay $0x1  }
0x9f: {  	s5 =	simm.s32 $_scs_section_size  }
0xa0: {  	s6 =	simm.s32 $_size__tile_overlayer_lowered;
	s7 =	simm.s32 $_tile_overlayer_lowered  }
0xa1: {  	s8 =	simm.s32 $0x1BFF;
	s21 =	sshll.u32 s7, $0x1;
	s5 =	sadd.s32 s5, s20  }
0xa2: {  	s22 =	simm.s32 $0x0;
	s6 =	sshll.u32 s6, $0x1;
	s7 =	sadd.s32 s21, s5  }
0xa3: {  	[timem:s22], [sflag:s8] =	dma.local [hbm:s7], s6  }
0xa4: {  	_ =	swait.ge [sflag:s8], s6  }
0xa5: {  	s6 =	ssub.s32 $0x0, s6;
	[sflag:s8] =	ssyncset.done $0x0  }
0xa6: {  	[sflag:s8] =	ssyncadd.s32 s6;
	_ =	sdelay $0x1  }
0xa7: {  	s23 =	simm.s32 $0x1B8B  }
0xa8: {  	_ =	swait.ge [sflag:s23], $0x1  }
0xa9: {  	[sflag:s23] =	ssyncset.done $0x0  }
0xaa: {  	[sflag:s23] =	ssyncadd.s32 $0xFFFFFFFF  }
0xab: {  	s6 =	sld [smem:$0x0]  }
0xac: {  	s7 =	sand.u32 $0xFFFFFFFE, s1  }
0xad: {  	p0 =	sne.s32 s1, s7  }
0xae: {  	s7 =	sshll.u32 @p0 s7, $0xE  }
0xaf: {  	s7 =	sadd.s32 @p0 $0x11B8D, s7;
	s8 =	sshll.u32 @p0 s6, $0x11  }
0xb0: {  	s7 =	sor.u32 @p0 s8, s7  }
0xb1: {  	[sflag:s7] =	ssyncadd.remote.s32 @p0 $0x1;
	_ =	sdelay $0x1  }
0xb2: {  	s7 =	simm.s32 @p0 $0x1B8D  }
0xb3: {  	_ =	swait.eq @p0 [sflag:s7], $0x1  }
0xb4: {  	[sflag:s7] =	ssyncadd.s32 @p0 $0xFFFFFFFF  }
0xb5: {  	s8 =	sshll.u32 @!p0 s1, $0xE  }
0xb6: {  	s8 =	sor.u32 @!p0 $0x4000, s8;
	s7 =	simm.s32 @!p0 $0x1B8D  }
0xb7: {  	s6 =	sshll.u32 @!p0 s6, $0x11;
	s8 =	sadd.s32 @!p0 $0x11B8D, s8;
	_ =	swait.eq @!p0 [sflag:s7], $0x1  }
0xb8: {  	s6 =	sor.u32 @!p0 s6, s8;
	[sflag:s7] =	ssyncadd.s32 @!p0 $0xFFFFFFFF  }
0xb9: {  	s25 =	simm.s32 $0x1B8E;
	s24 =	sld [smem:$0x3FFE];
	[sflag:s6] =	ssyncadd.remote.s32 @!p0 $0x1  }
0xba: {  	s26 =	simm.s32 $execute0_lowered;
	[smem:$0x3FD2] =	sst s25  }
0xbb: {  	s7 =	sshll.u32 s26, $0x1;
	_ =	strace $0x80000049;
	[dreg:$0x1] =	wrdreg $0xFFFFFFFF  }
0xbc: {  	s28 =	simm.s32 $_size_execute0_lowered;
	s5 =	sadd.s32 s5, s7;
	[dreg:$0x0] =	wrdreg $0x0  }
0xbd: {  	s7 =	sshll.u32 s28, $0x1;
	[dreg:$0x2] =	wrdreg s5  }
0xbe: {  	[dreg:$0x3] =	wrdreg s7  }
0xbf: {  	[dreg:$0x4] =	wrdreg $0xC0  }
0xc0: {  	_ =	task [dreg:s22], $0x5FFFF  }
0xc1: {  	[dreg:$0x1] =	wrdreg $0xFFFFFFFF  }
0xc2: {  	[dreg:$0x0] =	wrdreg $0x60  }
0xc3: {  	[dreg:$0x2] =	wrdreg s24  }
0xc4: {  	[dreg:$0x3] =	wrdreg s18  }
0xc5: {  	[dreg:$0x4] =	wrdreg s17  }
0xc6: {  	[dreg:$0x5] =	wrdreg $0xA  }
0xc7: {  	_ =	task.clear_ibuf [dreg:s22], $0x6FFFF;
	_ =	strace $0x90000049  }
0xc8: {  	s29 =	simm.s32 $0xA;
	_ =	strace $0x8000004B  }
0xc9: {  	_ =	swait.ge [sflag:s29], $0x1  }
0xca: {  	[sflag:s29] =	ssyncadd.s32 $0xFFFFFFFF  }
0xcb: {  	_ =	strace $0x9000004B  }
0xcc: {  	_ =	sfence  }
0xcd: {  	s30 =	sld [smem:$0x0];
	_ =	sdelay $0x2  }
0xce: {  	s31 =	sshll.u32 s1, $0xD;
	s1 =	sshrl.u32 s1, $0x2  }
0xcf: {  	s4 =	sand.u32 $0x4000, s31;
	s1 =	sadd.s32 s1, s30  }
0xd0: {  	s0 =	sor.u32 s4, s0;
	s1 =	sshll.u32 s1, $0x11  }
0xd1: {  	s0 =	sor.u32 s1, s0  }
0xd2: {  	s0 =	sadd.s32 $0x8F2B, s0  }
0xd3: {  	[sflag:s0] =	ssyncadd.remote.s32 $0x1  }
0xd4: {  	_ =	sfence.sel $0xFFFF  }
0xd5: {  	[dreg:$0x0] =	wrdreg $0xFFFFFFFF;
	(pc) =	sbr.abs _section_cstart, $3  }
0xd6: {  	[dreg:$0x1] =	wrdreg $0xFFFFFFFF  }
0xd7: {  	_ =	task.clear_ibuf [dreg:s22], $0x2FFFF;
	_ =	strace $0x9FFFFFFF  }
0xd8: {  	(tm) =	ssettm $0x7FFFFFFF  }
0xd9: {  	_ =	shalt  }
tec
execute0_lowered:
.L_overlay_start_1:
0x0: {  	(tag) =	ssettag $0x1  }
0x1: {  	s3 =	rddreg [dreg:$0x0]  }
0x2: {  	s8 =	rddreg [dreg:$0x1]  }
0x3: {  	s9 =	rddreg [dreg:$0x2]  }
0x4: {  	s0 =	rddreg [dreg:$0x3];
	s2 =	simm.s32 $0x0;
	s4 =	srdreg.scid  }
0x5: {  	s1 =	stileid.u32;
	s16 =	simm.s32 $0x8000;
	s17 =	simm.s32 $0x10180  }
0x6: {  	s18 =	simm.s32 $0x10080;
	s19 =	simm.s32 $0x2;
	s20 =	simm.s32 $0x0  }
0x7: {  	[smem:$0x7FF] =	sst s2;
	s4 =	sand.u32 $0x1, s4;
	s5 =	sshll.u32 s1, $0x2  }
0x8: {  	s7 =	sadd.s32 $0x1800, s3;
	s3 =	sadd.s32 $0x82A00, s3;
	s26 =	sshrl.u32 s1, $0x1  }
0x9: {  	_ =	strace $0x8000004A;
	s6 =	sshll.u32 s4, $0x1;
	s4 =	ssub.s32 $0x2, s4  }
0xa: {  	s10 =	sshll.u32 s26, $0x12;
	s12 =	sor.u32 s6, s5;
	s11 =	sshrl.u32 s4, $0x1  }
0xb: {  	s5 =	sshll.u32 s26, $0xB;
	s6 =	sshll.u32 s12, $0x7;
	s15 =	sor.u32 $0x1, s12  }
0xc: {  	s11 =	ssub.s32 s4, s11;
	v0 =	vmov s12;
	s12 =	simm.s32 $0x3;
	s6 =	sand.u32 $0x300, s6  }
0xd: {  	s14 =	sshll.u32 s15, $0x7;
	v1 =	vmov s15;
	s15 =	simm.s32 $0x1;
	s13 =	sor.u32 s10, s6  }
0xe: {  	s29 =	sand.u32 $0x380, s14;
	s6 =	sor.u32 s5, s6;
	s14 =	simm.s32 $0x400  }
0xf: {  	s28 =	sshrl.u32 s13, $0x3;
	s10 =	sor.u32 s10, s29;
	s13 =	sor.u32 s5, s29  }
0x10: {  	s30 =	sshrl.u32 s6, $0x3;
	s4 =	sadd.s32 s7, s28;
	s10 =	sshrl.u32 s10, $0x3  }
0x11: {  	s31 =	sshrl.u32 s13, $0x3;
	s6 =	sadd.s32 s8, s30;
	s13 =	simm.s32 $0x80  }
0x12: {  	v2 =	vimm.s32 $0x80000000;
	s5 =	sadd.s32 s7, s10;
	s7 =	sadd.s32 s9, s30;
	s8 =	sadd.s32 s8, s31  }
0x13: {  	v3 =	vimm.s32 $0x0;
	v4 =	vlaneseq.u32;
	v0 =	vbroadcast v0, $0x0;
	s9 =	sadd.s32 s9, s31;
	s10 =	smax.u32 s11, $0x1;
	s11 =	simm.s32 $0x10000  }
.LBB2_1:
0x14: {  	[tilespmem:s11], [sflag:$0x3] =	stream.linear.gather [hbm4b:s3+s2], $0x80, $0x38;
	[tilespmem:$0x10280] =	vst v63  }
0x15: {  	_ =	swait.ge [sflag:s12], $0x80  }
0x16: {  	[sflag:s12] =	ssyncset.done $0x0  }
0x17: {  	[sflag:s12] =	ssyncadd.s32 $0xFFFFFF80  }
0x18: {  	[tilespmem:s2], [sflag:$0x1] =	stream.strided.gather [hbm4b:s4+s13], $0x8000, s14, s13, $0x38;
	[tilespmem:$0x10280] =	vst v63  }
0x19: {  	_ =	swait.ge [sflag:s15], $0x8000  }
0x1a: {  	[sflag:s15] =	ssyncset.done $0x0  }
0x1b: {  	[sflag:s15] =	ssyncadd.s32 $0xFFFF8000  }
0x1c: {  	[tilespmem:s16], [sflag:$0x2] =	stream.strided.gather [hbm4b:s5+s13], $0x8000, s14, s13, $0x38;
	[tilespmem:$0x10280] =	vst v63  }
0x1d: {  	v5 =	vld.idx.msk [tilespmem:v0+s11+$0x0], $0xffff;
	[tilespmem:$0x10080] =	vst v2  }
0x1e: {  	[tilespmem:$0x10090] =	vst v2  }
0x1f: {  	[tilespmem:$0x100A0] =	vst v2  }
0x20: {  	[tilespmem:$0x100B0] =	vst v2  }
0x21: {  	[tilespmem:$0x100C0] =	vst v2  }
0x22: {  	[tilespmem:$0x100D0] =	vst v2  }
0x23: {  	[tilespmem:$0x100E0] =	vst v2  }
0x24: {  	[tilespmem:$0x100F0] =	vst v2  }
0x25: {  	[tilespmem:$0x10100] =	vst v2  }
0x26: {  	[tilespmem:$0x10110] =	vst v2  }
0x27: {  	[tilespmem:$0x10120] =	vst v2  }
0x28: {  	[tilespmem:$0x10130] =	vst v2  }
0x29: {  	[tilespmem:$0x10140] =	vst v2  }
0x2a: {  	[tilespmem:$0x10150] =	vst v2  }
0x2b: {  	[tilespmem:$0x10160] =	vst v2  }
0x2c: {  	s21 =	simm.s32 $0xFFFFFFFC;
	s22 =	simm.s32 $0x20;
	s23 =	simm.s32 $0x0;
	v6 =	vimm.s32 $0x0;
	[tilespmem:$0x10170] =	vst v2  }
.LBB2_2:
0x2d: {  	v7 =	vld [tilespmem:s22+$0xFFFFFFE0];
	_ =	sdelay $0x4  }
0x2e: {  	v8 =	vshra.s32 v7, $0x1F  }
0x2f: {  	v8 =	vand.u32 $0x7FFFFFFF, v8  }
0x30: {  	v7 =	vxor.u32 v7, v8  }
0x31: {  	vm0 =	vge.s32 v7, v5  }
0x32: {  	v8 =	vsel vm0, $0x1, v3  }
0x33: {  	(xrf0) =	vadd.scan.msk.s32 $0xffff, v8;
	_ =	sdelay $0x5  }
0x34: {  	v8, _, _ =	vpop (xrf0)  }
0x35: {  	v8 =	vadd.s32 v8, v6  }
0x36: {  	v8 =	vadd.s32 $0xFFFFFFFF, v8  }
0x37: {  	vm1 =	vlt.s32 v8, $0xFF  }
0x38: {  	v8 =	vnsel vm1, $0xFF, v8;
	_ =	sdelay $0x3  }
0x39: {  	v9 =	vor.u32 s23, v4  }
0x3a: {  	[tilespmem:v8+s17+$0x0] =	vst.idx.msk vm0, v9  }
0x3b: {  	[tilespmem:v8+s18+$0x0] =	vst.idx.msk vm0, v7  }
0x3c: {  	v7 =	vld [tilespmem:s22+$0xFFFFFFF0];
	_ =	sdelay $0x4  }
0x3d: {  	v8 =	vshra.s32 v7, $0x1F  }
0x3e: {  	v8 =	vand.u32 $0x7FFFFFFF, v8  }
0x3f: {  	v7 =	vxor.u32 v7, v8  }
0x40: {  	vm10 =	vge.s32 v7, v5  }
0x41: {  	v8 =	vsel vm10, $0x1, v3  }
0x42: {  	(xrf0) =	vadd.scan.msk.s32 $0xffff, v8;
	_ =	sdelay $0x1  }
0x43: {  	v8 =	vmpcnt.ones.xlane vm0;
	_ =	sdelay $0x3  }
0x44: {  	v6 =	vadd.s32 v6, v8;
	v8, _, _ =	vpop (xrf0)  }
0x45: {  	v8 =	vadd.s32 v8, v6  }
0x46: {  	v8 =	vadd.s32 $0xFFFFFFFF, v8  }
0x47: {  	vm11 =	vlt.s32 v8, $0xFF  }
0x48: {  	v8 =	vnsel vm11, $0xFF, v8;
	_ =	sdelay $0x2  }
0x49: {  	s24 =	sadd.s32 $0x10, s23  }
0x4a: {  	v61 =	vor.u32 s24, v4  }
0x4b: {  	[tilespmem:v8+s17+$0x0] =	vst.idx.msk vm10, v61  }
0x4c: {  	[tilespmem:v8+s18+$0x0] =	vst.idx.msk vm10, v7  }
0x4d: {  	v7 =	vld [tilespmem:s22+$0x0];
	_ =	sdelay $0x4  }
0x4e: {  	v8 =	vshra.s32 v7, $0x1F  }
0x4f: {  	v8 =	vand.u32 $0x7FFFFFFF, v8  }
0x50: {  	v7 =	vxor.u32 v7, v8  }
0x51: {  	vm12 =	vge.s32 v7, v5  }
0x52: {  	v8 =	vsel vm12, $0x1, v3  }
0x53: {  	(xrf0) =	vadd.scan.msk.s32 $0xffff, v8;
	_ =	sdelay $0x1  }
0x54: {  	v8 =	vmpcnt.ones.xlane vm10;
	_ =	sdelay $0x3  }
0x55: {  	v6 =	vadd.s32 v6, v8;
	v8, _, _ =	vpop (xrf0)  }
0x56: {  	v8 =	vadd.s32 v8, v6  }
0x57: {  	v8 =	vadd.s32 $0xFFFFFFFF, v8  }
0x58: {  	vm13 =	vlt.s32 v8, $0xFF  }
0x59: {  	v8 =	vnsel vm13, $0xFF, v8;
	_ =	sdelay $0x2  }
0x5a: {  	s30 =	sadd.s32 $0x20, s23  }
0x5b: {  	v62 =	vor.u32 s30, v4  }
0x5c: {  	[tilespmem:v8+s17+$0x0] =	vst.idx.msk vm12, v62  }
0x5d: {  	[tilespmem:v8+s18+$0x0] =	vst.idx.msk vm12, v7  }
0x5e: {  	v7 =	vld [tilespmem:s22+$0x10];
	_ =	sdelay $0x4  }
0x5f: {  	v8 =	vshra.s32 v7, $0x1F  }
0x60: {  	v8 =	vand.u32 $0x7FFFFFFF, v8  }
0x61: {  	v7 =	vxor.u32 v7, v8  }
0x62: {  	vm14 =	vge.s32 v7, v5  }
0x63: {  	v8 =	vsel vm14, $0x1, v3  }
0x64: {  	(xrf0) =	vadd.scan.msk.s32 $0xffff, v8;
	_ =	sdelay $0x1  }
0x65: {  	v8 =	vmpcnt.ones.xlane vm12;
	_ =	sdelay $0x3  }
0x66: {  	v6 =	vadd.s32 v6, v8;
	v8, _, _ =	vpop (xrf0)  }
0x67: {  	v8 =	vadd.s32 v8, v6  }
0x68: {  	v8 =	vadd.s32 $0xFFFFFFFF, v8  }
0x69: {  	vm15 =	vlt.s32 v8, $0xFF  }
0x6a: {  	s21 =	sadd.s32 $0x4, s21;
	v8 =	vnsel vm15, $0xFF, v8  }
0x6b: {  	p0 =	slt.u32 s21, $0x7FC  }
.Ltmp0:
0x6c: {  	_ = 	snop;
	(pc) =	sbr.rel @p0 .LBB2_2-.Ltmp0, $4  }
0x6d: {  	s31 =	sadd.s32 $0x30, s23  }
0x6e: {  	v63 =	vor.u32 s31, v4;
	v10 =	vmpcnt.ones.xlane vm14  }
0x6f: {  	[tilespmem:v8+s17+$0x0] =	vst.idx.msk vm14, v63  }
0x70: {  	s23 =	sadd.s32 $0x40, s23;
	s22 =	sadd.s32 $0x40, s22;
	v6 =	vadd.s32 v6, v10;
	[tilespmem:v8+s18+$0x0] =	vst.idx.msk vm14, v7  }
0x71: {  	[hbm4b:s6+s13] =	stream.strided.scatter [tilespmem:s18], [sflag:$0x3], $0x100, s14, s13, $0x38;
	[tilespmem:$0x10280] =	vst v63  }
0x72: {  	_ =	swait.ge [sflag:s12], $0x100  }
0x73: {  	[sflag:s12] =	ssyncset.done $0x0  }
0x74: {  	[sflag:s12] =	ssyncadd.s32 $0xFFFFFF00  }
0x75: {  	[hbm4b:s7+s13] =	stream.strided.scatter [tilespmem:s17], [sflag:$0x3], $0x100, s14, s13, $0x38;
	[tilespmem:$0x10280] =	vst v63  }
0x76: {  	_ =	swait.ge [sflag:s12], $0x100  }
0x77: {  	[sflag:s12] =	ssyncset.done $0x0  }
0x78: {  	[sflag:s12] =	ssyncadd.s32 $0xFFFFFF00  }
0x79: {  	_ =	swait.ge [sflag:s19], $0x8000  }
0x7a: {  	[sflag:s19] =	ssyncset.done $0x0  }
0x7b: {  	[sflag:s19] =	ssyncadd.s32 $0xFFFF8000  }
0x7c: {  	v5 =	vld.idx.msk [tilespmem:v1+s11+$0x0], $0xffff;
	[tilespmem:$0x10080] =	vst v2  }
0x7d: {  	[tilespmem:$0x10090] =	vst v2  }
0x7e: {  	[tilespmem:$0x100A0] =	vst v2  }
0x7f: {  	[tilespmem:$0x100B0] =	vst v2  }
0x80: {  	[tilespmem:$0x100C0] =	vst v2  }
0x81: {  	[tilespmem:$0x100D0] =	vst v2  }
0x82: {  	[tilespmem:$0x100E0] =	vst v2  }
0x83: {  	[tilespmem:$0x100F0] =	vst v2  }
0x84: {  	[tilespmem:$0x10100] =	vst v2  }
0x85: {  	[tilespmem:$0x10110] =	vst v2  }
0x86: {  	[tilespmem:$0x10120] =	vst v2  }
0x87: {  	[tilespmem:$0x10130] =	vst v2  }
0x88: {  	[tilespmem:$0x10140] =	vst v2  }
0x89: {  	[tilespmem:$0x10150] =	vst v2  }
0x8a: {  	[tilespmem:$0x10160] =	vst v2  }
0x8b: {  	v6 =	vimm.s32 $0x0;
	s21 =	simm.s32 $0xFFFFFFFC;
	s22 =	simm.s32 $0x0;
	s23 =	simm.s32 $0x8020;
	[tilespmem:$0x10170] =	vst v2  }
.LBB2_4:
0x8c: {  	v7 =	vld [tilespmem:s23+$0xFFFFFFE0];
	_ =	sdelay $0x4  }
0x8d: {  	v8 =	vshra.s32 v7, $0x1F  }
0x8e: {  	v8 =	vand.u32 $0x7FFFFFFF, v8  }
0x8f: {  	v7 =	vxor.u32 v7, v8  }
0x90: {  	vm0 =	vge.s32 v7, v5  }
0x91: {  	v8 =	vsel vm0, $0x1, v3  }
0x92: {  	(xrf0) =	vadd.scan.msk.s32 $0xffff, v8;
	_ =	sdelay $0x5  }
0x93: {  	v8, _, _ =	vpop (xrf0)  }
0x94: {  	v8 =	vadd.s32 v8, v6  }
0x95: {  	v8 =	vadd.s32 $0xFFFFFFFF, v8  }
0x96: {  	vm1 =	vlt.s32 v8, $0xFF  }
0x97: {  	v8 =	vnsel vm1, $0xFF, v8;
	_ =	sdelay $0x3  }
0x98: {  	v9 =	vor.u32 s22, v4  }
0x99: {  	[tilespmem:v8+s17+$0x0] =	vst.idx.msk vm0, v9  }
0x9a: {  	[tilespmem:v8+s18+$0x0] =	vst.idx.msk vm0, v7  }
0x9b: {  	v7 =	vld [tilespmem:s23+$0xFFFFFFF0];
	_ =	sdelay $0x4  }
0x9c: {  	v8 =	vshra.s32 v7, $0x1F  }
0x9d: {  	v8 =	vand.u32 $0x7FFFFFFF, v8  }
0x9e: {  	v7 =	vxor.u32 v7, v8  }
0x9f: {  	vm10 =	vge.s32 v7, v5  }
0xa0: {  	v8 =	vsel vm10, $0x1, v3  }
0xa1: {  	(xrf0) =	vadd.scan.msk.s32 $0xffff, v8;
	_ =	sdelay $0x1  }
0xa2: {  	v8 =	vmpcnt.ones.xlane vm0;
	_ =	sdelay $0x3  }
0xa3: {  	v6 =	vadd.s32 v6, v8;
	v8, _, _ =	vpop (xrf0)  }
0xa4: {  	v8 =	vadd.s32 v8, v6  }
0xa5: {  	v8 =	vadd.s32 $0xFFFFFFFF, v8  }
0xa6: {  	vm11 =	vlt.s32 v8, $0xFF  }
0xa7: {  	v8 =	vnsel vm11, $0xFF, v8;
	_ =	sdelay $0x2  }
0xa8: {  	s24 =	sadd.s32 $0x10, s22  }
0xa9: {  	v61 =	vor.u32 s24, v4  }
0xaa: {  	[tilespmem:v8+s17+$0x0] =	vst.idx.msk vm10, v61  }
0xab: {  	[tilespmem:v8+s18+$0x0] =	vst.idx.msk vm10, v7  }
0xac: {  	v7 =	vld [tilespmem:s23+$0x0];
	_ =	sdelay $0x4  }
0xad: {  	v8 =	vshra.s32 v7, $0x1F  }
0xae: {  	v8 =	vand.u32 $0x7FFFFFFF, v8  }
0xaf: {  	v7 =	vxor.u32 v7, v8  }
0xb0: {  	vm12 =	vge.s32 v7, v5  }
0xb1: {  	v8 =	vsel vm12, $0x1, v3  }
0xb2: {  	(xrf0) =	vadd.scan.msk.s32 $0xffff, v8;
	_ =	sdelay $0x1  }
0xb3: {  	v8 =	vmpcnt.ones.xlane vm10;
	_ =	sdelay $0x3  }
0xb4: {  	v6 =	vadd.s32 v6, v8;
	v8, _, _ =	vpop (xrf0)  }
0xb5: {  	v8 =	vadd.s32 v8, v6  }
0xb6: {  	v8 =	vadd.s32 $0xFFFFFFFF, v8  }
0xb7: {  	vm13 =	vlt.s32 v8, $0xFF  }
0xb8: {  	v8 =	vnsel vm13, $0xFF, v8;
	_ =	sdelay $0x2  }
0xb9: {  	s30 =	sadd.s32 $0x20, s22  }
0xba: {  	v62 =	vor.u32 s30, v4  }
0xbb: {  	[tilespmem:v8+s17+$0x0] =	vst.idx.msk vm12, v62  }
0xbc: {  	[tilespmem:v8+s18+$0x0] =	vst.idx.msk vm12, v7  }
0xbd: {  	v7 =	vld [tilespmem:s23+$0x10];
	_ =	sdelay $0x4  }
0xbe: {  	v8 =	vshra.s32 v7, $0x1F  }
0xbf: {  	v8 =	vand.u32 $0x7FFFFFFF, v8  }
0xc0: {  	v7 =	vxor.u32 v7, v8  }
0xc1: {  	vm14 =	vge.s32 v7, v5  }
0xc2: {  	v8 =	vsel vm14, $0x1, v3  }
0xc3: {  	(xrf0) =	vadd.scan.msk.s32 $0xffff, v8;
	_ =	sdelay $0x1  }
0xc4: {  	v8 =	vmpcnt.ones.xlane vm12;
	_ =	sdelay $0x3  }
0xc5: {  	v6 =	vadd.s32 v6, v8;
	v8, _, _ =	vpop (xrf0)  }
0xc6: {  	v8 =	vadd.s32 v8, v6  }
0xc7: {  	v8 =	vadd.s32 $0xFFFFFFFF, v8  }
0xc8: {  	vm15 =	vlt.s32 v8, $0xFF  }
0xc9: {  	s21 =	sadd.s32 $0x4, s21;
	v8 =	vnsel vm15, $0xFF, v8  }
0xca: {  	p0 =	slt.u32 s21, $0x7FC  }
.Ltmp1:
0xcb: {  	_ = 	snop;
	(pc) =	sbr.rel @p0 .LBB2_4-.Ltmp1, $4  }
0xcc: {  	s31 =	sadd.s32 $0x30, s22  }
0xcd: {  	v63 =	vor.u32 s31, v4;
	v10 =	vmpcnt.ones.xlane vm14  }
0xce: {  	[tilespmem:v8+s17+$0x0] =	vst.idx.msk vm14, v63  }
0xcf: {  	s22 =	sadd.s32 $0x40, s22;
	s23 =	sadd.s32 $0x40, s23;
	v6 =	vadd.s32 v6, v10;
	[tilespmem:v8+s18+$0x0] =	vst.idx.msk vm14, v7  }
0xd0: {  	[hbm4b:s8+s13] =	stream.strided.scatter [tilespmem:s18], [sflag:$0x3], $0x100, s14, s13, $0x38;
	[tilespmem:$0x10280] =	vst v63  }
0xd1: {  	s20 =	sadd.s32 $0x1, s20;
	_ =	swait.ge [sflag:s12], $0x100  }
0xd2: {  	p0 =	sne.s32 s20, s10;
	[sflag:s12] =	ssyncset.done $0x0  }
.Ltmp2:
0xd3: {  	[sflag:s12] =	ssyncadd.s32 $0xFFFFFF00;
	(pc) =	sbr.rel @p0 .LBB2_1-.Ltmp2, $4  }
0xd4: {  	[hbm4b:s9+s13] =	stream.strided.scatter [tilespmem:s17], [sflag:$0x3], $0x100, s14, s13, $0x38;
	[tilespmem:$0x10280] =	vst v63  }
0xd5: {  	_ =	swait.ge [sflag:s12], $0x100  }
0xd6: {  	[sflag:s12] =	ssyncset.done $0x0  }
0xd7: {  	[sflag:s12] =	ssyncadd.s32 $0xFFFFFF00  }
0xd8: {  	_ =	sfence.sel $0x180000  }
0xd9: {  	[bflag:$0x0] =	sbarrier.arrive $0xFFFF  }
0xda: {  	p0 =	sne.s32 s1, $0x0;
	_ =	strace $0x9000004A  }
0xdb: {  	s0 =	sadd.s32 @!p0 $0x100000, s0;
	[bflag:$0x2] =	sbarrier.arrive $0xFFFF  }
0xdc: {  	[sflag:s0] =	ssyncadd.tile.s32 @!p0 $0x1;
	_ =	shalt  }
.Lfunc_end2:
_tile_overlayer_lowered:
.L_overlay_start_2:
0xdd: {  	(tag) =	ssettag $0x2  }
0xde: {  	s0 =	rddreg [dreg:$0x0];
	s2 =	stileid.u32  }
0xdf: {  	s1 =	rddreg [dreg:$0x1];
	p0 =	sne.s32 s2, $0x0  }
0xe0: {  	s3 =	rddreg [dreg:$0x2];
	[bflag:$0x3] =	sbarrier.arrive $0xFFFF;
	s2 =	simm.s32 @!p0 $0x1C03  }
0xe1: {  	[timem:s3], [sflag:s2] =	dma.local @!p0 [hbm:s0], s1  }
0xe2: {  	s0 =	simm.s32 @!p0 $0x3  }
0xe3: {  	_ =	swait.ge @!p0 [sflag:s0], s1  }
0xe4: {  	s1 =	ssub.s32 @!p0 $0x0, s1;
	[sflag:s0] =	ssyncset.done @!p0 $0x0  }
0xe5: {  	[sflag:s0] =	ssyncadd.s32 @!p0 s1  }
0xe6: {  	[bflag:$0x3] =	sbarrier.arrive $0xFFFF  }
0xe7: {  	_ =	shalt  }

// kernel: kernel.8.cloned.1.call-start
scs
__scs_entry_jumppad:
0x0: {  	(pc) =	sbr.rel $0x88, $3  }
0x1: {  	(tag) =	ssettag $0x0;
	lr =	simm.s32 $0x1  }
0x2: {  	[smem:$0x3FA0] =	sst lr;
	_ =	strace $0xD0000000  }
0x3: {  	_ = 	snop  }
0x4: {  	_ = 	snop  }
0x5: {  	_ = 	snop  }
0x6: {  	_ = 	snop  }
0x7: {  	_ = 	snop  }
__scs_overlays_trampoline_lowered:
0x8: {  	[smem:$0x3FAF] =	sst s0  }
0x9: {  	[smem:$0x3FB0] =	sst s1  }
0xa: {  	[smem:$0x3FB1] =	sst s2  }
0xb: {  	[smem:$0x3FB2] =	sst s3  }
0xc: {  	[smem:$0x3FB3] =	sst s4  }
0xd: {  	[smem:$0x3FB4] =	sst s5  }
0xe: {  	[smem:$0x3FB5] =	sst s6  }
0xf: {  	[smem:$0x3FB6] =	sst s7  }
0x10: {  	[smem:$0x3FB7] =	sst s8  }
0x11: {  	[smem:$0x3FB8] =	sst s9;
	s0 =	simm.s32 @!p0 $0x0  }
0x12: {  	s1 =	sld [smem:$0x3F9E];
	s0 =	simm.s32 @p0 $0x1  }
0x13: {  	[smem:$0x3FB9] =	sst s0;
	s0 =	simm.s32 @!p1 $0x0  }
0x14: {  	s2 =	sld [smem:$0x3F9D];
	s0 =	simm.s32 @p1 $0x1  }
0x15: {  	[smem:$0x3FBA] =	sst s0;
	s0 =	simm.s32 @!p2 $0x0  }
0x16: {  	s3 =	sld [smem:$0x3FDB];
	s0 =	simm.s32 @p2 $0x1  }
0x17: {  	s4 =	simm.s32 $0x1BF5;
	[smem:$0x3FBC] =	sst s0  }
0x18: {  	s0 =	sld [smem:$0x3F9F];
	_ =	swait.ge [sflag:s4], $0x0  }
0x19: {  	s7 =	sld [smem:$0x3FA0]  }
0x1a: {  	s8 =	sadd.s32 $0xFFFFE003, lr  }
0x1b: {  	s9 =	sadd.s32 $0xFFFFFEF7, lr;
	s5 =	simm.s32 $0xFFFFFFFF;
	p2 =	slt.u32 s8, $0xFFFFF086  }
0x1c: {  	p1 =	slt.u32 s9, $0xF7A;
	s5 =	simm.s32 @!p2 $0x0  }
0x1d: {  	s5 =	simm.s32 @p1 $0x1;
	p0 =	seq.s32 s7, s2  }
0x1e: {  	s7 =	smul.u32 @!p0 $0xF7A, s2;
	p2 =	seq.s32 @!p0 s5, $0x0  }
0x1f: {  	s9 =	smul.u32 $0xF7A, s1;
	s8 =	simm.s32 @!p0 $0x1BF5;
	p2 =	por !p2, p0  }
0x20: {  	[sflag:s8] =	ssyncset.s32 @!p0 $0xFFFFF086;
	s6 =	sadd.s32 @!p0 s3, s7;
	s7 =	simm.s32 @!p0 $0x108  }
0x21: {  	s3 =	sadd.s32 s3, s9;
	s6 =	sadd.s32 @!p0 $0x88, s6;
	s7 =	simm.s32 @p2 $0x1082  }
0x22: {  	[simem:s7], [sflag:s8] =	dma.local @!p0 [hbm:s6], $0xF7A  }
0x23: {  	s9 =	sor.u32 $0xD0000000, s2;
	s6 =	simm.s32 $0x108;
	_ =	swait.ge @!p0 [sflag:s8], $0x0  }
0x24: {  	s3 =	sadd.s32 $0x88, s3;
	s6 =	simm.s32 @!p1 $0x1082;
	[sflag:s4] =	ssyncset.s32 $0xFFFFF086  }
0x25: {  	[simem:s6], [sflag:s4] =	dma.local [hbm:s3], $0xF7A  }
0x26: {  	[smem:$0x3FA0] =	sst s1;
	(tag) =	ssettag s2;
	_ =	strace s9  }
0x27: {  	s1 =	sld [smem:$0x3FB0]  }
0x28: {  	s2 =	sld [smem:$0x3FB1]  }
0x29: {  	s4 =	sld [smem:$0x3FB3]  }
0x2a: {  	p0 =	seq.s32 s5, $0x0;
	s5 =	sld [smem:$0x3FB4]  }
0x2b: {  	s6 =	sld [smem:$0x3FB5]  }
0x2c: {  	s7 =	sld [smem:$0x3FB6]  }
0x2d: {  	s3 =	simm.s32 $0x108;
	s8 =	sld [smem:$0x3FB7]  }
0x2e: {  	s3 =	simm.s32 @!p0 $0x1082;
	s9 =	sld [smem:$0x3FB8]  }
0x2f: {  	lr =	sadd.s32 s0, s3;
	s0 =	sld [smem:$0x3FAF]  }
0x30: {  	s3 =	sld [smem:$0x3FB2]  }
0x31: {  	[smem:$0x3FBB] =	sst s10  }
0x32: {  	s10 =	sld [smem:$0x3FB9];
	_ =	sdelay $0x3  }
0x33: {  	p0 =	seq.s32 s10, $0x1;
	s10 =	sld [smem:$0x3FBB];
	_ =	sdelay $0x3  }
0x34: {  	[smem:$0x3FBB] =	sst s10  }
0x35: {  	s10 =	sld [smem:$0x3FBA];
	_ =	sdelay $0x3  }
0x36: {  	p1 =	seq.s32 s10, $0x1;
	s10 =	sld [smem:$0x3FBB];
	_ =	sdelay $0x3  }
0x37: {  	[smem:$0x3FBB] =	sst s10  }
0x38: {  	s10 =	sld [smem:$0x3FBC]  }
0x39: {  	_ = 	snop;
	(pc) =	sbr.ind lr, $3  }
0x3a: {  	_ = 	snop  }
0x3b: {  	_ = 	snop  }
0x3c: {  	p2 =	seq.s32 s10, $0x1;
	s10 =	sld [smem:$0x3FBB]  }
0x3d: {  	_ =	shalt  }
0x3e: {  	_ =	shalt  }
0x3f: {  	_ =	shalt  }
0x40: {  	_ =	shalt  }
0x41: {  	_ =	shalt  }
0x42: {  	_ =	shalt  }
0x43: {  	_ =	shalt  }
0x44: {  	_ =	shalt  }
0x45: {  	_ =	shalt  }
0x46: {  	_ =	shalt  }
0x47: {  	_ =	shalt  }
0x48: {  	_ =	shalt  }
0x49: {  	_ =	shalt  }
0x4a: {  	_ =	shalt  }
0x4b: {  	_ =	shalt  }
0x4c: {  	_ =	shalt  }
0x4d: {  	_ =	shalt  }
0x4e: {  	_ =	shalt  }
0x4f: {  	_ =	shalt  }
0x50: {  	_ =	shalt  }
0x51: {  	_ =	shalt  }
0x52: {  	_ =	shalt  }
0x53: {  	_ =	shalt  }
0x54: {  	_ =	shalt  }
0x55: {  	_ =	shalt  }
0x56: {  	_ =	shalt  }
0x57: {  	_ =	shalt  }
0x58: {  	_ =	shalt  }
0x59: {  	_ =	shalt  }
0x5a: {  	_ =	shalt  }
0x5b: {  	_ =	shalt  }
0x5c: {  	_ =	shalt  }
0x5d: {  	_ =	shalt  }
0x5e: {  	_ =	shalt  }
0x5f: {  	_ =	shalt  }
0x60: {  	_ =	shalt  }
0x61: {  	_ =	shalt  }
0x62: {  	_ =	shalt  }
0x63: {  	_ =	shalt  }
0x64: {  	_ =	shalt  }
0x65: {  	_ =	shalt  }
0x66: {  	_ =	shalt  }
0x67: {  	_ =	shalt  }
0x68: {  	_ =	shalt  }
0x69: {  	_ =	shalt  }
0x6a: {  	_ =	shalt  }
0x6b: {  	_ =	shalt  }
0x6c: {  	_ =	shalt  }
0x6d: {  	_ =	shalt  }
0x6e: {  	_ =	shalt  }
0x6f: {  	_ =	shalt  }
0x70: {  	_ =	shalt  }
0x71: {  	_ =	shalt  }
0x72: {  	_ =	shalt  }
0x73: {  	_ =	shalt  }
0x74: {  	_ =	shalt  }
0x75: {  	_ =	shalt  }
0x76: {  	_ =	shalt  }
0x77: {  	_ =	shalt  }
0x78: {  	_ =	shalt  }
0x79: {  	_ =	shalt  }
0x7a: {  	_ =	shalt  }
0x7b: {  	_ =	shalt  }
0x7c: {  	_ =	shalt  }
0x7d: {  	_ =	shalt  }
0x7e: {  	_ =	shalt  }
0x7f: {  	_ =	shalt  }
0x80: {  	_ =	shalt  }
0x81: {  	_ =	shalt  }
0x82: {  	_ =	shalt  }
0x83: {  	_ =	shalt  }
0x84: {  	_ =	shalt  }
0x85: {  	_ =	shalt  }
0x86: {  	_ =	shalt  }
0x87: {  	_ =	shalt  }
.Lfunc_end0:
.L_simem_size_0:
called_computation_lowered:
.L_overlay_start_0:
0x88: {  	s2 =	sld [smem:$0x3FD9]  }
0x89: {  	s3 =	sld [smem:$0x3FFE];
	_ =	sdelay $0x1  }
0x8a: {  	s1 =	srdreg.scid  }
0x8b: {  	s0 =	sand.u32 $0x1, s1  }
0x8c: {  	s16 =	sshll.u32 s0, $0xA;
	s2 =	sadd.s32 s3, s2  }
0x8d: {  	s2 =	sadd.s32 s2, s16  }
0x8e: {  	[smem:$0x3FC7] =	sst s2  }
0x8f: {  	_ = 	snop  }
0x90: {  	(tm) =	ssettm $0x1  }
0x91: {  	s17 =	sld [smem:$0x3FFB];
	_ =	sdelay $0x3  }
0x92: {  	_ =	strace s17  }
0x93: {  	s2 =	sld [smem:$0x3FFC];
	_ =	sdelay $0x3  }
0x94: {  	_ =	strace s2  }
0x95: {  	s2 =	sld [smem:$0x3FFD];
	_ =	sdelay $0x3  }
0x96: {  	_ =	strace s2  }
0x97: {  	_ =	strace $0x8FFFFFFF  }
0x98: {  	s18 =	sld [smem:$0x3FDB];
	_ =	sdelay $0x1  }
0x99: {  	s19 =	simm.s32 $_scs_section_size  }
0x9a: {  	s4 =	simm.s32 $_size__tile_overlayer_lowered;
	s5 =	simm.s32 $_tile_overlayer_lowered  }
0x9b: {  	s22 =	simm.s32 $0x1BFF;
	s21 =	sshll.u32 s5, $0x1;
	s2 =	sadd.s32 s19, s18  }
0x9c: {  	s6 =	simm.s32 $0x0;
	s20 =	sshll.u32 s4, $0x1;
	s4 =	sadd.s32 s21, s2  }
0x9d: {  	[timem:s6], [sflag:s22] =	dma.local [hbm:s4], s20  }
0x9e: {  	_ =	swait.ge [sflag:s22], s20  }
0x9f: {  	s3 =	ssub.s32 $0x0, s20;
	[sflag:s22] =	ssyncset.done $0x0  }
0xa0: {  	[sflag:s22] =	ssyncadd.s32 s3;
	_ =	sdelay $0x1  }
0xa1: {  	s23 =	simm.s32 $0x1B8B  }
0xa2: {  	_ =	swait.ge [sflag:s23], $0x1  }
0xa3: {  	[sflag:s23] =	ssyncset.done $0x0  }
0xa4: {  	s25 =	simm.s32 $0x1B8E;
	s24 =	sld [smem:$0x3FFE];
	[sflag:s23] =	ssyncadd.s32 $0xFFFFFFFF  }
0xa5: {  	s26 =	simm.s32 $execute0_lowered;
	[smem:$0x3FD2] =	sst s25  }
0xa6: {  	s4 =	sshll.u32 s26, $0x1;
	_ =	strace $0x80000046;
	[dreg:$0x1] =	wrdreg $0xFFFFFFFF  }
0xa7: {  	s28 =	simm.s32 $_size_execute0_lowered;
	s2 =	sadd.s32 s2, s4;
	[dreg:$0x0] =	wrdreg $0x0  }
0xa8: {  	s4 =	sshll.u32 s28, $0x1;
	[dreg:$0x2] =	wrdreg s2  }
0xa9: {  	[dreg:$0x3] =	wrdreg s4  }
0xaa: {  	[dreg:$0x4] =	wrdreg $0xC0  }
0xab: {  	_ =	task [dreg:s6], $0x5FFFF  }
0xac: {  	[dreg:$0x1] =	wrdreg $0xFFFFFFFF  }
0xad: {  	[dreg:$0x0] =	wrdreg $0x60  }
0xae: {  	[dreg:$0x2] =	wrdreg s24  }
0xaf: {  	[dreg:$0x3] =	wrdreg $0x9  }
0xb0: {  	_ =	task.clear_ibuf [dreg:s6], $0x4FFFF;
	_ =	strace $0x90000046  }
0xb1: {  	s29 =	simm.s32 $0x9;
	_ =	strace $0x80000048  }
0xb2: {  	_ =	swait.ge [sflag:s29], $0x1  }
0xb3: {  	[sflag:s29] =	ssyncadd.s32 $0xFFFFFFFF  }
0xb4: {  	_ =	strace $0x90000048  }
0xb5: {  	_ =	sfence  }
0xb6: {  	s30 =	sld [smem:$0x0];
	_ =	sdelay $0x2  }
0xb7: {  	s31 =	sshll.u32 s1, $0xD;
	s1 =	sshrl.u32 s1, $0x2  }
0xb8: {  	s3 =	sand.u32 $0x4000, s31;
	s1 =	sadd.s32 s1, s30  }
0xb9: {  	s0 =	sor.u32 s3, s0;
	s1 =	sshll.u32 s1, $0x11  }
0xba: {  	s0 =	sor.u32 s1, s0  }
0xbb: {  	s0 =	sadd.s32 $0x8F2B, s0  }
0xbc: {  	[sflag:s0] =	ssyncadd.remote.s32 $0x1  }
0xbd: {  	_ =	sfence.sel $0xFFFF  }
0xbe: {  	[dreg:$0x0] =	wrdreg $0xFFFFFFFF;
	(pc) =	sbr.abs _section_cstart, $3  }
0xbf: {  	[dreg:$0x1] =	wrdreg $0xFFFFFFFF  }
0xc0: {  	_ =	task.clear_ibuf [dreg:s6], $0x2FFFF;
	_ =	strace $0x9FFFFFFF  }
0xc1: {  	(tm) =	ssettm $0x7FFFFFFF  }
tec
execute0_lowered:
.L_overlay_start_1:
0x0: {  	(tag) =	ssettag $0x1  }
0x1: {  	s4 =	rddreg [dreg:$0x0]  }
0x2: {  	s0 =	rddreg [dreg:$0x1];
	s1 =	simm.s32 $0x0  }
0x3: {  	s3 =	srdreg.scid;
	s2 =	stileid.u32;
	s16 =	simm.s32 $0x8000  }
0x4: {  	s17 =	simm.s32 $0x10180;
	s18 =	simm.s32 $0x10080;
	s19 =	simm.s32 $0x2  }
0x5: {  	s20 =	simm.s32 $0x0;
	[smem:$0x7FF] =	sst s1;
	s5 =	sadd.s32 $0x41800, s4  }
0x6: {  	s6 =	sand.u32 $0x1, s3;
	s3 =	sadd.s32 $0x81800, s4;
	s7 =	sshll.u32 s2, $0x2  }
0x7: {  	s9 =	sadd.s32 $0x81A00, s4;
	s10 =	sadd.s32 $0x82200, s4;
	s28 =	sshrl.u32 s2, $0x1  }
0x8: {  	_ =	strace $0x80000047;
	s8 =	sshll.u32 s6, $0x1;
	s26 =	ssub.s32 $0x2, s6  }
0x9: {  	s29 =	sshll.u32 s28, $0x12;
	s6 =	sshll.u32 s28, $0xB;
	s12 =	sor.u32 s8, s7  }
0xa: {  	s11 =	sshrl.u32 s26, $0x1;
	s7 =	sshll.u32 s12, $0x7;
	s15 =	sor.u32 $0x1, s12  }
0xb: {  	s11 =	ssub.s32 s26, s11;
	v0 =	vmov s12;
	s12 =	simm.s32 $0x3;
	s7 =	sand.u32 $0x300, s7  }
0xc: {  	s14 =	sshll.u32 s15, $0x7;
	v1 =	vmov s15;
	s15 =	simm.s32 $0x1;
	s13 =	sor.u32 s29, s7  }
0xd: {  	s31 =	sand.u32 $0x380, s14;
	s7 =	sor.u32 s6, s7;
	s14 =	simm.s32 $0x400  }
0xe: {  	s30 =	sshrl.u32 s13, $0x3;
	s8 =	sor.u32 s29, s31;
	s6 =	sor.u32 s6, s31  }
0xf: {  	s7 =	sshrl.u32 s7, $0x3;
	s4 =	sadd.s32 s5, s30;
	s8 =	sshrl.u32 s8, $0x3  }
0x10: {  	s13 =	sshrl.u32 s6, $0x3;
	s6 =	sadd.s32 s9, s7;
	s7 =	sadd.s32 s10, s7  }
0x11: {  	v2 =	vimm.s32 $0x80000000;
	s5 =	sadd.s32 s5, s8;
	s8 =	sadd.s32 s9, s13;
	s9 =	sadd.s32 s10, s13  }
0x12: {  	v3 =	vimm.s32 $0x0;
	v4 =	vlaneseq.u32;
	v0 =	vbroadcast v0, $0x0;
	s10 =	smax.u32 s11, $0x1;
	s11 =	simm.s32 $0x10000;
	s13 =	simm.s32 $0x80  }
.LBB2_1:
0x13: {  	[tilespmem:s11], [sflag:$0x3] =	stream.linear.gather [hbm4b:s3+s1], $0x80, $0x38;
	[tilespmem:$0x10280] =	vst v63  }
0x14: {  	_ =	swait.ge [sflag:s12], $0x80  }
0x15: {  	[sflag:s12] =	ssyncset.done $0x0  }
0x16: {  	[sflag:s12] =	ssyncadd.s32 $0xFFFFFF80  }
0x17: {  	[tilespmem:s1], [sflag:$0x1] =	stream.strided.gather [hbm4b:s4+s13], $0x8000, s14, s13, $0x38;
	[tilespmem:$0x10280] =	vst v63  }
0x18: {  	_ =	swait.ge [sflag:s15], $0x8000  }
0x19: {  	[sflag:s15] =	ssyncset.done $0x0  }
0x1a: {  	[sflag:s15] =	ssyncadd.s32 $0xFFFF8000  }
0x1b: {  	[tilespmem:s16], [sflag:$0x2] =	stream.strided.gather [hbm4b:s5+s13], $0x8000, s14, s13, $0x38;
	[tilespmem:$0x10280] =	vst v63  }
0x1c: {  	v5 =	vld.idx.msk [tilespmem:v0+s11+$0x0], $0xffff;
	[tilespmem:$0x10080] =	vst v2  }
0x1d: {  	[tilespmem:$0x10090] =	vst v2  }
0x1e: {  	[tilespmem:$0x100A0] =	vst v2  }
0x1f: {  	[tilespmem:$0x100B0] =	vst v2  }
0x20: {  	[tilespmem:$0x100C0] =	vst v2  }
0x21: {  	[tilespmem:$0x100D0] =	vst v2  }
0x22: {  	[tilespmem:$0x100E0] =	vst v2  }
0x23: {  	[tilespmem:$0x100F0] =	vst v2  }
0x24: {  	[tilespmem:$0x10100] =	vst v2  }
0x25: {  	[tilespmem:$0x10110] =	vst v2  }
0x26: {  	[tilespmem:$0x10120] =	vst v2  }
0x27: {  	[tilespmem:$0x10130] =	vst v2  }
0x28: {  	[tilespmem:$0x10140] =	vst v2  }
0x29: {  	[tilespmem:$0x10150] =	vst v2  }
0x2a: {  	[tilespmem:$0x10160] =	vst v2  }
0x2b: {  	s21 =	simm.s32 $0xFFFFFFFC;
	s22 =	simm.s32 $0x20;
	s23 =	simm.s32 $0x0;
	v6 =	vimm.s32 $0x0;
	[tilespmem:$0x10170] =	vst v2  }
.LBB2_2:
0x2c: {  	v7 =	vld [tilespmem:s22+$0xFFFFFFE0];
	_ =	sdelay $0x4  }
0x2d: {  	v8 =	vshra.s32 v7, $0x1F  }
0x2e: {  	v8 =	vand.u32 $0x7FFFFFFF, v8  }
0x2f: {  	v7 =	vxor.u32 v7, v8  }
0x30: {  	vm0 =	vge.s32 v7, v5  }
0x31: {  	v8 =	vsel vm0, $0x1, v3  }
0x32: {  	(xrf0) =	vadd.scan.msk.s32 $0xffff, v8;
	_ =	sdelay $0x5  }
0x33: {  	v8, _, _ =	vpop (xrf0)  }
0x34: {  	v8 =	vadd.s32 v8, v6  }
0x35: {  	v8 =	vadd.s32 $0xFFFFFFFF, v8  }
0x36: {  	vm1 =	vlt.s32 v8, $0xFF  }
0x37: {  	v8 =	vnsel vm1, $0xFF, v8;
	_ =	sdelay $0x3  }
0x38: {  	v9 =	vor.u32 s23, v4  }
0x39: {  	[tilespmem:v8+s17+$0x0] =	vst.idx.msk vm0, v9  }
0x3a: {  	[tilespmem:v8+s18+$0x0] =	vst.idx.msk vm0, v7  }
0x3b: {  	v7 =	vld [tilespmem:s22+$0xFFFFFFF0];
	_ =	sdelay $0x4  }
0x3c: {  	v8 =	vshra.s32 v7, $0x1F  }
0x3d: {  	v8 =	vand.u32 $0x7FFFFFFF, v8  }
0x3e: {  	v7 =	vxor.u32 v7, v8  }
0x3f: {  	vm10 =	vge.s32 v7, v5  }
0x40: {  	v8 =	vsel vm10, $0x1, v3  }
0x41: {  	(xrf0) =	vadd.scan.msk.s32 $0xffff, v8;
	_ =	sdelay $0x1  }
0x42: {  	v8 =	vmpcnt.ones.xlane vm0;
	_ =	sdelay $0x3  }
0x43: {  	v6 =	vadd.s32 v6, v8;
	v8, _, _ =	vpop (xrf0)  }
0x44: {  	v8 =	vadd.s32 v8, v6  }
0x45: {  	v8 =	vadd.s32 $0xFFFFFFFF, v8  }
0x46: {  	vm11 =	vlt.s32 v8, $0xFF  }
0x47: {  	v8 =	vnsel vm11, $0xFF, v8;
	_ =	sdelay $0x2  }
0x48: {  	s24 =	sadd.s32 $0x10, s23  }
0x49: {  	v61 =	vor.u32 s24, v4  }
0x4a: {  	[tilespmem:v8+s17+$0x0] =	vst.idx.msk vm10, v61  }
0x4b: {  	[tilespmem:v8+s18+$0x0] =	vst.idx.msk vm10, v7  }
0x4c: {  	v7 =	vld [tilespmem:s22+$0x0];
	_ =	sdelay $0x4  }
0x4d: {  	v8 =	vshra.s32 v7, $0x1F  }
0x4e: {  	v8 =	vand.u32 $0x7FFFFFFF, v8  }
0x4f: {  	v7 =	vxor.u32 v7, v8  }
0x50: {  	vm12 =	vge.s32 v7, v5  }
0x51: {  	v8 =	vsel vm12, $0x1, v3  }
0x52: {  	(xrf0) =	vadd.scan.msk.s32 $0xffff, v8;
	_ =	sdelay $0x1  }
0x53: {  	v8 =	vmpcnt.ones.xlane vm10;
	_ =	sdelay $0x3  }
0x54: {  	v6 =	vadd.s32 v6, v8;
	v8, _, _ =	vpop (xrf0)  }
0x55: {  	v8 =	vadd.s32 v8, v6  }
0x56: {  	v8 =	vadd.s32 $0xFFFFFFFF, v8  }
0x57: {  	vm13 =	vlt.s32 v8, $0xFF  }
0x58: {  	v8 =	vnsel vm13, $0xFF, v8;
	_ =	sdelay $0x2  }
0x59: {  	s30 =	sadd.s32 $0x20, s23  }
0x5a: {  	v62 =	vor.u32 s30, v4  }
0x5b: {  	[tilespmem:v8+s17+$0x0] =	vst.idx.msk vm12, v62  }
0x5c: {  	[tilespmem:v8+s18+$0x0] =	vst.idx.msk vm12, v7  }
0x5d: {  	v7 =	vld [tilespmem:s22+$0x10];
	_ =	sdelay $0x4  }
0x5e: {  	v8 =	vshra.s32 v7, $0x1F  }
0x5f: {  	v8 =	vand.u32 $0x7FFFFFFF, v8  }
0x60: {  	v7 =	vxor.u32 v7, v8  }
0x61: {  	vm14 =	vge.s32 v7, v5  }
0x62: {  	v8 =	vsel vm14, $0x1, v3  }
0x63: {  	(xrf0) =	vadd.scan.msk.s32 $0xffff, v8;
	_ =	sdelay $0x1  }
0x64: {  	v8 =	vmpcnt.ones.xlane vm12;
	_ =	sdelay $0x3  }
0x65: {  	v6 =	vadd.s32 v6, v8;
	v8, _, _ =	vpop (xrf0)  }
0x66: {  	v8 =	vadd.s32 v8, v6  }
0x67: {  	v8 =	vadd.s32 $0xFFFFFFFF, v8  }
0x68: {  	vm15 =	vlt.s32 v8, $0xFF  }
0x69: {  	s21 =	sadd.s32 $0x4, s21;
	v8 =	vnsel vm15, $0xFF, v8  }
0x6a: {  	p0 =	slt.u32 s21, $0x7FC  }
.Ltmp0:
0x6b: {  	_ = 	snop;
	(pc) =	sbr.rel @p0 .LBB2_2-.Ltmp0, $4  }
0x6c: {  	s31 =	sadd.s32 $0x30, s23  }
0x6d: {  	v63 =	vor.u32 s31, v4;
	v10 =	vmpcnt.ones.xlane vm14  }
0x6e: {  	[tilespmem:v8+s17+$0x0] =	vst.idx.msk vm14, v63  }
0x6f: {  	s23 =	sadd.s32 $0x40, s23;
	s22 =	sadd.s32 $0x40, s22;
	v6 =	vadd.s32 v6, v10;
	[tilespmem:v8+s18+$0x0] =	vst.idx.msk vm14, v7  }
0x70: {  	[hbm4b:s6+s13] =	stream.strided.scatter [tilespmem:s18], [sflag:$0x3], $0x100, s14, s13, $0x38;
	[tilespmem:$0x10280] =	vst v63  }
0x71: {  	_ =	swait.ge [sflag:s12], $0x100  }
0x72: {  	[sflag:s12] =	ssyncset.done $0x0  }
0x73: {  	[sflag:s12] =	ssyncadd.s32 $0xFFFFFF00  }
0x74: {  	[hbm4b:s7+s13] =	stream.strided.scatter [tilespmem:s17], [sflag:$0x3], $0x100, s14, s13, $0x38;
	[tilespmem:$0x10280] =	vst v63  }
0x75: {  	_ =	swait.ge [sflag:s12], $0x100  }
0x76: {  	[sflag:s12] =	ssyncset.done $0x0  }
0x77: {  	[sflag:s12] =	ssyncadd.s32 $0xFFFFFF00  }
0x78: {  	_ =	swait.ge [sflag:s19], $0x8000  }
0x79: {  	[sflag:s19] =	ssyncset.done $0x0  }
0x7a: {  	[sflag:s19] =	ssyncadd.s32 $0xFFFF8000  }
0x7b: {  	v5 =	vld.idx.msk [tilespmem:v1+s11+$0x0], $0xffff;
	[tilespmem:$0x10080] =	vst v2  }
0x7c: {  	[tilespmem:$0x10090] =	vst v2  }
0x7d: {  	[tilespmem:$0x100A0] =	vst v2  }
0x7e: {  	[tilespmem:$0x100B0] =	vst v2  }
0x7f: {  	[tilespmem:$0x100C0] =	vst v2  }
0x80: {  	[tilespmem:$0x100D0] =	vst v2  }
0x81: {  	[tilespmem:$0x100E0] =	vst v2  }
0x82: {  	[tilespmem:$0x100F0] =	vst v2  }
0x83: {  	[tilespmem:$0x10100] =	vst v2  }
0x84: {  	[tilespmem:$0x10110] =	vst v2  }
0x85: {  	[tilespmem:$0x10120] =	vst v2  }
0x86: {  	[tilespmem:$0x10130] =	vst v2  }
0x87: {  	[tilespmem:$0x10140] =	vst v2  }
0x88: {  	[tilespmem:$0x10150] =	vst v2  }
0x89: {  	[tilespmem:$0x10160] =	vst v2  }
0x8a: {  	v6 =	vimm.s32 $0x0;
	s21 =	simm.s32 $0xFFFFFFFC;
	s22 =	simm.s32 $0x0;
	s23 =	simm.s32 $0x8020;
	[tilespmem:$0x10170] =	vst v2  }
.LBB2_4:
0x8b: {  	v7 =	vld [tilespmem:s23+$0xFFFFFFE0];
	_ =	sdelay $0x4  }
0x8c: {  	v8 =	vshra.s32 v7, $0x1F  }
0x8d: {  	v8 =	vand.u32 $0x7FFFFFFF, v8  }
0x8e: {  	v7 =	vxor.u32 v7, v8  }
0x8f: {  	vm0 =	vge.s32 v7, v5  }
0x90: {  	v8 =	vsel vm0, $0x1, v3  }
0x91: {  	(xrf0) =	vadd.scan.msk.s32 $0xffff, v8;
	_ =	sdelay $0x5  }
0x92: {  	v8, _, _ =	vpop (xrf0)  }
0x93: {  	v8 =	vadd.s32 v8, v6  }
0x94: {  	v8 =	vadd.s32 $0xFFFFFFFF, v8  }
0x95: {  	vm1 =	vlt.s32 v8, $0xFF  }
0x96: {  	v8 =	vnsel vm1, $0xFF, v8;
	_ =	sdelay $0x3  }
0x97: {  	v9 =	vor.u32 s22, v4  }
0x98: {  	[tilespmem:v8+s17+$0x0] =	vst.idx.msk vm0, v9  }
0x99: {  	[tilespmem:v8+s18+$0x0] =	vst.idx.msk vm0, v7  }
0x9a: {  	v7 =	vld [tilespmem:s23+$0xFFFFFFF0];
	_ =	sdelay $0x4  }
0x9b: {  	v8 =	vshra.s32 v7, $0x1F  }
0x9c: {  	v8 =	vand.u32 $0x7FFFFFFF, v8  }
0x9d: {  	v7 =	vxor.u32 v7, v8  }
0x9e: {  	vm10 =	vge.s32 v7, v5  }
0x9f: {  	v8 =	vsel vm10, $0x1, v3  }
0xa0: {  	(xrf0) =	vadd.scan.msk.s32 $0xffff, v8;
	_ =	sdelay $0x1  }
0xa1: {  	v8 =	vmpcnt.ones.xlane vm0;
	_ =	sdelay $0x3  }
0xa2: {  	v6 =	vadd.s32 v6, v8;
	v8, _, _ =	vpop (xrf0)  }
0xa3: {  	v8 =	vadd.s32 v8, v6  }
0xa4: {  	v8 =	vadd.s32 $0xFFFFFFFF, v8  }
0xa5: {  	vm11 =	vlt.s32 v8, $0xFF  }
0xa6: {  	v8 =	vnsel vm11, $0xFF, v8;
	_ =	sdelay $0x2  }
0xa7: {  	s24 =	sadd.s32 $0x10, s22  }
0xa8: {  	v61 =	vor.u32 s24, v4  }
0xa9: {  	[tilespmem:v8+s17+$0x0] =	vst.idx.msk vm10, v61  }
0xaa: {  	[tilespmem:v8+s18+$0x0] =	vst.idx.msk vm10, v7  }
0xab: {  	v7 =	vld [tilespmem:s23+$0x0];
	_ =	sdelay $0x4  }
0xac: {  	v8 =	vshra.s32 v7, $0x1F  }
0xad: {  	v8 =	vand.u32 $0x7FFFFFFF, v8  }
0xae: {  	v7 =	vxor.u32 v7, v8  }
0xaf: {  	vm12 =	vge.s32 v7, v5  }
0xb0: {  	v8 =	vsel vm12, $0x1, v3  }
0xb1: {  	(xrf0) =	vadd.scan.msk.s32 $0xffff, v8;
	_ =	sdelay $0x1  }
0xb2: {  	v8 =	vmpcnt.ones.xlane vm10;
	_ =	sdelay $0x3  }
0xb3: {  	v6 =	vadd.s32 v6, v8;
	v8, _, _ =	vpop (xrf0)  }
0xb4: {  	v8 =	vadd.s32 v8, v6  }
0xb5: {  	v8 =	vadd.s32 $0xFFFFFFFF, v8  }
0xb6: {  	vm13 =	vlt.s32 v8, $0xFF  }
0xb7: {  	v8 =	vnsel vm13, $0xFF, v8;
	_ =	sdelay $0x2  }
0xb8: {  	s30 =	sadd.s32 $0x20, s22  }
0xb9: {  	v62 =	vor.u32 s30, v4  }
0xba: {  	[tilespmem:v8+s17+$0x0] =	vst.idx.msk vm12, v62  }
0xbb: {  	[tilespmem:v8+s18+$0x0] =	vst.idx.msk vm12, v7  }
0xbc: {  	v7 =	vld [tilespmem:s23+$0x10];
	_ =	sdelay $0x4  }
0xbd: {  	v8 =	vshra.s32 v7, $0x1F  }
0xbe: {  	v8 =	vand.u32 $0x7FFFFFFF, v8  }
0xbf: {  	v7 =	vxor.u32 v7, v8  }
0xc0: {  	vm14 =	vge.s32 v7, v5  }
0xc1: {  	v8 =	vsel vm14, $0x1, v3  }
0xc2: {  	(xrf0) =	vadd.scan.msk.s32 $0xffff, v8;
	_ =	sdelay $0x1  }
0xc3: {  	v8 =	vmpcnt.ones.xlane vm12;
	_ =	sdelay $0x3  }
0xc4: {  	v6 =	vadd.s32 v6, v8;
	v8, _, _ =	vpop (xrf0)  }
0xc5: {  	v8 =	vadd.s32 v8, v6  }
0xc6: {  	v8 =	vadd.s32 $0xFFFFFFFF, v8  }
0xc7: {  	vm15 =	vlt.s32 v8, $0xFF  }
0xc8: {  	s21 =	sadd.s32 $0x4, s21;
	v8 =	vnsel vm15, $0xFF, v8  }
0xc9: {  	p0 =	slt.u32 s21, $0x7FC  }
.Ltmp1:
0xca: {  	_ = 	snop;
	(pc) =	sbr.rel @p0 .LBB2_4-.Ltmp1, $4  }
0xcb: {  	s31 =	sadd.s32 $0x30, s22  }
0xcc: {  	v63 =	vor.u32 s31, v4;
	v10 =	vmpcnt.ones.xlane vm14  }
0xcd: {  	[tilespmem:v8+s17+$0x0] =	vst.idx.msk vm14, v63  }
0xce: {  	s22 =	sadd.s32 $0x40, s22;
	s23 =	sadd.s32 $0x40, s23;
	v6 =	vadd.s32 v6, v10;
	[tilespmem:v8+s18+$0x0] =	vst.idx.msk vm14, v7  }
0xcf: {  	[hbm4b:s8+s13] =	stream.strided.scatter [tilespmem:s18], [sflag:$0x3], $0x100, s14, s13, $0x38;
	[tilespmem:$0x10280] =	vst v63  }
0xd0: {  	s20 =	sadd.s32 $0x1, s20;
	_ =	swait.ge [sflag:s12], $0x100  }
0xd1: {  	p0 =	sne.s32 s20, s10;
	[sflag:s12] =	ssyncset.done $0x0  }
.Ltmp2:
0xd2: {  	[sflag:s12] =	ssyncadd.s32 $0xFFFFFF00;
	(pc) =	sbr.rel @p0 .LBB2_1-.Ltmp2, $4  }
0xd3: {  	[hbm4b:s9+s13] =	stream.strided.scatter [tilespmem:s17], [sflag:$0x3], $0x100, s14, s13, $0x38;
	[tilespmem:$0x10280] =	vst v63  }
0xd4: {  	_ =	swait.ge [sflag:s12], $0x100  }
0xd5: {  	[sflag:s12] =	ssyncset.done $0x0  }
0xd6: {  	[sflag:s12] =	ssyncadd.s32 $0xFFFFFF00  }
0xd7: {  	_ =	sfence.sel $0x180000  }
0xd8: {  	[bflag:$0x0] =	sbarrier.arrive $0xFFFF  }
0xd9: {  	p0 =	sne.s32 s2, $0x0;
	_ =	strace $0x90000047  }
0xda: {  	s0 =	sadd.s32 @!p0 $0x100000, s0;
	[bflag:$0x2] =	sbarrier.arrive $0xFFFF  }
0xdb: {  	[sflag:s0] =	ssyncadd.tile.s32 @!p0 $0x1;
	_ =	shalt  }
.Lfunc_end2:
_tile_overlayer_lowered:
.L_overlay_start_2:
0xdc: {  	(tag) =	ssettag $0x2  }
0xdd: {  	s0 =	rddreg [dreg:$0x0];
	s2 =	stileid.u32  }
0xde: {  	s1 =	rddreg [dreg:$0x1];
	p0 =	sne.s32 s2, $0x0  }
0xdf: {  	s3 =	rddreg [dreg:$0x2];
	[bflag:$0x3] =	sbarrier.arrive $0xFFFF;
	s2 =	simm.s32 @!p0 $0x1C03  }
0xe0: {  	[timem:s3], [sflag:s2] =	dma.local @!p0 [hbm:s0], s1  }
0xe1: {  	s0 =	simm.s32 @!p0 $0x3  }
0xe2: {  	_ =	swait.ge @!p0 [sflag:s0], s1  }
0xe3: {  	s1 =	ssub.s32 @!p0 $0x0, s1;
	[sflag:s0] =	ssyncset.done @!p0 $0x0  }
0xe4: {  	[sflag:s0] =	ssyncadd.s32 @!p0 s1  }
0xe5: {  	[bflag:$0x3] =	sbarrier.arrive $0xFFFF  }
0xe6: {  	_ =	shalt  }

</sc_bundles>
